<compile_context>
chip_gen: v7x
topology: tpu7x:2x2x1
jax: 0.10.2.dev20260603
libtpu: 0.0.44.dev20260713+nightly
codegen_flags: <defaults>
</compile_context>

<pallas_src>
import functools

import jax
import jax.numpy as jnp
from jax import lax
from jax.experimental import pallas as pl
from jax.experimental.pallas import tpu as pltpu
from jax.experimental.pallas import tpu_sc as plsc

NC = 2
NS = 16
NW = NC * NS

_EB = 80



_KG = 5


def _sc_counts(dst3, np_pad):
    nw, nit, eb = dst3.shape
    rs = np_pad // NS
    ngrp = nit // _KG
    mesh = plsc.VectorSubcoreMesh(core_axis_name="c", subcore_axis_name="s")

    @functools.partial(
        pl.kernel,
        mesh=mesh,
        out_type=jax.ShapeDtypeStruct((NC, np_pad), jnp.float32),
        scratch_types=[
            pltpu.VMEM((nit, eb), jnp.int32),
            pltpu.VMEM((eb,), jnp.float32),
            pltpu.VMEM((rs,), jnp.float32),
            pltpu.VMEM_SHARED((np_pad,), jnp.float32),
            [pltpu.SemaphoreType.DMA for _ in range(_KG)],
        ],
    )
    def k(dst_hbm, out_hbm, idx_v, ones_v, zbuf_v, acc_sh, sems):
        c = lax.axis_index("c")
        s = lax.axis_index("s")
        w = s * NC + c
        zero16 = jnp.zeros((16,), jnp.float32)
        one16 = jnp.ones((16,), jnp.float32)

        def fill_z(i, carry):
            zbuf_v[pl.ds(i * 16, 16)] = zero16
            return carry

        lax.fori_loop(0, rs // 16, fill_z, 0)

        def fill_o(i, carry):
            ones_v[pl.ds(i * 16, 16)] = one16
            return carry

        lax.fori_loop(0, eb // 16, fill_o, 0)
        pltpu.sync_copy(dst_hbm.at[w], idx_v)
        pltpu.sync_copy(zbuf_v, acc_sh.at[pl.ds(s * rs, rs)])
        plsc.subcore_barrier()

        for b in range(_KG):
            pltpu.async_copy(ones_v, acc_sh.at[idx_v.at[b]], sems[b],
                             add=True)

        def grp(i, carry):
            for b in range(_KG):
                j = i * _KG + b
                pltpu.make_async_copy(ones_v, acc_sh.at[idx_v.at[j]],
                                      sems[b]).wait()
                pltpu.async_copy(ones_v, acc_sh.at[idx_v.at[j + _KG]],
                                 sems[b], add=True)
            return carry

        lax.fori_loop(0, ngrp - 1, grp, 0)
        for b in range(_KG):
            j = (ngrp - 1) * _KG + b
            pltpu.make_async_copy(ones_v, acc_sh.at[idx_v.at[j]],
                                  sems[b]).wait()
        plsc.subcore_barrier()
        pltpu.sync_copy(acc_sh.at[pl.ds(s * rs, rs)], zbuf_v)
        pltpu.sync_copy(zbuf_v, out_hbm.at[c, pl.ds(s * rs, rs)])

    return k(dst3)


def _sc_agg(g, src3, dst3, np_pad):
    n, f = g.shape
    nw, nit, eb = src3.shape
    rs = np_pad // NS
    zb = 32
    mesh = plsc.VectorSubcoreMesh(core_axis_name="c", subcore_axis_name="s")

    @functools.partial(
        pl.kernel,
        mesh=mesh,
        out_type=jax.ShapeDtypeStruct((NC, np_pad, f), jnp.float32),
        scratch_types=[
            pltpu.VMEM((nit, eb), jnp.int32),
            pltpu.VMEM((nit, eb), jnp.int32),
            pltpu.VMEM((eb, f), jnp.float32),
            pltpu.VMEM((zb, f), jnp.float32),
            pltpu.VMEM_SHARED((np_pad, f), jnp.float32),
            pltpu.SemaphoreType.DMA,
        ],
    )
    def k(g_hbm, src_hbm, dst_hbm, out_hbm, sidx_v, didx_v, rows_v, zbuf_v,
          acc_sh, sem):
        c = lax.axis_index("c")
        s = lax.axis_index("s")
        w = s * NC + c
        zero16 = jnp.zeros((16,), jnp.float32)
        lanes = f // 16

        pltpu.sync_copy(src_hbm.at[w], sidx_v)
        pltpu.sync_copy(dst_hbm.at[w], didx_v)

        def fill_z(j, carry):
            zbuf_v[j // lanes, pl.ds((j % lanes) * 16, 16)] = zero16
            return carry

        lax.fori_loop(0, zb * lanes, fill_z, 0)

        def zero_chunk(j, carry):
            pltpu.sync_copy(zbuf_v, acc_sh.at[pl.ds(s * rs + j * zb, zb)])
            return carry

        lax.fori_loop(0, rs // zb, zero_chunk, 0)
        plsc.subcore_barrier()

        def body(j, carry):
            pltpu.async_copy(g_hbm.at[sidx_v.at[j]], rows_v, sem)
            pltpu.make_async_copy(g_hbm.at[sidx_v.at[j]], rows_v, sem).wait()
            pltpu.sync_copy(rows_v, acc_sh.at[didx_v.at[j]], add=True)
            return carry

        lax.fori_loop(0, nit, body, 0)
        plsc.subcore_barrier()

        def writeout(j, carry):
            pltpu.sync_copy(acc_sh.at[pl.ds(s * rs + j * zb, zb)], zbuf_v)
            pltpu.sync_copy(zbuf_v, out_hbm.at[c, pl.ds(s * rs + j * zb, zb)])
            return carry

        lax.fori_loop(0, rs // zb, writeout, 0)

    return k(g, src3, dst3)



def _fkan_body(xb, lng, lnb, swp_ref, bwt, bb, gvals, inv_denom):
    mu = jnp.mean(xb, axis=1, keepdims=True)
    xc = xb - mu
    var = jnp.mean(xc * xc, axis=1, keepdims=True)
    xn = xc * lax.rsqrt(var + 1e-5) * lng + lnb
    acc = jnp.dot(jax.nn.silu(xb), bwt, preferred_element_type=jnp.float32)
    for gi, gv in enumerate(gvals):
        t = (xn - gv) * inv_denom
        acc = acc + jnp.dot(jnp.exp(-t * t), swp_ref[gi],
                            preferred_element_type=jnp.float32)
    return acc + bb


def _tc_fkan0(x, cnt3, lng, lnb, swp, bwt, bb, gvals, inv_denom, bm):
    n, d = x.shape
    h = bwt.shape[1]
    nb = n // bm

    def body(x_ref, cnt_ref, lng_ref, lnb_ref, swp_ref, bwt_ref, bb_ref,
             g_ref, dinv_ref):
        deg = cnt_ref[0] + cnt_ref[1] + 1.0
        dinv = lax.rsqrt(deg)
        hval = _fkan_body(x_ref[...], lng_ref[...], lnb_ref[...], swp_ref,
                          bwt_ref[...], bb_ref[...], gvals, inv_denom)
        g_ref[...] = dinv * hval
        dinv_ref[...] = dinv

    return pl.pallas_call(
        body,
        grid=(nb,),
        in_specs=[
            pl.BlockSpec((bm, d), lambda i: (i, 0)),
            pl.BlockSpec((2, bm, 1), lambda i: (0, i, 0)),
            pl.BlockSpec((1, d), lambda i: (0, 0)),
            pl.BlockSpec((1, d), lambda i: (0, 0)),
            pl.BlockSpec(swp.shape, lambda i: (0, 0, 0)),
            pl.BlockSpec((d, h), lambda i: (0, 0)),
            pl.BlockSpec((1, h), lambda i: (0, 0)),
        ],
        out_specs=[
            pl.BlockSpec((bm, h), lambda i: (i, 0)),
            pl.BlockSpec((bm, 1), lambda i: (i, 0)),
        ],
        out_shape=[
            jax.ShapeDtypeStruct((n, h), jnp.float32),
            jax.ShapeDtypeStruct((n, 1), jnp.float32),
        ],
    )(x, cnt3, lng, lnb, swp, bwt, bb)


def _tc_post_fkan(p, g0, dinv, gbias, lng, lnb, swp, bwt, bb, gvals,
                  inv_denom, bm):
    n, h = g0.shape
    np_pad = p.shape[1]
    h2 = bwt.shape[1]
    nb = n // bm

    def body(p_ref, g0_ref, dinv_ref, gb_ref, lng_ref, lnb_ref, swp_ref,
             bwt_ref, bb_ref, g1_ref):
        dinv = dinv_ref[...]
        a = dinv * (p_ref[0] + p_ref[1] + g0_ref[...]) + gb_ref[...]
        a = jax.nn.silu(a)
        hval = _fkan_body(a, lng_ref[...], lnb_ref[...], swp_ref,
                          bwt_ref[...], bb_ref[...], gvals, inv_denom)
        g1_ref[...] = dinv * hval

    return pl.pallas_call(
        body,
        grid=(nb,),
        in_specs=[
            pl.BlockSpec((2, bm, h), lambda i: (0, i, 0)),
            pl.BlockSpec((bm, h), lambda i: (i, 0)),
            pl.BlockSpec((bm, 1), lambda i: (i, 0)),
            pl.BlockSpec((1, h), lambda i: (0, 0)),
            pl.BlockSpec((1, h), lambda i: (0, 0)),
            pl.BlockSpec((1, h), lambda i: (0, 0)),
            pl.BlockSpec(swp.shape, lambda i: (0, 0, 0)),
            pl.BlockSpec((h, h2), lambda i: (0, 0)),
            pl.BlockSpec((1, h2), lambda i: (0, 0)),
        ],
        out_specs=pl.BlockSpec((bm, h2), lambda i: (i, 0)),
        out_shape=jax.ShapeDtypeStruct((n, h2), jnp.float32),
    )(p, g0, dinv, gbias, lng, lnb, swp, bwt, bb)


def _tc_post_pool(p, g1, dinv, gbias, bm):
    n, h = g1.shape
    nb = n // bm
    inv_n = 1.0 / n

    def body(p_ref, g1_ref, dinv_ref, gb_ref, out_ref):
        i = pl.program_id(0)
        a = dinv_ref[...] * (p_ref[0] + p_ref[1] + g1_ref[...]) + gb_ref[...]
        z = jax.nn.silu(a)
        colsum = jnp.sum(z, axis=0, keepdims=True)

        @pl.when(i == 0)
        def _():
            out_ref[...] = jnp.zeros_like(out_ref)

        out_ref[...] += colsum

        @pl.when(i == nb - 1)
        def _():
            out_ref[...] *= inv_n

    return pl.pallas_call(
        body,
        grid=(nb,),
        in_specs=[
            pl.BlockSpec((2, bm, h), lambda i: (0, i, 0)),
            pl.BlockSpec((bm, h), lambda i: (i, 0)),
            pl.BlockSpec((bm, 1), lambda i: (i, 0)),
            pl.BlockSpec((1, h), lambda i: (0, 0)),
        ],
        out_specs=pl.BlockSpec((1, h), lambda i: (0, 0)),
        out_shape=jax.ShapeDtypeStruct((1, h), jnp.float32),
    )(p, g1, dinv, gbias)


def _tc_head(pooled, lng, lnb, swp, bwt, bb, c_real, gvals, inv_denom):
    h = pooled.shape[1]
    cp = bwt.shape[1]

    def body(x_ref, lng_ref, lnb_ref, swp_ref, bwt_ref, bb_ref, out_ref):
        y = _fkan_body(x_ref[...], lng_ref[...], lnb_ref[...], swp_ref,
                       bwt_ref[...], bb_ref[...], gvals, inv_denom)
        col = lax.broadcasted_iota(jnp.int32, (1, cp), 1)
        mask = col < c_real
        ymask = jnp.where(mask, y, -1e30)
        m = jnp.max(ymask, axis=1, keepdims=True)
        ez = jnp.where(mask, jnp.exp(y - m), 0.0)
        lse = jnp.log(jnp.sum(ez, axis=1, keepdims=True)) + m
        out_ref[...] = y - lse

    return pl.pallas_call(
        body,
        in_specs=[
            pl.BlockSpec((1, h), lambda: (0, 0)),
            pl.BlockSpec((1, h), lambda: (0, 0)),
            pl.BlockSpec((1, h), lambda: (0, 0)),
            pl.BlockSpec(swp.shape, lambda: (0, 0, 0)),
            pl.BlockSpec((h, cp), lambda: (0, 0)),
            pl.BlockSpec((1, cp), lambda: (0, 0)),
        ],
        out_specs=pl.BlockSpec((1, cp), lambda: (0, 0)),
        out_shape=jax.ShapeDtypeStruct((1, cp), jnp.float32),
    )(pooled, lng, lnb, swp, bwt, bb)



def _perm_spline(sw, d_in, g):
    return jnp.transpose(jnp.reshape(jnp.transpose(sw), (d_in, g, -1)),
                         (1, 0, 2))


def kernel(x, edge_index, batch, ln_g0, ln_b0, sw0, bw0, bb0, gb0,
           ln_g1, ln_b1, sw1, bw1, bb1, gb1, ln_gr, ln_br, swr, bwr, bbr):
    n, d = x.shape
    h = bw0.shape[0]
    c = swr.shape[0]
    g = sw0.shape[1] // d
    gvals = [-2.0 + 4.0 * i / (g - 1) for i in range(g)]
    inv_denom = (g - 1) / 4.0
    np_pad = ((n + NS * 64 - 1) // (NS * 64)) * (NS * 64)
    bm = 1000

    dst_c = jnp.reshape(edge_index[1], (NW, -1, _EB))
    eba = 125
    src = jnp.reshape(edge_index[0], (NW, -1, eba))
    dst = jnp.reshape(edge_index[1], (NW, -1, eba))

    row = lambda v: jnp.reshape(v, (1, -1))
    swp0 = _perm_spline(sw0, d, g)
    swp1 = _perm_spline(sw1, h, g)
    cp = 128
    swpr = jnp.zeros((g, h, cp), jnp.float32).at[:, :, :c].set(
        _perm_spline(swr, h, g))
    bwtr = jnp.zeros((h, cp), jnp.float32).at[:, :c].set(jnp.transpose(bwr))
    bbr_p = jnp.zeros((1, cp), jnp.float32).at[0, :c].set(bbr)

    cnt = _sc_counts(dst_c, np_pad)
    cnt3 = jnp.reshape(cnt, (NC, np_pad, 1))

    g0, dinv = _tc_fkan0(x, cnt3, row(ln_g0), row(ln_b0), swp0,
                         jnp.transpose(bw0), row(bb0), gvals, inv_denom, bm)
    p0 = _sc_agg(g0, src, dst, np_pad)
    g1 = _tc_post_fkan(p0, g0, dinv, row(gb0), row(ln_g1), row(ln_b1), swp1,
                       jnp.transpose(bw1), row(bb1), gvals, inv_denom, bm)
    p1 = _sc_agg(g1, src, dst, np_pad)
    pooled = _tc_post_pool(p1, g1, dinv, row(gb1), bm)
    out = _tc_head(pooled, row(ln_gr), row(ln_br), swpr, bwtr, bbr_p, c,
                   gvals, inv_denom)
    return out[:, :c]

# --- scband reference (transcript-rebuilt; emitter-appended) ---
"""Pipeline reference for scband-fastkagcn-6640019439798 (READ-ONLY COPY).

The authoritative reference and input builder live on the scoring server;
editing this copy changes nothing except your own understanding.
"""

import jax, jax.numpy as jnp
import numpy as np

N = 10000
E = 320000
D = 128
H = 128
C = 40
G = 4

def setup_inputs(seed: int = 0):
    key = jax.random.key(seed)
    ks = jax.random.split(key, 10)
    inp = {}
    inp["x"] = jax.random.normal(ks[0], (N, D), dtype=jnp.float32)
    inp["edge_index"] = jax.random.randint(ks[1], (2, E), 0, N, dtype=jnp.int32)
    inp["batch"] = jnp.zeros((N,), dtype=jnp.int32)
    inp["ln_g0"] = jnp.ones((D,), dtype=jnp.float32)
    inp["ln_b0"] = jnp.zeros((D,), dtype=jnp.float32)
    inp["sw0"] = jax.random.normal(ks[2], (H, D * G), dtype=jnp.float32) * (0.1 / np.sqrt(D * G))
    inp["bw0"] = jax.random.normal(ks[3], (H, D), dtype=jnp.float32) * (1.0 / np.sqrt(D))
    inp["bb0"] = jnp.zeros((H,), dtype=jnp.float32)
    inp["gb0"] = jnp.zeros((H,), dtype=jnp.float32)
    inp["ln_g1"] = jnp.ones((H,), dtype=jnp.float32)
    inp["ln_b1"] = jnp.zeros((H,), dtype=jnp.float32)
    inp["sw1"] = jax.random.normal(ks[4], (H, H * G), dtype=jnp.float32) * (0.1 / np.sqrt(H * G))
    inp["bw1"] = jax.random.normal(ks[5], (H, H), dtype=jnp.float32) * (1.0 / np.sqrt(H))
    inp["bb1"] = jnp.zeros((H,), dtype=jnp.float32)
    inp["gb1"] = jnp.zeros((H,), dtype=jnp.float32)
    inp["ln_gr"] = jnp.ones((H,), dtype=jnp.float32)
    inp["ln_br"] = jnp.zeros((H,), dtype=jnp.float32)
    inp["swr"] = jax.random.normal(ks[6], (C, H * G), dtype=jnp.float32) * (0.1 / np.sqrt(H * G))
    inp["bwr"] = jax.random.normal(ks[7], (C, H), dtype=jnp.float32) * (1.0 / np.sqrt(H))
    inp["bbr"] = jnp.zeros((C,), dtype=jnp.float32)
    return inp

def _fkan(x, ln_g, ln_b, sw, bw, bb):
    # FastKANLayer: layernorm -> gaussian RBF basis -> spline linear (no bias) + base silu linear
    mu = jnp.mean(x, axis=-1, keepdims=True)
    var = jnp.mean((x - mu) ** 2, axis=-1, keepdims=True)
    xn = (x - mu) / jnp.sqrt(var + 1e-5) * ln_g + ln_b
    grid = jnp.linspace(-2.0, 2.0, G)
    denom = 4.0 / (G - 1)
    basis = jnp.exp(-(((xn[..., None] - grid) / denom) ** 2))
    ret = basis.reshape(xn.shape[0], -1) @ sw.T
    return ret + jax.nn.silu(x) @ bw.T + bb

def _gcn(x, edge_index, ln_g, ln_b, sw, bw, bb, gbias):
    # GCNConv with FKANLayer as the feature transform: transform, add self-loops,
    # symmetric deg normalization, scatter-add aggregation, output bias.
    n = x.shape[0]
    h = _fkan(x, ln_g, ln_b, sw, bw, bb)
    loop = jnp.arange(n, dtype=edge_index.dtype)
    src = jnp.concatenate([edge_index[0], loop])
    dst = jnp.concatenate([edge_index[1], loop])
    deg = jnp.zeros((n,), dtype=h.dtype).at[dst].add(1.0)
    dinv = jnp.where(deg > 0, deg ** -0.5, 0.0)
    norm = dinv[src] * dinv[dst]
    out = jnp.zeros_like(h).at[dst].add(norm[:, None] * h[src])
    return out + gbias

def reference(x, edge_index, batch, ln_g0, ln_b0, sw0, bw0, bb0, gb0, ln_g1, ln_b1, sw1, bw1, bb1, gb1, ln_gr, ln_br, swr, bwr, bbr):
    h = _gcn(x, edge_index, ln_g0, ln_b0, sw0, bw0, bb0, gb0)
    h = jax.nn.silu(h)  # dropout is identity in eval mode
    h = _gcn(h, edge_index, ln_g1, ln_b1, sw1, bw1, bb1, gb1)
    h = jax.nn.silu(h)
    counts = jax.ops.segment_sum(jnp.ones((h.shape[0],), dtype=h.dtype), batch, num_segments=1)
    pooled = jax.ops.segment_sum(h, batch, num_segments=1) / jnp.clip(counts, 1.0)[:, None]
    out = _fkan(pooled, ln_gr, ln_br, swr, bwr, bbr)
    return jax.nn.log_softmax(out, axis=1)

if __name__ == "__main__":
    import jax
    _d = setup_inputs()
    print(jax.jit(kernel)(*tuple(_d.values())))

</pallas_src>

<mosaic_0001>
#map = affine_map<(d0, d1) -> (0, 0, 0)>
#map1 = affine_map<(d0, d1) -> (0, 0)>
module attributes {stable_mosaic.version = 14 : i64} {
  func.func @k(%arg0: i32, %arg1: i32, %arg2: memref<32x125x80xi32, #tpu.memory_space<hbm>>, %arg3: memref<2x10240xf32, #tpu.memory_space<hbm>>, %arg4: memref<125x80xi32, #tpu.memory_space<vmem>>, %arg5: memref<80xf32, #tpu.memory_space<vmem>>, %arg6: memref<640xf32, #tpu.memory_space<vmem>>, %arg7: memref<10240xf32, #tpu.memory_space<vmem_shared>>, %arg8: memref<!tpu.dma_semaphore, #tpu.memory_space<semaphore_mem>>, %arg9: memref<!tpu.dma_semaphore, #tpu.memory_space<semaphore_mem>>, %arg10: memref<!tpu.dma_semaphore, #tpu.memory_space<semaphore_mem>>, %arg11: memref<!tpu.dma_semaphore, #tpu.memory_space<semaphore_mem>>, %arg12: memref<!tpu.dma_semaphore, #tpu.memory_space<semaphore_mem>>) attributes {dimension_semantics = [#tpu.dimension_semantics<core_parallel>, #tpu.dimension_semantics<subcore_parallel>], iteration_bounds = array<i64: 2, 16>, scalar_prefetch = 0 : i64, scratch_operands = 9 : i64, tpu.core_type = #tpu.core_type<sc_vector_subcore>, window_params = [{transform_indices = #map}, {transform_indices = #map1}]} {
    %mul3A = arith.constant 2 : i32
    %mul3A_0 = arith.muli %arg1, %mul3A : i32
    %add3A = arith.addi %mul3A_0, %arg0 : i32
    %broadcast_in_dim3A = arith.constant 0.000000e+00 : f32
    %broadcast_in_dim3A_1 = vector.broadcast %broadcast_in_dim3A : f32 to vector<16xf32>
    %broadcast_in_dim3A_2 = arith.constant 1.000000e+00 : f32
    %broadcast_in_dim3A_3 = vector.broadcast %broadcast_in_dim3A_2 : f32 to vector<16xf32>
    %scan3A = arith.constant 0 : i32
    %scan3A_4 = arith.constant 0 : i32
    %scan3A_5 = arith.constant 40 : i32
    %scan3A_6 = arith.addi %scan3A_4, %scan3A_5 : i32
    %scan3A_7 = arith.constant 1 : i32
    scf.for %scan3A_86 = %scan3A_4 to %scan3A_6 step %scan3A_7  : i32 {
      %mul3A_87 = arith.constant 16 : i32
      %mul3A_88 = arith.muli %scan3A_86, %mul3A_87 : i32
      %swap3A = arith.index_cast %mul3A_88 : i32 to index
      %swap3A_89 = tpu.vector_load %arg6[%swap3A] {strides = array<i32>} : memref<640xf32, #tpu.memory_space<vmem>>, vector<16xf32>,
      %swap3A_90 = vector.shape_cast %swap3A_89 : vector<16xf32> to vector<16xf32>
      %swap3A_91 = vector.shape_cast %broadcast_in_dim3A_1 : vector<16xf32> to vector<16xf32>
      tpu.vector_store %arg6[%swap3A], %swap3A_91 {strides = array<i32>} : memref<640xf32, #tpu.memory_space<vmem>>, vector<16xf32>,
    }
    %scan3A_8 = arith.constant 40 : i32
    %scan3A_9 = arith.constant 0 : i32
    %scan3A_10 = arith.constant 0 : i32
    %scan3A_11 = arith.constant 5 : i32
    %scan3A_12 = arith.addi %scan3A_10, %scan3A_11 : i32
    %scan3A_13 = arith.constant 1 : i32
    scf.for %scan3A_86 = %scan3A_10 to %scan3A_12 step %scan3A_13  : i32 {
      %mul3A_87 = arith.constant 16 : i32
      %mul3A_88 = arith.muli %scan3A_86, %mul3A_87 : i32
      %swap3A = arith.index_cast %mul3A_88 : i32 to index
      %swap3A_89 = tpu.vector_load %arg5[%swap3A] {strides = array<i32>} : memref<80xf32, #tpu.memory_space<vmem>>, vector<16xf32>,
      %swap3A_90 = vector.shape_cast %swap3A_89 : vector<16xf32> to vector<16xf32>
      %swap3A_91 = vector.shape_cast %broadcast_in_dim3A_3 : vector<16xf32> to vector<16xf32>
      tpu.vector_store %arg5[%swap3A], %swap3A_91 {strides = array<i32>} : memref<80xf32, #tpu.memory_space<vmem>>, vector<16xf32>,
    }
    %scan3A_14 = arith.constant 5 : i32
    "tpu.region"() ({
      %run_scoped3A = tpu.sem_alloc : memref<!tpu.dma_semaphore, #tpu.memory_space<semaphore_mem>>
      %dma_start3A_86 = arith.constant 0 : i32
      %dma_start3A_87 = arith.constant 0 : i32
      %dma_start3A_88 = tpu.memref_slice %arg2[%add3A, %dma_start3A_86, %dma_start3A_87] : memref<32x125x80xi32, #tpu.memory_space<hbm>> -> memref<1x125x80xi32, #tpu.memory_space<hbm>>
      %dma_start3A_89 = tpu.memref_squeeze %dma_start3A_88 : memref<1x125x80xi32, #tpu.memory_space<hbm>> -> memref<125x80xi32, #tpu.memory_space<hbm>>
      %dma_start3A_90 = arith.constant 0 : i32
      %dma_start3A_91 = arith.constant 0 : i32
      %dma_start3A_92 = tpu.memref_slice %arg2[%add3A, %dma_start3A_90, %dma_start3A_91] : memref<32x125x80xi32, #tpu.memory_space<hbm>> -> memref<1x125x80xi32, #tpu.memory_space<hbm>>
      %dma_start3A_93 = tpu.memref_squeeze %dma_start3A_92 : memref<1x125x80xi32, #tpu.memory_space<hbm>> -> memref<125x80xi32, #tpu.memory_space<hbm>>
      tpu.enqueue_dma source(%dma_start3A_93 : memref<125x80xi32, #tpu.memory_space<hbm>>) target(%arg4 : memref<125x80xi32, #tpu.memory_space<vmem>>) target_semaphore(%run_scoped3A : memref<!tpu.dma_semaphore, #tpu.memory_space<semaphore_mem>>)
      %dma_wait3A_94 = arith.constant 0 : i32
      %dma_wait3A_95 = arith.constant 0 : i32
      %dma_wait3A_96 = tpu.memref_slice %arg2[%add3A, %dma_wait3A_94, %dma_wait3A_95] : memref<32x125x80xi32, #tpu.memory_space<hbm>> -> memref<1x125x80xi32, #tpu.memory_space<hbm>>
      %dma_wait3A_97 = tpu.memref_squeeze %dma_wait3A_96 : memref<1x125x80xi32, #tpu.memory_space<hbm>> -> memref<125x80xi32, #tpu.memory_space<hbm>>
      %dma_wait3A_98 = arith.constant 0 : i32
      %dma_wait3A_99 = arith.constant 0 : i32
      %dma_wait3A_100 = tpu.memref_slice %arg2[%add3A, %dma_wait3A_98, %dma_wait3A_99] : memref<32x125x80xi32, #tpu.memory_space<hbm>> -> memref<1x125x80xi32, #tpu.memory_space<hbm>>
      %dma_wait3A_101 = tpu.memref_squeeze %dma_wait3A_100 : memref<1x125x80xi32, #tpu.memory_space<hbm>> -> memref<125x80xi32, #tpu.memory_space<hbm>>
      tpu.wait_dma2 semaphore(%run_scoped3A : memref<!tpu.dma_semaphore, #tpu.memory_space<semaphore_mem>>) src(%dma_wait3A_101 : memref<125x80xi32, #tpu.memory_space<hbm>>) dst(%arg4 : memref<125x80xi32, #tpu.memory_space<vmem>>)
      tpu.yield
    }) : () -> ()
    %mul3A_15 = arith.constant 640 : i32
    %mul3A_16 = arith.muli %arg1, %mul3A_15 : i32
    "tpu.region"() ({
      %run_scoped3A = tpu.sem_alloc : memref<!tpu.dma_semaphore, #tpu.memory_space<semaphore_mem>>
      %dma_start3A_86 = tpu.memref_slice %arg7[%mul3A_16] : memref<10240xf32, #tpu.memory_space<vmem_shared>> -> memref<640xf32, #tpu.memory_space<vmem_shared>>
      %dma_start3A_87 = tpu.memref_slice %arg7[%mul3A_16] : memref<10240xf32, #tpu.memory_space<vmem_shared>> -> memref<640xf32, #tpu.memory_space<vmem_shared>>
      tpu.enqueue_dma source(%arg6 : memref<640xf32, #tpu.memory_space<vmem>>) target(%dma_start3A_87 : memref<640xf32, #tpu.memory_space<vmem_shared>>) target_semaphore(%run_scoped3A : memref<!tpu.dma_semaphore, #tpu.memory_space<semaphore_mem>>)
      %dma_wait3A_88 = tpu.memref_slice %arg7[%mul3A_16] : memref<10240xf32, #tpu.memory_space<vmem_shared>> -> memref<640xf32, #tpu.memory_space<vmem_shared>>
      %dma_wait3A_89 = tpu.memref_slice %arg7[%mul3A_16] : memref<10240xf32, #tpu.memory_space<vmem_shared>> -> memref<640xf32, #tpu.memory_space<vmem_shared>>
      tpu.wait_dma2 semaphore(%run_scoped3A : memref<!tpu.dma_semaphore, #tpu.memory_space<semaphore_mem>>) src(%arg6 : memref<640xf32, #tpu.memory_space<vmem>>) dst(%dma_wait3A_89 : memref<640xf32, #tpu.memory_space<vmem_shared>>)
      tpu.yield
    }) : () -> ()
    %barrier3A = arith.constant 0 : index
    tpu.barrier barrier_id(%barrier3A)
    %dma_start3A = arith.constant 0 : i32
    %dma_start3A_17 = arith.constant 0 : i32
    %dma_start3A_18 = tpu.memref_slice %arg4[%dma_start3A, %dma_start3A_17] : memref<125x80xi32, #tpu.memory_space<vmem>> -> memref<1x80xi32, #tpu.memory_space<vmem>>
    %dma_start3A_19 = tpu.memref_squeeze %dma_start3A_18 : memref<1x80xi32, #tpu.memory_space<vmem>> -> memref<80xi32, #tpu.memory_space<vmem>>
    %dma_start3A_20 = arith.constant 0 : i32
    %dma_start3A_21 = tpu.memref_slice %arg7[%dma_start3A_20] : memref<10240xf32, #tpu.memory_space<vmem_shared>> -> memref<10240xf32, #tpu.memory_space<vmem_shared>>
    tpu.enqueue_indirect_dma source(%arg5 : memref<80xf32, #tpu.memory_space<vmem>>) target(%dma_start3A_21 : memref<10240xf32, #tpu.memory_space<vmem_shared>>) offsets(%dma_start3A_19 : memref<80xi32, #tpu.memory_space<vmem>>) semaphore(%arg8 : memref<!tpu.dma_semaphore, #tpu.memory_space<semaphore_mem>>) {add = true}
    %dma_start3A_22 = arith.constant 1 : i32
    %dma_start3A_23 = arith.constant 0 : i32
    %dma_start3A_24 = tpu.memref_slice %arg4[%dma_start3A_22, %dma_start3A_23] : memref<125x80xi32, #tpu.memory_space<vmem>> -> memref<1x80xi32, #tpu.memory_space<vmem>>
    %dma_start3A_25 = tpu.memref_squeeze %dma_start3A_24 : memref<1x80xi32, #tpu.memory_space<vmem>> -> memref<80xi32, #tpu.memory_space<vmem>>
    %dma_start3A_26 = arith.constant 0 : i32
    %dma_start3A_27 = tpu.memref_slice %arg7[%dma_start3A_26] : memref<10240xf32, #tpu.memory_space<vmem_shared>> -> memref<10240xf32, #tpu.memory_space<vmem_shared>>
    tpu.enqueue_indirect_dma source(%arg5 : memref<80xf32, #tpu.memory_space<vmem>>) target(%dma_start3A_27 : memref<10240xf32, #tpu.memory_space<vmem_shared>>) offsets(%dma_start3A_25 : memref<80xi32, #tpu.memory_space<vmem>>) semaphore(%arg9 : memref<!tpu.dma_semaphore, #tpu.memory_space<semaphore_mem>>) {add = true}
    %dma_start3A_28 = arith.constant 2 : i32
    %dma_start3A_29 = arith.constant 0 : i32
    %dma_start3A_30 = tpu.memref_slice %arg4[%dma_start3A_28, %dma_start3A_29] : memref<125x80xi32, #tpu.memory_space<vmem>> -> memref<1x80xi32, #tpu.memory_space<vmem>>
    %dma_start3A_31 = tpu.memref_squeeze %dma_start3A_30 : memref<1x80xi32, #tpu.memory_space<vmem>> -> memref<80xi32, #tpu.memory_space<vmem>>
    %dma_start3A_32 = arith.constant 0 : i32
    %dma_start3A_33 = tpu.memref_slice %arg7[%dma_start3A_32] : memref<10240xf32, #tpu.memory_space<vmem_shared>> -> memref<10240xf32, #tpu.memory_space<vmem_shared>>
    tpu.enqueue_indirect_dma source(%arg5 : memref<80xf32, #tpu.memory_space<vmem>>) target(%dma_start3A_33 : memref<10240xf32, #tpu.memory_space<vmem_shared>>) offsets(%dma_start3A_31 : memref<80xi32, #tpu.memory_space<vmem>>) semaphore(%arg10 : memref<!tpu.dma_semaphore, #tpu.memory_space<semaphore_mem>>) {add = true}
    %dma_start3A_34 = arith.constant 3 : i32
    %dma_start3A_35 = arith.constant 0 : i32
    %dma_start3A_36 = tpu.memref_slice %arg4[%dma_start3A_34, %dma_start3A_35] : memref<125x80xi32, #tpu.memory_space<vmem>> -> memref<1x80xi32, #tpu.memory_space<vmem>>
    %dma_start3A_37 = tpu.memref_squeeze %dma_start3A_36 : memref<1x80xi32, #tpu.memory_space<vmem>> -> memref<80xi32, #tpu.memory_space<vmem>>
    %dma_start3A_38 = arith.constant 0 : i32
    %dma_start3A_39 = tpu.memref_slice %arg7[%dma_start3A_38] : memref<10240xf32, #tpu.memory_space<vmem_shared>> -> memref<10240xf32, #tpu.memory_space<vmem_shared>>
    tpu.enqueue_indirect_dma source(%arg5 : memref<80xf32, #tpu.memory_space<vmem>>) target(%dma_start3A_39 : memref<10240xf32, #tpu.memory_space<vmem_shared>>) offsets(%dma_start3A_37 : memref<80xi32, #tpu.memory_space<vmem>>) semaphore(%arg11 : memref<!tpu.dma_semaphore, #tpu.memory_space<semaphore_mem>>) {add = true}
    %dma_start3A_40 = arith.constant 4 : i32
    %dma_start3A_41 = arith.constant 0 : i32
    %dma_start3A_42 = tpu.memref_slice %arg4[%dma_start3A_40, %dma_start3A_41] : memref<125x80xi32, #tpu.memory_space<vmem>> -> memref<1x80xi32, #tpu.memory_space<vmem>>
    %dma_start3A_43 = tpu.memref_squeeze %dma_start3A_42 : memref<1x80xi32, #tpu.memory_space<vmem>> -> memref<80xi32, #tpu.memory_space<vmem>>
    %dma_start3A_44 = arith.constant 0 : i32
    %dma_start3A_45 = tpu.memref_slice %arg7[%dma_start3A_44] : memref<10240xf32, #tpu.memory_space<vmem_shared>> -> memref<10240xf32, #tpu.memory_space<vmem_shared>>
    tpu.enqueue_indirect_dma source(%arg5 : memref<80xf32, #tpu.memory_space<vmem>>) target(%dma_start3A_45 : memref<10240xf32, #tpu.memory_space<vmem_shared>>) offsets(%dma_start3A_43 : memref<80xi32, #tpu.memory_space<vmem>>) semaphore(%arg12 : memref<!tpu.dma_semaphore, #tpu.memory_space<semaphore_mem>>) {add = true}
    %scan3A_46 = arith.constant 0 : i32
    %scan3A_47 = arith.constant 0 : i32
    %scan3A_48 = arith.constant 24 : i32
    %scan3A_49 = arith.addi %scan3A_47, %scan3A_48 : i32
    %scan3A_50 = arith.constant 1 : i32
    scf.for %scan3A_86 = %scan3A_47 to %scan3A_49 step %scan3A_50  : i32 {
      %mul3A_87 = arith.constant 5 : i32
      %mul3A_88 = arith.muli %scan3A_86, %mul3A_87 : i32
      %add3A_89 = arith.constant 0 : i32
      %add3A_90 = arith.addi %mul3A_88, %add3A_89 : i32
      %dma_wait3A_91 = arith.constant 0 : i32
      %dma_wait3A_92 = tpu.memref_slice %arg4[%add3A_90, %dma_wait3A_91] : memref<125x80xi32, #tpu.memory_space<vmem>> -> memref<1x80xi32, #tpu.memory_space<vmem>>
      %dma_wait3A_93 = tpu.memref_squeeze %dma_wait3A_92 : memref<1x80xi32, #tpu.memory_space<vmem>> -> memref<80xi32, #tpu.memory_space<vmem>>
      %dma_wait3A_94 = arith.constant 0 : i32
      %dma_wait3A_95 = tpu.memref_slice %arg7[%dma_wait3A_94] : memref<10240xf32, #tpu.memory_space<vmem_shared>> -> memref<10240xf32, #tpu.memory_space<vmem_shared>>
      tpu.wait_indirect_dma semaphore(%arg8 : memref<!tpu.dma_semaphore, #tpu.memory_space<semaphore_mem>>) src(%arg5 : memref<80xf32, #tpu.memory_space<vmem>>) dst(%dma_wait3A_95 : memref<10240xf32, #tpu.memory_space<vmem_shared>>)
      %add3A_96 = arith.constant 5 : i32
      %add3A_97 = arith.addi %add3A_90, %add3A_96 : i32
      %dma_start3A_98 = arith.constant 0 : i32
      %dma_start3A_99 = tpu.memref_slice %arg4[%add3A_97, %dma_start3A_98] : memref<125x80xi32, #tpu.memory_space<vmem>> -> memref<1x80xi32, #tpu.memory_space<vmem>>
      %dma_start3A_100 = tpu.memref_squeeze %dma_start3A_99 : memref<1x80xi32, #tpu.memory_space<vmem>> -> memref<80xi32, #tpu.memory_space<vmem>>
      %dma_start3A_101 = arith.constant 0 : i32
      %dma_start3A_102 = tpu.memref_slice %arg7[%dma_start3A_101] : memref<10240xf32, #tpu.memory_space<vmem_shared>> -> memref<10240xf32, #tpu.memory_space<vmem_shared>>
      tpu.enqueue_indirect_dma source(%arg5 : memref<80xf32, #tpu.memory_space<vmem>>) target(%dma_start3A_102 : memref<10240xf32, #tpu.memory_space<vmem_shared>>) offsets(%dma_start3A_100 : memref<80xi32, #tpu.memory_space<vmem>>) semaphore(%arg8 : memref<!tpu.dma_semaphore, #tpu.memory_space<semaphore_mem>>) {add = true}
      %mul3A_103 = arith.constant 5 : i32
      %mul3A_104 = arith.muli %scan3A_86, %mul3A_103 : i32
      %add3A_105 = arith.constant 1 : i32
      %add3A_106 = arith.addi %mul3A_104, %add3A_105 : i32
      %dma_wait3A_107 = arith.constant 0 : i32
      %dma_wait3A_108 = tpu.memref_slice %arg4[%add3A_106, %dma_wait3A_107] : memref<125x80xi32, #tpu.memory_space<vmem>> -> memref<1x80xi32, #tpu.memory_space<vmem>>
      %dma_wait3A_109 = tpu.memref_squeeze %dma_wait3A_108 : memref<1x80xi32, #tpu.memory_space<vmem>> -> memref<80xi32, #tpu.memory_space<vmem>>
      %dma_wait3A_110 = arith.constant 0 : i32
      %dma_wait3A_111 = tpu.memref_slice %arg7[%dma_wait3A_110] : memref<10240xf32, #tpu.memory_space<vmem_shared>> -> memref<10240xf32, #tpu.memory_space<vmem_shared>>
      tpu.wait_indirect_dma semaphore(%arg9 : memref<!tpu.dma_semaphore, #tpu.memory_space<semaphore_mem>>) src(%arg5 : memref<80xf32, #tpu.memory_space<vmem>>) dst(%dma_wait3A_111 : memref<10240xf32, #tpu.memory_space<vmem_shared>>)
      %add3A_112 = arith.constant 5 : i32
      %add3A_113 = arith.addi %add3A_106, %add3A_112 : i32
      %dma_start3A_114 = arith.constant 0 : i32
      %dma_start3A_115 = tpu.memref_slice %arg4[%add3A_113, %dma_start3A_114] : memref<125x80xi32, #tpu.memory_space<vmem>> -> memref<1x80xi32, #tpu.memory_space<vmem>>
      %dma_start3A_116 = tpu.memref_squeeze %dma_start3A_115 : memref<1x80xi32, #tpu.memory_space<vmem>> -> memref<80xi32, #tpu.memory_space<vmem>>
      %dma_start3A_117 = arith.constant 0 : i32
      %dma_start3A_118 = tpu.memref_slice %arg7[%dma_start3A_117] : memref<10240xf32, #tpu.memory_space<vmem_shared>> -> memref<10240xf32, #tpu.memory_space<vmem_shared>>
      tpu.enqueue_indirect_dma source(%arg5 : memref<80xf32, #tpu.memory_space<vmem>>) target(%dma_start3A_118 : memref<10240xf32, #tpu.memory_space<vmem_shared>>) offsets(%dma_start3A_116 : memref<80xi32, #tpu.memory_space<vmem>>) semaphore(%arg9 : memref<!tpu.dma_semaphore, #tpu.memory_space<semaphore_mem>>) {add = true}
      %mul3A_119 = arith.constant 5 : i32
      %mul3A_120 = arith.muli %scan3A_86, %mul3A_119 : i32
      %add3A_121 = arith.constant 2 : i32
      %add3A_122 = arith.addi %mul3A_120, %add3A_121 : i32
      %dma_wait3A_123 = arith.constant 0 : i32
      %dma_wait3A_124 = tpu.memref_slice %arg4[%add3A_122, %dma_wait3A_123] : memref<125x80xi32, #tpu.memory_space<vmem>> -> memref<1x80xi32, #tpu.memory_space<vmem>>
      %dma_wait3A_125 = tpu.memref_squeeze %dma_wait3A_124 : memref<1x80xi32, #tpu.memory_space<vmem>> -> memref<80xi32, #tpu.memory_space<vmem>>
      %dma_wait3A_126 = arith.constant 0 : i32
      %dma_wait3A_127 = tpu.memref_slice %arg7[%dma_wait3A_126] : memref<10240xf32, #tpu.memory_space<vmem_shared>> -> memref<10240xf32, #tpu.memory_space<vmem_shared>>
      tpu.wait_indirect_dma semaphore(%arg10 : memref<!tpu.dma_semaphore, #tpu.memory_space<semaphore_mem>>) src(%arg5 : memref<80xf32, #tpu.memory_space<vmem>>) dst(%dma_wait3A_127 : memref<10240xf32, #tpu.memory_space<vmem_shared>>)
      %add3A_128 = arith.constant 5 : i32
      %add3A_129 = arith.addi %add3A_122, %add3A_128 : i32
      %dma_start3A_130 = arith.constant 0 : i32
      %dma_start3A_131 = tpu.memref_slice %arg4[%add3A_129, %dma_start3A_130] : memref<125x80xi32, #tpu.memory_space<vmem>> -> memref<1x80xi32, #tpu.memory_space<vmem>>
      %dma_start3A_132 = tpu.memref_squeeze %dma_start3A_131 : memref<1x80xi32, #tpu.memory_space<vmem>> -> memref<80xi32, #tpu.memory_space<vmem>>
      %dma_start3A_133 = arith.constant 0 : i32
      %dma_start3A_134 = tpu.memref_slice %arg7[%dma_start3A_133] : memref<10240xf32, #tpu.memory_space<vmem_shared>> -> memref<10240xf32, #tpu.memory_space<vmem_shared>>
      tpu.enqueue_indirect_dma source(%arg5 : memref<80xf32, #tpu.memory_space<vmem>>) target(%dma_start3A_134 : memref<10240xf32, #tpu.memory_space<vmem_shared>>) offsets(%dma_start3A_132 : memref<80xi32, #tpu.memory_space<vmem>>) semaphore(%arg10 : memref<!tpu.dma_semaphore, #tpu.memory_space<semaphore_mem>>) {add = true}
      %mul3A_135 = arith.constant 5 : i32
      %mul3A_136 = arith.muli %scan3A_86, %mul3A_135 : i32
      %add3A_137 = arith.constant 3 : i32
      %add3A_138 = arith.addi %mul3A_136, %add3A_137 : i32
      %dma_wait3A_139 = arith.constant 0 : i32
      %dma_wait3A_140 = tpu.memref_slice %arg4[%add3A_138, %dma_wait3A_139] : memref<125x80xi32, #tpu.memory_space<vmem>> -> memref<1x80xi32, #tpu.memory_space<vmem>>
      %dma_wait3A_141 = tpu.memref_squeeze %dma_wait3A_140 : memref<1x80xi32, #tpu.memory_space<vmem>> -> memref<80xi32, #tpu.memory_space<vmem>>
      %dma_wait3A_142 = arith.constant 0 : i32
      %dma_wait3A_143 = tpu.memref_slice %arg7[%dma_wait3A_142] : memref<10240xf32, #tpu.memory_space<vmem_shared>> -> memref<10240xf32, #tpu.memory_space<vmem_shared>>
      tpu.wait_indirect_dma semaphore(%arg11 : memref<!tpu.dma_semaphore, #tpu.memory_space<semaphore_mem>>) src(%arg5 : memref<80xf32, #tpu.memory_space<vmem>>) dst(%dma_wait3A_143 : memref<10240xf32, #tpu.memory_space<vmem_shared>>)
      %add3A_144 = arith.constant 5 : i32
      %add3A_145 = arith.addi %add3A_138, %add3A_144 : i32
      %dma_start3A_146 = arith.constant 0 : i32
      %dma_start3A_147 = tpu.memref_slice %arg4[%add3A_145, %dma_start3A_146] : memref<125x80xi32, #tpu.memory_space<vmem>> -> memref<1x80xi32, #tpu.memory_space<vmem>>
      %dma_start3A_148 = tpu.memref_squeeze %dma_start3A_147 : memref<1x80xi32, #tpu.memory_space<vmem>> -> memref<80xi32, #tpu.memory_space<vmem>>
      %dma_start3A_149 = arith.constant 0 : i32
      %dma_start3A_150 = tpu.memref_slice %arg7[%dma_start3A_149] : memref<10240xf32, #tpu.memory_space<vmem_shared>> -> memref<10240xf32, #tpu.memory_space<vmem_shared>>
      tpu.enqueue_indirect_dma source(%arg5 : memref<80xf32, #tpu.memory_space<vmem>>) target(%dma_start3A_150 : memref<10240xf32, #tpu.memory_space<vmem_shared>>) offsets(%dma_start3A_148 : memref<80xi32, #tpu.memory_space<vmem>>) semaphore(%arg11 : memref<!tpu.dma_semaphore, #tpu.memory_space<semaphore_mem>>) {add = true}
      %mul3A_151 = arith.constant 5 : i32
      %mul3A_152 = arith.muli %scan3A_86, %mul3A_151 : i32
      %add3A_153 = arith.constant 4 : i32
      %add3A_154 = arith.addi %mul3A_152, %add3A_153 : i32
      %dma_wait3A_155 = arith.constant 0 : i32
      %dma_wait3A_156 = tpu.memref_slice %arg4[%add3A_154, %dma_wait3A_155] : memref<125x80xi32, #tpu.memory_space<vmem>> -> memref<1x80xi32, #tpu.memory_space<vmem>>
      %dma_wait3A_157 = tpu.memref_squeeze %dma_wait3A_156 : memref<1x80xi32, #tpu.memory_space<vmem>> -> memref<80xi32, #tpu.memory_space<vmem>>
      %dma_wait3A_158 = arith.constant 0 : i32
      %dma_wait3A_159 = tpu.memref_slice %arg7[%dma_wait3A_158] : memref<10240xf32, #tpu.memory_space<vmem_shared>> -> memref<10240xf32, #tpu.memory_space<vmem_shared>>
      tpu.wait_indirect_dma semaphore(%arg12 : memref<!tpu.dma_semaphore, #tpu.memory_space<semaphore_mem>>) src(%arg5 : memref<80xf32, #tpu.memory_space<vmem>>) dst(%dma_wait3A_159 : memref<10240xf32, #tpu.memory_space<vmem_shared>>)
      %add3A_160 = arith.constant 5 : i32
      %add3A_161 = arith.addi %add3A_154, %add3A_160 : i32
      %dma_start3A_162 = arith.constant 0 : i32
      %dma_start3A_163 = tpu.memref_slice %arg4[%add3A_161, %dma_start3A_162] : memref<125x80xi32, #tpu.memory_space<vmem>> -> memref<1x80xi32, #tpu.memory_space<vmem>>
      %dma_start3A_164 = tpu.memref_squeeze %dma_start3A_163 : memref<1x80xi32, #tpu.memory_space<vmem>> -> memref<80xi32, #tpu.memory_space<vmem>>
      %dma_start3A_165 = arith.constant 0 : i32
      %dma_start3A_166 = tpu.memref_slice %arg7[%dma_start3A_165] : memref<10240xf32, #tpu.memory_space<vmem_shared>> -> memref<10240xf32, #tpu.memory_space<vmem_shared>>
      tpu.enqueue_indirect_dma source(%arg5 : memref<80xf32, #tpu.memory_space<vmem>>) target(%dma_start3A_166 : memref<10240xf32, #tpu.memory_space<vmem_shared>>) offsets(%dma_start3A_164 : memref<80xi32, #tpu.memory_space<vmem>>) semaphore(%arg12 : memref<!tpu.dma_semaphore, #tpu.memory_space<semaphore_mem>>) {add = true}
    }
    %scan3A_51 = arith.constant 24 : i32
    %dma_wait3A = arith.constant 120 : i32
    %dma_wait3A_52 = arith.constant 0 : i32
    %dma_wait3A_53 = tpu.memref_slice %arg4[%dma_wait3A, %dma_wait3A_52] : memref<125x80xi32, #tpu.memory_space<vmem>> -> memref<1x80xi32, #tpu.memory_space<vmem>>
    %dma_wait3A_54 = tpu.memref_squeeze %dma_wait3A_53 : memref<1x80xi32, #tpu.memory_space<vmem>> -> memref<80xi32, #tpu.memory_space<vmem>>
    %dma_wait3A_55 = arith.constant 0 : i32
    %dma_wait3A_56 = tpu.memref_slice %arg7[%dma_wait3A_55] : memref<10240xf32, #tpu.memory_space<vmem_shared>> -> memref<10240xf32, #tpu.memory_space<vmem_shared>>
    tpu.wait_indirect_dma semaphore(%arg8 : memref<!tpu.dma_semaphore, #tpu.memory_space<semaphore_mem>>) src(%arg5 : memref<80xf32, #tpu.memory_space<vmem>>) dst(%dma_wait3A_56 : memref<10240xf32, #tpu.memory_space<vmem_shared>>)
    %dma_wait3A_57 = arith.constant 121 : i32
    %dma_wait3A_58 = arith.constant 0 : i32
    %dma_wait3A_59 = tpu.memref_slice %arg4[%dma_wait3A_57, %dma_wait3A_58] : memref<125x80xi32, #tpu.memory_space<vmem>> -> memref<1x80xi32, #tpu.memory_space<vmem>>
    %dma_wait3A_60 = tpu.memref_squeeze %dma_wait3A_59 : memref<1x80xi32, #tpu.memory_space<vmem>> -> memref<80xi32, #tpu.memory_space<vmem>>
    %dma_wait3A_61 = arith.constant 0 : i32
    %dma_wait3A_62 = tpu.memref_slice %arg7[%dma_wait3A_61] : memref<10240xf32, #tpu.memory_space<vmem_shared>> -> memref<10240xf32, #tpu.memory_space<vmem_shared>>
    tpu.wait_indirect_dma semaphore(%arg9 : memref<!tpu.dma_semaphore, #tpu.memory_space<semaphore_mem>>) src(%arg5 : memref<80xf32, #tpu.memory_space<vmem>>) dst(%dma_wait3A_62 : memref<10240xf32, #tpu.memory_space<vmem_shared>>)
    %dma_wait3A_63 = arith.constant 122 : i32
    %dma_wait3A_64 = arith.constant 0 : i32
    %dma_wait3A_65 = tpu.memref_slice %arg4[%dma_wait3A_63, %dma_wait3A_64] : memref<125x80xi32, #tpu.memory_space<vmem>> -> memref<1x80xi32, #tpu.memory_space<vmem>>
    %dma_wait3A_66 = tpu.memref_squeeze %dma_wait3A_65 : memref<1x80xi32, #tpu.memory_space<vmem>> -> memref<80xi32, #tpu.memory_space<vmem>>
    %dma_wait3A_67 = arith.constant 0 : i32
    %dma_wait3A_68 = tpu.memref_slice %arg7[%dma_wait3A_67] : memref<10240xf32, #tpu.memory_space<vmem_shared>> -> memref<10240xf32, #tpu.memory_space<vmem_shared>>
    tpu.wait_indirect_dma semaphore(%arg10 : memref<!tpu.dma_semaphore, #tpu.memory_space<semaphore_mem>>) src(%arg5 : memref<80xf32, #tpu.memory_space<vmem>>) dst(%dma_wait3A_68 : memref<10240xf32, #tpu.memory_space<vmem_shared>>)
    %dma_wait3A_69 = arith.constant 123 : i32
    %dma_wait3A_70 = arith.constant 0 : i32
    %dma_wait3A_71 = tpu.memref_slice %arg4[%dma_wait3A_69, %dma_wait3A_70] : memref<125x80xi32, #tpu.memory_space<vmem>> -> memref<1x80xi32, #tpu.memory_space<vmem>>
    %dma_wait3A_72 = tpu.memref_squeeze %dma_wait3A_71 : memref<1x80xi32, #tpu.memory_space<vmem>> -> memref<80xi32, #tpu.memory_space<vmem>>
    %dma_wait3A_73 = arith.constant 0 : i32
    %dma_wait3A_74 = tpu.memref_slice %arg7[%dma_wait3A_73] : memref<10240xf32, #tpu.memory_space<vmem_shared>> -> memref<10240xf32, #tpu.memory_space<vmem_shared>>
    tpu.wait_indirect_dma semaphore(%arg11 : memref<!tpu.dma_semaphore, #tpu.memory_space<semaphore_mem>>) src(%arg5 : memref<80xf32, #tpu.memory_space<vmem>>) dst(%dma_wait3A_74 : memref<10240xf32, #tpu.memory_space<vmem_shared>>)
    %dma_wait3A_75 = arith.constant 124 : i32
    %dma_wait3A_76 = arith.constant 0 : i32
    %dma_wait3A_77 = tpu.memref_slice %arg4[%dma_wait3A_75, %dma_wait3A_76] : memref<125x80xi32, #tpu.memory_space<vmem>> -> memref<1x80xi32, #tpu.memory_space<vmem>>
    %dma_wait3A_78 = tpu.memref_squeeze %dma_wait3A_77 : memref<1x80xi32, #tpu.memory_space<vmem>> -> memref<80xi32, #tpu.memory_space<vmem>>
    %dma_wait3A_79 = arith.constant 0 : i32
    %dma_wait3A_80 = tpu.memref_slice %arg7[%dma_wait3A_79] : memref<10240xf32, #tpu.memory_space<vmem_shared>> -> memref<10240xf32, #tpu.memory_space<vmem_shared>>
    tpu.wait_indirect_dma semaphore(%arg12 : memref<!tpu.dma_semaphore, #tpu.memory_space<semaphore_mem>>) src(%arg5 : memref<80xf32, #tpu.memory_space<vmem>>) dst(%dma_wait3A_80 : memref<10240xf32, #tpu.memory_space<vmem_shared>>)
    %barrier3A_81 = arith.constant 0 : index
    tpu.barrier barrier_id(%barrier3A_81)
    %mul3A_82 = arith.constant 640 : i32
    %mul3A_83 = arith.muli %arg1, %mul3A_82 : i32
    "tpu.region"() ({
      %run_scoped3A = tpu.sem_alloc : memref<!tpu.dma_semaphore, #tpu.memory_space<semaphore_mem>>
      %dma_start3A_86 = tpu.memref_slice %arg7[%mul3A_83] : memref<10240xf32, #tpu.memory_space<vmem_shared>> -> memref<640xf32, #tpu.memory_space<vmem_shared>>
      %dma_start3A_87 = tpu.memref_slice %arg7[%mul3A_83] : memref<10240xf32, #tpu.memory_space<vmem_shared>> -> memref<640xf32, #tpu.memory_space<vmem_shared>>
      tpu.enqueue_dma source(%dma_start3A_87 : memref<640xf32, #tpu.memory_space<vmem_shared>>) target(%arg6 : memref<640xf32, #tpu.memory_space<vmem>>) target_semaphore(%run_scoped3A : memref<!tpu.dma_semaphore, #tpu.memory_space<semaphore_mem>>)
      %dma_wait3A_88 = tpu.memref_slice %arg7[%mul3A_83] : memref<10240xf32, #tpu.memory_space<vmem_shared>> -> memref<640xf32, #tpu.memory_space<vmem_shared>>
      %dma_wait3A_89 = tpu.memref_slice %arg7[%mul3A_83] : memref<10240xf32, #tpu.memory_space<vmem_shared>> -> memref<640xf32, #tpu.memory_space<vmem_shared>>
      tpu.wait_dma2 semaphore(%run_scoped3A : memref<!tpu.dma_semaphore, #tpu.memory_space<semaphore_mem>>) src(%dma_wait3A_89 : memref<640xf32, #tpu.memory_space<vmem_shared>>) dst(%arg6 : memref<640xf32, #tpu.memory_space<vmem>>)
      tpu.yield
    }) : () -> ()
    %mul3A_84 = arith.constant 640 : i32
    %mul3A_85 = arith.muli %arg1, %mul3A_84 : i32
    "tpu.region"() ({
      %run_scoped3A = tpu.sem_alloc : memref<!tpu.dma_semaphore, #tpu.memory_space<semaphore_mem>>
      %dma_start3A_86 = tpu.memref_slice %arg3[%arg0, %mul3A_85] : memref<2x10240xf32, #tpu.memory_space<hbm>> -> memref<1x640xf32, #tpu.memory_space<hbm>>
      %dma_start3A_87 = tpu.memref_squeeze %dma_start3A_86 : memref<1x640xf32, #tpu.memory_space<hbm>> -> memref<640xf32, #tpu.memory_space<hbm>>
      %dma_start3A_88 = tpu.memref_slice %arg3[%arg0, %mul3A_85] : memref<2x10240xf32, #tpu.memory_space<hbm>> -> memref<1x640xf32, #tpu.memory_space<hbm>>
      %dma_start3A_89 = tpu.memref_squeeze %dma_start3A_88 : memref<1x640xf32, #tpu.memory_space<hbm>> -> memref<640xf32, #tpu.memory_space<hbm>>
      tpu.enqueue_dma source(%arg6 : memref<640xf32, #tpu.memory_space<vmem>>) target(%dma_start3A_89 : memref<640xf32, #tpu.memory_space<hbm>>) target_semaphore(%run_scoped3A : memref<!tpu.dma_semaphore, #tpu.memory_space<semaphore_mem>>)
      %dma_wait3A_90 = tpu.memref_slice %arg3[%arg0, %mul3A_85] : memref<2x10240xf32, #tpu.memory_space<hbm>> -> memref<1x640xf32, #tpu.memory_space<hbm>>
      %dma_wait3A_91 = tpu.memref_squeeze %dma_wait3A_90 : memref<1x640xf32, #tpu.memory_space<hbm>> -> memref<640xf32, #tpu.memory_space<hbm>>
      %dma_wait3A_92 = tpu.memref_slice %arg3[%arg0, %mul3A_85] : memref<2x10240xf32, #tpu.memory_space<hbm>> -> memref<1x640xf32, #tpu.memory_space<hbm>>
      %dma_wait3A_93 = tpu.memref_squeeze %dma_wait3A_92 : memref<1x640xf32, #tpu.memory_space<hbm>> -> memref<640xf32, #tpu.memory_space<hbm>>
      tpu.wait_dma2 semaphore(%run_scoped3A : memref<!tpu.dma_semaphore, #tpu.memory_space<semaphore_mem>>) src(%arg6 : memref<640xf32, #tpu.memory_space<vmem>>) dst(%dma_wait3A_93 : memref<640xf32, #tpu.memory_space<hbm>>)
      tpu.yield
    }) : () -> ()
    return
  }
}

#map = affine_map<(d0, d1) -> (0, 0)>
#map1 = affine_map<(d0, d1) -> (0, 0, 0)>
module attributes {stable_mosaic.version = 14 : i64} {
  func.func @k(%arg0: i32, %arg1: i32, %arg2: memref<10000x128xf32, #tpu.memory_space<hbm>>, %arg3: memref<32x80x125xi32, #tpu.memory_space<hbm>>, %arg4: memref<32x80x125xi32, #tpu.memory_space<hbm>>, %arg5: memref<2x10240x128xf32, #tpu.memory_space<hbm>>, %arg6: memref<80x125xi32, #tpu.memory_space<vmem>>, %arg7: memref<80x125xi32, #tpu.memory_space<vmem>>, %arg8: memref<125x128xf32, #tpu.memory_space<vmem>>, %arg9: memref<32x128xf32, #tpu.memory_space<vmem>>, %arg10: memref<10240x128xf32, #tpu.memory_space<vmem_shared>>, %arg11: memref<!tpu.dma_semaphore, #tpu.memory_space<semaphore_mem>>) attributes {dimension_semantics = [#tpu.dimension_semantics<core_parallel>, #tpu.dimension_semantics<subcore_parallel>], iteration_bounds = array<i64: 2, 16>, scalar_prefetch = 0 : i64, scratch_operands = 6 : i64, tpu.core_type = #tpu.core_type<sc_vector_subcore>, window_params = [{transform_indices = #map}, {transform_indices = #map1}, {transform_indices = #map1}, {transform_indices = #map1}]} {
    %mul3A = arith.constant 2 : i32
    %mul3A_0 = arith.muli %arg1, %mul3A : i32
    %add3A = arith.addi %mul3A_0, %arg0 : i32
    %broadcast_in_dim3A = arith.constant 0.000000e+00 : f32
    %broadcast_in_dim3A_1 = vector.broadcast %broadcast_in_dim3A : f32 to vector<16xf32>
    "tpu.region"() ({
      %run_scoped3A = tpu.sem_alloc : memref<!tpu.dma_semaphore, #tpu.memory_space<semaphore_mem>>
      %dma_start3A = arith.constant 0 : i32
      %dma_start3A_26 = arith.constant 0 : i32
      %dma_start3A_27 = tpu.memref_slice %arg3[%add3A, %dma_start3A, %dma_start3A_26] : memref<32x80x125xi32, #tpu.memory_space<hbm>> -> memref<1x80x125xi32, #tpu.memory_space<hbm>>
      %dma_start3A_28 = tpu.memref_squeeze %dma_start3A_27 : memref<1x80x125xi32, #tpu.memory_space<hbm>> -> memref<80x125xi32, #tpu.memory_space<hbm>>
      %dma_start3A_29 = arith.constant 0 : i32
      %dma_start3A_30 = arith.constant 0 : i32
      %dma_start3A_31 = tpu.memref_slice %arg3[%add3A, %dma_start3A_29, %dma_start3A_30] : memref<32x80x125xi32, #tpu.memory_space<hbm>> -> memref<1x80x125xi32, #tpu.memory_space<hbm>>
      %dma_start3A_32 = tpu.memref_squeeze %dma_start3A_31 : memref<1x80x125xi32, #tpu.memory_space<hbm>> -> memref<80x125xi32, #tpu.memory_space<hbm>>
      tpu.enqueue_dma source(%dma_start3A_32 : memref<80x125xi32, #tpu.memory_space<hbm>>) target(%arg6 : memref<80x125xi32, #tpu.memory_space<vmem>>) target_semaphore(%run_scoped3A : memref<!tpu.dma_semaphore, #tpu.memory_space<semaphore_mem>>)
      %dma_wait3A = arith.constant 0 : i32
      %dma_wait3A_33 = arith.constant 0 : i32
      %dma_wait3A_34 = tpu.memref_slice %arg3[%add3A, %dma_wait3A, %dma_wait3A_33] : memref<32x80x125xi32, #tpu.memory_space<hbm>> -> memref<1x80x125xi32, #tpu.memory_space<hbm>>
      %dma_wait3A_35 = tpu.memref_squeeze %dma_wait3A_34 : memref<1x80x125xi32, #tpu.memory_space<hbm>> -> memref<80x125xi32, #tpu.memory_space<hbm>>
      %dma_wait3A_36 = arith.constant 0 : i32
      %dma_wait3A_37 = arith.constant 0 : i32
      %dma_wait3A_38 = tpu.memref_slice %arg3[%add3A, %dma_wait3A_36, %dma_wait3A_37] : memref<32x80x125xi32, #tpu.memory_space<hbm>> -> memref<1x80x125xi32, #tpu.memory_space<hbm>>
      %dma_wait3A_39 = tpu.memref_squeeze %dma_wait3A_38 : memref<1x80x125xi32, #tpu.memory_space<hbm>> -> memref<80x125xi32, #tpu.memory_space<hbm>>
      tpu.wait_dma2 semaphore(%run_scoped3A : memref<!tpu.dma_semaphore, #tpu.memory_space<semaphore_mem>>) src(%dma_wait3A_39 : memref<80x125xi32, #tpu.memory_space<hbm>>) dst(%arg6 : memref<80x125xi32, #tpu.memory_space<vmem>>)
      tpu.yield
    }) : () -> ()
    "tpu.region"() ({
      %run_scoped3A = tpu.sem_alloc : memref<!tpu.dma_semaphore, #tpu.memory_space<semaphore_mem>>
      %dma_start3A = arith.constant 0 : i32
      %dma_start3A_26 = arith.constant 0 : i32
      %dma_start3A_27 = tpu.memref_slice %arg4[%add3A, %dma_start3A, %dma_start3A_26] : memref<32x80x125xi32, #tpu.memory_space<hbm>> -> memref<1x80x125xi32, #tpu.memory_space<hbm>>
      %dma_start3A_28 = tpu.memref_squeeze %dma_start3A_27 : memref<1x80x125xi32, #tpu.memory_space<hbm>> -> memref<80x125xi32, #tpu.memory_space<hbm>>
      %dma_start3A_29 = arith.constant 0 : i32
      %dma_start3A_30 = arith.constant 0 : i32
      %dma_start3A_31 = tpu.memref_slice %arg4[%add3A, %dma_start3A_29, %dma_start3A_30] : memref<32x80x125xi32, #tpu.memory_space<hbm>> -> memref<1x80x125xi32, #tpu.memory_space<hbm>>
      %dma_start3A_32 = tpu.memref_squeeze %dma_start3A_31 : memref<1x80x125xi32, #tpu.memory_space<hbm>> -> memref<80x125xi32, #tpu.memory_space<hbm>>
      tpu.enqueue_dma source(%dma_start3A_32 : memref<80x125xi32, #tpu.memory_space<hbm>>) target(%arg7 : memref<80x125xi32, #tpu.memory_space<vmem>>) target_semaphore(%run_scoped3A : memref<!tpu.dma_semaphore, #tpu.memory_space<semaphore_mem>>)
      %dma_wait3A = arith.constant 0 : i32
      %dma_wait3A_33 = arith.constant 0 : i32
      %dma_wait3A_34 = tpu.memref_slice %arg4[%add3A, %dma_wait3A, %dma_wait3A_33] : memref<32x80x125xi32, #tpu.memory_space<hbm>> -> memref<1x80x125xi32, #tpu.memory_space<hbm>>
      %dma_wait3A_35 = tpu.memref_squeeze %dma_wait3A_34 : memref<1x80x125xi32, #tpu.memory_space<hbm>> -> memref<80x125xi32, #tpu.memory_space<hbm>>
      %dma_wait3A_36 = arith.constant 0 : i32
      %dma_wait3A_37 = arith.constant 0 : i32
      %dma_wait3A_38 = tpu.memref_slice %arg4[%add3A, %dma_wait3A_36, %dma_wait3A_37] : memref<32x80x125xi32, #tpu.memory_space<hbm>> -> memref<1x80x125xi32, #tpu.memory_space<hbm>>
      %dma_wait3A_39 = tpu.memref_squeeze %dma_wait3A_38 : memref<1x80x125xi32, #tpu.memory_space<hbm>> -> memref<80x125xi32, #tpu.memory_space<hbm>>
      tpu.wait_dma2 semaphore(%run_scoped3A : memref<!tpu.dma_semaphore, #tpu.memory_space<semaphore_mem>>) src(%dma_wait3A_39 : memref<80x125xi32, #tpu.memory_space<hbm>>) dst(%arg7 : memref<80x125xi32, #tpu.memory_space<vmem>>)
      tpu.yield
    }) : () -> ()
    %scan3A = arith.constant 0 : i32
    %scan3A_2 = arith.constant 0 : i32
    %scan3A_3 = arith.constant 256 : i32
    %scan3A_4 = arith.addi %scan3A_2, %scan3A_3 : i32
    %scan3A_5 = arith.constant 1 : i32
    scf.for %scan3A_26 = %scan3A_2 to %scan3A_4 step %scan3A_5  : i32 {
      %jit3A = arith.constant 8 : i32
      %div3A = arith.divsi %scan3A_26, %jit3A : i32
      %sign3A = arith.constant 0 : i32
      %sign3A_27 = arith.cmpi sgt, %scan3A_26, %sign3A : i32
      %sign3A_28 = arith.extui %sign3A_27 : i1 to i32
      %sign3A_29 = arith.constant 0 : i32
      %sign3A_30 = arith.cmpi slt, %scan3A_26, %sign3A_29 : i32
      %sign3A_31 = arith.extui %sign3A_30 : i1 to i32
      %sign3A_32 = arith.subi %sign3A_28, %sign3A_31 : i32
      %sign3A_33 = arith.constant 0 : i32
      %sign3A_34 = arith.cmpi sgt, %jit3A, %sign3A_33 : i32
      %sign3A_35 = arith.extui %sign3A_34 : i1 to i32
      %sign3A_36 = arith.constant 0 : i32
      %sign3A_37 = arith.cmpi slt, %jit3A, %sign3A_36 : i32
      %sign3A_38 = arith.extui %sign3A_37 : i1 to i32
      %sign3A_39 = arith.subi %sign3A_35, %sign3A_38 : i32
      %ne3A = arith.cmpi ne, %sign3A_32, %sign3A_39 : i32
      %rem3A = arith.remsi %scan3A_26, %jit3A : i32
      %ne3A_40 = arith.constant 0 : i32
      %ne3A_41 = arith.cmpi ne, %rem3A, %ne3A_40 : i32
      %and3A = arith.andi %ne3A, %ne3A_41 : i1
      %sub3A = arith.constant 1 : i32
      %sub3A_42 = arith.subi %div3A, %sub3A : i32
      %select_n3A = arith.select %and3A, %sub3A_42, %div3A : i32
      %jit3A_43 = arith.constant 8 : i32
      %eq3A = arith.constant 0 : i32
      %eq3A_44 = arith.cmpi eq, %jit3A_43, %eq3A : i32
      %jit3A_45 = arith.constant 1 : i32
      %select_n3A_46 = arith.select %eq3A_44, %jit3A_45, %jit3A_43 : i32
      %rem3A_47 = arith.remsi %scan3A_26, %select_n3A_46 : i32
      %ne3A_48 = arith.constant 0 : i32
      %ne3A_49 = arith.cmpi ne, %rem3A_47, %ne3A_48 : i32
      %lt3A = arith.constant 0 : i32
      %lt3A_50 = arith.cmpi slt, %rem3A_47, %lt3A : i32
      %lt3A_51 = arith.constant 0 : i32
      %lt3A_52 = arith.cmpi slt, %select_n3A_46, %lt3A_51 : i32
      %ne3A_53 = arith.xori %lt3A_50, %lt3A_52 : i1
      %and3A_54 = arith.andi %ne3A_53, %ne3A_49 : i1
      %add3A_55 = arith.addi %rem3A_47, %select_n3A_46 : i32
      %select_n3A_56 = arith.select %and3A_54, %add3A_55, %rem3A_47 : i32
      %mul3A_57 = arith.constant 16 : i32
      %mul3A_58 = arith.muli %select_n3A_56, %mul3A_57 : i32
      %swap3A = arith.index_cast %select_n3A : i32 to index
      %swap3A_59 = arith.index_cast %mul3A_58 : i32 to index
      %swap3A_60 = tpu.vector_load %arg9[%swap3A, %swap3A_59] {strides = array<i32>} : memref<32x128xf32, #tpu.memory_space<vmem>>, vector<1x16xf32>,
      %swap3A_61 = vector.shape_cast %swap3A_60 : vector<1x16xf32> to vector<16xf32>
      %swap3A_62 = vector.shape_cast %broadcast_in_dim3A_1 : vector<16xf32> to vector<1x16xf32>
      tpu.vector_store %arg9[%swap3A, %swap3A_59], %swap3A_62 {strides = array<i32>} : memref<32x128xf32, #tpu.memory_space<vmem>>, vector<1x16xf32>,
    }
    %scan3A_6 = arith.constant 256 : i32
    %scan3A_7 = arith.constant 0 : i32
    %scan3A_8 = arith.constant 0 : i32
    %scan3A_9 = arith.constant 20 : i32
    %scan3A_10 = arith.addi %scan3A_8, %scan3A_9 : i32
    %scan3A_11 = arith.constant 1 : i32
    scf.for %scan3A_26 = %scan3A_8 to %scan3A_10 step %scan3A_11  : i32 {
      %mul3A_27 = arith.constant 640 : i32
      %mul3A_28 = arith.muli %arg1, %mul3A_27 : i32
      %mul3A_29 = arith.constant 32 : i32
      %mul3A_30 = arith.muli %scan3A_26, %mul3A_29 : i32
      %add3A_31 = arith.addi %mul3A_28, %mul3A_30 : i32
      "tpu.region"() ({
        %run_scoped3A = tpu.sem_alloc : memref<!tpu.dma_semaphore, #tpu.memory_space<semaphore_mem>>
        %dma_start3A = arith.constant 0 : i32
        %dma_start3A_32 = tpu.memref_slice %arg10[%add3A_31, %dma_start3A] : memref<10240x128xf32, #tpu.memory_space<vmem_shared>> -> memref<32x128xf32, #tpu.memory_space<vmem_shared>>
        %dma_start3A_33 = arith.constant 0 : i32
        %dma_start3A_34 = tpu.memref_slice %arg10[%add3A_31, %dma_start3A_33] : memref<10240x128xf32, #tpu.memory_space<vmem_shared>> -> memref<32x128xf32, #tpu.memory_space<vmem_shared>>
        tpu.enqueue_dma source(%arg9 : memref<32x128xf32, #tpu.memory_space<vmem>>) target(%dma_start3A_34 : memref<32x128xf32, #tpu.memory_space<vmem_shared>>) target_semaphore(%run_scoped3A : memref<!tpu.dma_semaphore, #tpu.memory_space<semaphore_mem>>)
        %dma_wait3A = arith.constant 0 : i32
        %dma_wait3A_35 = tpu.memref_slice %arg10[%add3A_31, %dma_wait3A] : memref<10240x128xf32, #tpu.memory_space<vmem_shared>> -> memref<32x128xf32, #tpu.memory_space<vmem_shared>>
        %dma_wait3A_36 = arith.constant 0 : i32
        %dma_wait3A_37 = tpu.memref_slice %arg10[%add3A_31, %dma_wait3A_36] : memref<10240x128xf32, #tpu.memory_space<vmem_shared>> -> memref<32x128xf32, #tpu.memory_space<vmem_shared>>
        tpu.wait_dma2 semaphore(%run_scoped3A : memref<!tpu.dma_semaphore, #tpu.memory_space<semaphore_mem>>) src(%arg9 : memref<32x128xf32, #tpu.memory_space<vmem>>) dst(%dma_wait3A_37 : memref<32x128xf32, #tpu.memory_space<vmem_shared>>)
        tpu.yield
      }) : () -> ()
    }
    %scan3A_12 = arith.constant 20 : i32
    %barrier3A = arith.constant 0 : index
    tpu.barrier barrier_id(%barrier3A)
    %scan3A_13 = arith.constant 0 : i32
    %scan3A_14 = arith.constant 0 : i32
    %scan3A_15 = arith.constant 80 : i32
    %scan3A_16 = arith.addi %scan3A_14, %scan3A_15 : i32
    %scan3A_17 = arith.constant 1 : i32
    scf.for %scan3A_26 = %scan3A_14 to %scan3A_16 step %scan3A_17  : i32 {
      %dma_start3A = arith.constant 0 : i32
      %dma_start3A_27 = tpu.memref_slice %arg6[%scan3A_26, %dma_start3A] : memref<80x125xi32, #tpu.memory_space<vmem>> -> memref<1x125xi32, #tpu.memory_space<vmem>>
      %dma_start3A_28 = tpu.memref_squeeze %dma_start3A_27 : memref<1x125xi32, #tpu.memory_space<vmem>> -> memref<125xi32, #tpu.memory_space<vmem>>
      %dma_start3A_29 = arith.constant 0 : i32
      %dma_start3A_30 = arith.constant 0 : i32
      %dma_start3A_31 = tpu.memref_slice %arg2[%dma_start3A_29, %dma_start3A_30] : memref<10000x128xf32, #tpu.memory_space<hbm>> -> memref<10000x128xf32, #tpu.memory_space<hbm>>
      tpu.enqueue_indirect_dma source(%dma_start3A_31 : memref<10000x128xf32, #tpu.memory_space<hbm>>) target(%arg8 : memref<125x128xf32, #tpu.memory_space<vmem>>) offsets(%dma_start3A_28 : memref<125xi32, #tpu.memory_space<vmem>>) semaphore(%arg11 : memref<!tpu.dma_semaphore, #tpu.memory_space<semaphore_mem>>)
      %dma_wait3A = arith.constant 0 : i32
      %dma_wait3A_32 = tpu.memref_slice %arg6[%scan3A_26, %dma_wait3A] : memref<80x125xi32, #tpu.memory_space<vmem>> -> memref<1x125xi32, #tpu.memory_space<vmem>>
      %dma_wait3A_33 = tpu.memref_squeeze %dma_wait3A_32 : memref<1x125xi32, #tpu.memory_space<vmem>> -> memref<125xi32, #tpu.memory_space<vmem>>
      %dma_wait3A_34 = arith.constant 0 : i32
      %dma_wait3A_35 = arith.constant 0 : i32
      %dma_wait3A_36 = tpu.memref_slice %arg2[%dma_wait3A_34, %dma_wait3A_35] : memref<10000x128xf32, #tpu.memory_space<hbm>> -> memref<10000x128xf32, #tpu.memory_space<hbm>>
      tpu.wait_indirect_dma semaphore(%arg11 : memref<!tpu.dma_semaphore, #tpu.memory_space<semaphore_mem>>) src(%dma_wait3A_36 : memref<10000x128xf32, #tpu.memory_space<hbm>>) dst(%arg8 : memref<125x128xf32, #tpu.memory_space<vmem>>)
      "tpu.region"() ({
        %run_scoped3A = tpu.sem_alloc : memref<!tpu.dma_semaphore, #tpu.memory_space<semaphore_mem>>
        %dma_start3A_37 = arith.constant 0 : i32
        %dma_start3A_38 = tpu.memref_slice %arg7[%scan3A_26, %dma_start3A_37] : memref<80x125xi32, #tpu.memory_space<vmem>> -> memref<1x125xi32, #tpu.memory_space<vmem>>
        %dma_start3A_39 = tpu.memref_squeeze %dma_start3A_38 : memref<1x125xi32, #tpu.memory_space<vmem>> -> memref<125xi32, #tpu.memory_space<vmem>>
        %dma_start3A_40 = arith.constant 0 : i32
        %dma_start3A_41 = arith.constant 0 : i32
        %dma_start3A_42 = tpu.memref_slice %arg10[%dma_start3A_40, %dma_start3A_41] : memref<10240x128xf32, #tpu.memory_space<vmem_shared>> -> memref<10240x128xf32, #tpu.memory_space<vmem_shared>>
        tpu.enqueue_indirect_dma source(%arg8 : memref<125x128xf32, #tpu.memory_space<vmem>>) target(%dma_start3A_42 : memref<10240x128xf32, #tpu.memory_space<vmem_shared>>) offsets(%dma_start3A_39 : memref<125xi32, #tpu.memory_space<vmem>>) semaphore(%run_scoped3A : memref<!tpu.dma_semaphore, #tpu.memory_space<semaphore_mem>>) {add = true}
        %dma_wait3A_43 = arith.constant 0 : i32
        %dma_wait3A_44 = tpu.memref_slice %arg7[%scan3A_26, %dma_wait3A_43] : memref<80x125xi32, #tpu.memory_space<vmem>> -> memref<1x125xi32, #tpu.memory_space<vmem>>
        %dma_wait3A_45 = tpu.memref_squeeze %dma_wait3A_44 : memref<1x125xi32, #tpu.memory_space<vmem>> -> memref<125xi32, #tpu.memory_space<vmem>>
        %dma_wait3A_46 = arith.constant 0 : i32
        %dma_wait3A_47 = arith.constant 0 : i32
        %dma_wait3A_48 = tpu.memref_slice %arg10[%dma_wait3A_46, %dma_wait3A_47] : memref<10240x128xf32, #tpu.memory_space<vmem_shared>> -> memref<10240x128xf32, #tpu.memory_space<vmem_shared>>
        tpu.wait_indirect_dma semaphore(%run_scoped3A : memref<!tpu.dma_semaphore, #tpu.memory_space<semaphore_mem>>) src(%arg8 : memref<125x128xf32, #tpu.memory_space<vmem>>) dst(%dma_wait3A_48 : memref<10240x128xf32, #tpu.memory_space<vmem_shared>>)
        tpu.yield
      }) : () -> ()
    }
    %scan3A_18 = arith.constant 80 : i32
    %barrier3A_19 = arith.constant 0 : index
    tpu.barrier barrier_id(%barrier3A_19)
    %scan3A_20 = arith.constant 0 : i32
    %scan3A_21 = arith.constant 0 : i32
    %scan3A_22 = arith.constant 20 : i32
    %scan3A_23 = arith.addi %scan3A_21, %scan3A_22 : i32
    %scan3A_24 = arith.constant 1 : i32
    scf.for %scan3A_26 = %scan3A_21 to %scan3A_23 step %scan3A_24  : i32 {
      %mul3A_27 = arith.constant 640 : i32
      %mul3A_28 = arith.muli %arg1, %mul3A_27 : i32
      %mul3A_29 = arith.constant 32 : i32
      %mul3A_30 = arith.muli %scan3A_26, %mul3A_29 : i32
      %add3A_31 = arith.addi %mul3A_28, %mul3A_30 : i32
      "tpu.region"() ({
        %run_scoped3A = tpu.sem_alloc : memref<!tpu.dma_semaphore, #tpu.memory_space<semaphore_mem>>
        %dma_start3A = arith.constant 0 : i32
        %dma_start3A_37 = tpu.memref_slice %arg10[%add3A_31, %dma_start3A] : memref<10240x128xf32, #tpu.memory_space<vmem_shared>> -> memref<32x128xf32, #tpu.memory_space<vmem_shared>>
        %dma_start3A_38 = arith.constant 0 : i32
        %dma_start3A_39 = tpu.memref_slice %arg10[%add3A_31, %dma_start3A_38] : memref<10240x128xf32, #tpu.memory_space<vmem_shared>> -> memref<32x128xf32, #tpu.memory_space<vmem_shared>>
        tpu.enqueue_dma source(%dma_start3A_39 : memref<32x128xf32, #tpu.memory_space<vmem_shared>>) target(%arg9 : memref<32x128xf32, #tpu.memory_space<vmem>>) target_semaphore(%run_scoped3A : memref<!tpu.dma_semaphore, #tpu.memory_space<semaphore_mem>>)
        %dma_wait3A = arith.constant 0 : i32
        %dma_wait3A_40 = tpu.memref_slice %arg10[%add3A_31, %dma_wait3A] : memref<10240x128xf32, #tpu.memory_space<vmem_shared>> -> memref<32x128xf32, #tpu.memory_space<vmem_shared>>
        %dma_wait3A_41 = arith.constant 0 : i32
        %dma_wait3A_42 = tpu.memref_slice %arg10[%add3A_31, %dma_wait3A_41] : memref<10240x128xf32, #tpu.memory_space<vmem_shared>> -> memref<32x128xf32, #tpu.memory_space<vmem_shared>>
        tpu.wait_dma2 semaphore(%run_scoped3A : memref<!tpu.dma_semaphore, #tpu.memory_space<semaphore_mem>>) src(%dma_wait3A_42 : memref<32x128xf32, #tpu.memory_space<vmem_shared>>) dst(%arg9 : memref<32x128xf32, #tpu.memory_space<vmem>>)
        tpu.yield
      }) : () -> ()
      %mul3A_32 = arith.constant 640 : i32
      %mul3A_33 = arith.muli %arg1, %mul3A_32 : i32
      %mul3A_34 = arith.constant 32 : i32
      %mul3A_35 = arith.muli %scan3A_26, %mul3A_34 : i32
      %add3A_36 = arith.addi %mul3A_33, %mul3A_35 : i32
      "tpu.region"() ({
        %run_scoped3A = tpu.sem_alloc : memref<!tpu.dma_semaphore, #tpu.memory_space<semaphore_mem>>
        %dma_start3A = arith.constant 0 : i32
        %dma_start3A_37 = tpu.memref_slice %arg5[%arg0, %add3A_36, %dma_start3A] : memref<2x10240x128xf32, #tpu.memory_space<hbm>> -> memref<1x32x128xf32, #tpu.memory_space<hbm>>
        %dma_start3A_38 = tpu.memref_squeeze %dma_start3A_37 : memref<1x32x128xf32, #tpu.memory_space<hbm>> -> memref<32x128xf32, #tpu.memory_space<hbm>>
        %dma_start3A_39 = arith.constant 0 : i32
        %dma_start3A_40 = tpu.memref_slice %arg5[%arg0, %add3A_36, %dma_start3A_39] : memref<2x10240x128xf32, #tpu.memory_space<hbm>> -> memref<1x32x128xf32, #tpu.memory_space<hbm>>
        %dma_start3A_41 = tpu.memref_squeeze %dma_start3A_40 : memref<1x32x128xf32, #tpu.memory_space<hbm>> -> memref<32x128xf32, #tpu.memory_space<hbm>>
        tpu.enqueue_dma source(%arg9 : memref<32x128xf32, #tpu.memory_space<vmem>>) target(%dma_start3A_41 : memref<32x128xf32, #tpu.memory_space<hbm>>) target_semaphore(%run_scoped3A : memref<!tpu.dma_semaphore, #tpu.memory_space<semaphore_mem>>)
        %dma_wait3A = arith.constant 0 : i32
        %dma_wait3A_42 = tpu.memref_slice %arg5[%arg0, %add3A_36, %dma_wait3A] : memref<2x10240x128xf32, #tpu.memory_space<hbm>> -> memref<1x32x128xf32, #tpu.memory_space<hbm>>
        %dma_wait3A_43 = tpu.memref_squeeze %dma_wait3A_42 : memref<1x32x128xf32, #tpu.memory_space<hbm>> -> memref<32x128xf32, #tpu.memory_space<hbm>>
        %dma_wait3A_44 = arith.constant 0 : i32
        %dma_wait3A_45 = tpu.memref_slice %arg5[%arg0, %add3A_36, %dma_wait3A_44] : memref<2x10240x128xf32, #tpu.memory_space<hbm>> -> memref<1x32x128xf32, #tpu.memory_space<hbm>>
        %dma_wait3A_46 = tpu.memref_squeeze %dma_wait3A_45 : memref<1x32x128xf32, #tpu.memory_space<hbm>> -> memref<32x128xf32, #tpu.memory_space<hbm>>
        tpu.wait_dma2 semaphore(%run_scoped3A : memref<!tpu.dma_semaphore, #tpu.memory_space<semaphore_mem>>) src(%arg9 : memref<32x128xf32, #tpu.memory_space<vmem>>) dst(%dma_wait3A_46 : memref<32x128xf32, #tpu.memory_space<hbm>>)
        tpu.yield
      }) : () -> ()
    }
    %scan3A_25 = arith.constant 20 : i32
    return
  }
}

#map = affine_map<(d0, d1) -> (0, 0)>
#map1 = affine_map<(d0, d1) -> (0, 0, 0)>
module attributes {stable_mosaic.version = 14 : i64} {
  func.func @k(%arg0: i32, %arg1: i32, %arg2: memref<10000x128xf32, #tpu.memory_space<hbm>>, %arg3: memref<32x80x125xi32, #tpu.memory_space<hbm>>, %arg4: memref<32x80x125xi32, #tpu.memory_space<hbm>>, %arg5: memref<2x10240x128xf32, #tpu.memory_space<hbm>>, %arg6: memref<80x125xi32, #tpu.memory_space<vmem>>, %arg7: memref<80x125xi32, #tpu.memory_space<vmem>>, %arg8: memref<125x128xf32, #tpu.memory_space<vmem>>, %arg9: memref<32x128xf32, #tpu.memory_space<vmem>>, %arg10: memref<10240x128xf32, #tpu.memory_space<vmem_shared>>, %arg11: memref<!tpu.dma_semaphore, #tpu.memory_space<semaphore_mem>>) attributes {dimension_semantics = [#tpu.dimension_semantics<core_parallel>, #tpu.dimension_semantics<subcore_parallel>], iteration_bounds = array<i64: 2, 16>, scalar_prefetch = 0 : i64, scratch_operands = 6 : i64, tpu.core_type = #tpu.core_type<sc_vector_subcore>, window_params = [{transform_indices = #map}, {transform_indices = #map1}, {transform_indices = #map1}, {transform_indices = #map1}]} {
    %mul3A = arith.constant 2 : i32
    %mul3A_0 = arith.muli %arg1, %mul3A : i32
    %add3A = arith.addi %mul3A_0, %arg0 : i32
    %broadcast_in_dim3A = arith.constant 0.000000e+00 : f32
    %broadcast_in_dim3A_1 = vector.broadcast %broadcast_in_dim3A : f32 to vector<16xf32>
    "tpu.region"() ({
      %run_scoped3A = tpu.sem_alloc : memref<!tpu.dma_semaphore, #tpu.memory_space<semaphore_mem>>
      %dma_start3A = arith.constant 0 : i32
      %dma_start3A_26 = arith.constant 0 : i32
      %dma_start3A_27 = tpu.memref_slice %arg3[%add3A, %dma_start3A, %dma_start3A_26] : memref<32x80x125xi32, #tpu.memory_space<hbm>> -> memref<1x80x125xi32, #tpu.memory_space<hbm>>
      %dma_start3A_28 = tpu.memref_squeeze %dma_start3A_27 : memref<1x80x125xi32, #tpu.memory_space<hbm>> -> memref<80x125xi32, #tpu.memory_space<hbm>>
      %dma_start3A_29 = arith.constant 0 : i32
      %dma_start3A_30 = arith.constant 0 : i32
      %dma_start3A_31 = tpu.memref_slice %arg3[%add3A, %dma_start3A_29, %dma_start3A_30] : memref<32x80x125xi32, #tpu.memory_space<hbm>> -> memref<1x80x125xi32, #tpu.memory_space<hbm>>
      %dma_start3A_32 = tpu.memref_squeeze %dma_start3A_31 : memref<1x80x125xi32, #tpu.memory_space<hbm>> -> memref<80x125xi32, #tpu.memory_space<hbm>>
      tpu.enqueue_dma source(%dma_start3A_32 : memref<80x125xi32, #tpu.memory_space<hbm>>) target(%arg6 : memref<80x125xi32, #tpu.memory_space<vmem>>) target_semaphore(%run_scoped3A : memref<!tpu.dma_semaphore, #tpu.memory_space<semaphore_mem>>)
      %dma_wait3A = arith.constant 0 : i32
      %dma_wait3A_33 = arith.constant 0 : i32
      %dma_wait3A_34 = tpu.memref_slice %arg3[%add3A, %dma_wait3A, %dma_wait3A_33] : memref<32x80x125xi32, #tpu.memory_space<hbm>> -> memref<1x80x125xi32, #tpu.memory_space<hbm>>
      %dma_wait3A_35 = tpu.memref_squeeze %dma_wait3A_34 : memref<1x80x125xi32, #tpu.memory_space<hbm>> -> memref<80x125xi32, #tpu.memory_space<hbm>>
      %dma_wait3A_36 = arith.constant 0 : i32
      %dma_wait3A_37 = arith.constant 0 : i32
      %dma_wait3A_38 = tpu.memref_slice %arg3[%add3A, %dma_wait3A_36, %dma_wait3A_37] : memref<32x80x125xi32, #tpu.memory_space<hbm>> -> memref<1x80x125xi32, #tpu.memory_space<hbm>>
      %dma_wait3A_39 = tpu.memref_squeeze %dma_wait3A_38 : memref<1x80x125xi32, #tpu.memory_space<hbm>> -> memref<80x125xi32, #tpu.memory_space<hbm>>
      tpu.wait_dma2 semaphore(%run_scoped3A : memref<!tpu.dma_semaphore, #tpu.memory_space<semaphore_mem>>) src(%dma_wait3A_39 : memref<80x125xi32, #tpu.memory_space<hbm>>) dst(%arg6 : memref<80x125xi32, #tpu.memory_space<vmem>>)
      tpu.yield
    }) : () -> ()
    "tpu.region"() ({
      %run_scoped3A = tpu.sem_alloc : memref<!tpu.dma_semaphore, #tpu.memory_space<semaphore_mem>>
      %dma_start3A = arith.constant 0 : i32
      %dma_start3A_26 = arith.constant 0 : i32
      %dma_start3A_27 = tpu.memref_slice %arg4[%add3A, %dma_start3A, %dma_start3A_26] : memref<32x80x125xi32, #tpu.memory_space<hbm>> -> memref<1x80x125xi32, #tpu.memory_space<hbm>>
      %dma_start3A_28 = tpu.memref_squeeze %dma_start3A_27 : memref<1x80x125xi32, #tpu.memory_space<hbm>> -> memref<80x125xi32, #tpu.memory_space<hbm>>
      %dma_start3A_29 = arith.constant 0 : i32
      %dma_start3A_30 = arith.constant 0 : i32
      %dma_start3A_31 = tpu.memref_slice %arg4[%add3A, %dma_start3A_29, %dma_start3A_30] : memref<32x80x125xi32, #tpu.memory_space<hbm>> -> memref<1x80x125xi32, #tpu.memory_space<hbm>>
      %dma_start3A_32 = tpu.memref_squeeze %dma_start3A_31 : memref<1x80x125xi32, #tpu.memory_space<hbm>> -> memref<80x125xi32, #tpu.memory_space<hbm>>
      tpu.enqueue_dma source(%dma_start3A_32 : memref<80x125xi32, #tpu.memory_space<hbm>>) target(%arg7 : memref<80x125xi32, #tpu.memory_space<vmem>>) target_semaphore(%run_scoped3A : memref<!tpu.dma_semaphore, #tpu.memory_space<semaphore_mem>>)
      %dma_wait3A = arith.constant 0 : i32
      %dma_wait3A_33 = arith.constant 0 : i32
      %dma_wait3A_34 = tpu.memref_slice %arg4[%add3A, %dma_wait3A, %dma_wait3A_33] : memref<32x80x125xi32, #tpu.memory_space<hbm>> -> memref<1x80x125xi32, #tpu.memory_space<hbm>>
      %dma_wait3A_35 = tpu.memref_squeeze %dma_wait3A_34 : memref<1x80x125xi32, #tpu.memory_space<hbm>> -> memref<80x125xi32, #tpu.memory_space<hbm>>
      %dma_wait3A_36 = arith.constant 0 : i32
      %dma_wait3A_37 = arith.constant 0 : i32
      %dma_wait3A_38 = tpu.memref_slice %arg4[%add3A, %dma_wait3A_36, %dma_wait3A_37] : memref<32x80x125xi32, #tpu.memory_space<hbm>> -> memref<1x80x125xi32, #tpu.memory_space<hbm>>
      %dma_wait3A_39 = tpu.memref_squeeze %dma_wait3A_38 : memref<1x80x125xi32, #tpu.memory_space<hbm>> -> memref<80x125xi32, #tpu.memory_space<hbm>>
      tpu.wait_dma2 semaphore(%run_scoped3A : memref<!tpu.dma_semaphore, #tpu.memory_space<semaphore_mem>>) src(%dma_wait3A_39 : memref<80x125xi32, #tpu.memory_space<hbm>>) dst(%arg7 : memref<80x125xi32, #tpu.memory_space<vmem>>)
      tpu.yield
    }) : () -> ()
    %scan3A = arith.constant 0 : i32
    %scan3A_2 = arith.constant 0 : i32
    %scan3A_3 = arith.constant 256 : i32
    %scan3A_4 = arith.addi %scan3A_2, %scan3A_3 : i32
    %scan3A_5 = arith.constant 1 : i32
    scf.for %scan3A_26 = %scan3A_2 to %scan3A_4 step %scan3A_5  : i32 {
      %jit3A = arith.constant 8 : i32
      %div3A = arith.divsi %scan3A_26, %jit3A : i32
      %sign3A = arith.constant 0 : i32
      %sign3A_27 = arith.cmpi sgt, %scan3A_26, %sign3A : i32
      %sign3A_28 = arith.extui %sign3A_27 : i1 to i32
      %sign3A_29 = arith.constant 0 : i32
      %sign3A_30 = arith.cmpi slt, %scan3A_26, %sign3A_29 : i32
      %sign3A_31 = arith.extui %sign3A_30 : i1 to i32
      %sign3A_32 = arith.subi %sign3A_28, %sign3A_31 : i32
      %sign3A_33 = arith.constant 0 : i32
      %sign3A_34 = arith.cmpi sgt, %jit3A, %sign3A_33 : i32
      %sign3A_35 = arith.extui %sign3A_34 : i1 to i32
      %sign3A_36 = arith.constant 0 : i32
      %sign3A_37 = arith.cmpi slt, %jit3A, %sign3A_36 : i32
      %sign3A_38 = arith.extui %sign3A_37 : i1 to i32
      %sign3A_39 = arith.subi %sign3A_35, %sign3A_38 : i32
      %ne3A = arith.cmpi ne, %sign3A_32, %sign3A_39 : i32
      %rem3A = arith.remsi %scan3A_26, %jit3A : i32
      %ne3A_40 = arith.constant 0 : i32
      %ne3A_41 = arith.cmpi ne, %rem3A, %ne3A_40 : i32
      %and3A = arith.andi %ne3A, %ne3A_41 : i1
      %sub3A = arith.constant 1 : i32
      %sub3A_42 = arith.subi %div3A, %sub3A : i32
      %select_n3A = arith.select %and3A, %sub3A_42, %div3A : i32
      %jit3A_43 = arith.constant 8 : i32
      %eq3A = arith.constant 0 : i32
      %eq3A_44 = arith.cmpi eq, %jit3A_43, %eq3A : i32
      %jit3A_45 = arith.constant 1 : i32
      %select_n3A_46 = arith.select %eq3A_44, %jit3A_45, %jit3A_43 : i32
      %rem3A_47 = arith.remsi %scan3A_26, %select_n3A_46 : i32
      %ne3A_48 = arith.constant 0 : i32
      %ne3A_49 = arith.cmpi ne, %rem3A_47, %ne3A_48 : i32
      %lt3A = arith.constant 0 : i32
      %lt3A_50 = arith.cmpi slt, %rem3A_47, %lt3A : i32
      %lt3A_51 = arith.constant 0 : i32
      %lt3A_52 = arith.cmpi slt, %select_n3A_46, %lt3A_51 : i32
      %ne3A_53 = arith.xori %lt3A_50, %lt3A_52 : i1
      %and3A_54 = arith.andi %ne3A_53, %ne3A_49 : i1
      %add3A_55 = arith.addi %rem3A_47, %select_n3A_46 : i32
      %select_n3A_56 = arith.select %and3A_54, %add3A_55, %rem3A_47 : i32
      %mul3A_57 = arith.constant 16 : i32
      %mul3A_58 = arith.muli %select_n3A_56, %mul3A_57 : i32
      %swap3A = arith.index_cast %select_n3A : i32 to index
      %swap3A_59 = arith.index_cast %mul3A_58 : i32 to index
      %swap3A_60 = tpu.vector_load %arg9[%swap3A, %swap3A_59] {strides = array<i32>} : memref<32x128xf32, #tpu.memory_space<vmem>>, vector<1x16xf32>,
      %swap3A_61 = vector.shape_cast %swap3A_60 : vector<1x16xf32> to vector<16xf32>
      %swap3A_62 = vector.shape_cast %broadcast_in_dim3A_1 : vector<16xf32> to vector<1x16xf32>
      tpu.vector_store %arg9[%swap3A, %swap3A_59], %swap3A_62 {strides = array<i32>} : memref<32x128xf32, #tpu.memory_space<vmem>>, vector<1x16xf32>,
    }
    %scan3A_6 = arith.constant 256 : i32
    %scan3A_7 = arith.constant 0 : i32
    %scan3A_8 = arith.constant 0 : i32
    %scan3A_9 = arith.constant 20 : i32
    %scan3A_10 = arith.addi %scan3A_8, %scan3A_9 : i32
    %scan3A_11 = arith.constant 1 : i32
    scf.for %scan3A_26 = %scan3A_8 to %scan3A_10 step %scan3A_11  : i32 {
      %mul3A_27 = arith.constant 640 : i32
      %mul3A_28 = arith.muli %arg1, %mul3A_27 : i32
      %mul3A_29 = arith.constant 32 : i32
      %mul3A_30 = arith.muli %scan3A_26, %mul3A_29 : i32
      %add3A_31 = arith.addi %mul3A_28, %mul3A_30 : i32
      "tpu.region"() ({
        %run_scoped3A = tpu.sem_alloc : memref<!tpu.dma_semaphore, #tpu.memory_space<semaphore_mem>>
        %dma_start3A = arith.constant 0 : i32
        %dma_start3A_32 = tpu.memref_slice %arg10[%add3A_31, %dma_start3A] : memref<10240x128xf32, #tpu.memory_space<vmem_shared>> -> memref<32x128xf32, #tpu.memory_space<vmem_shared>>
        %dma_start3A_33 = arith.constant 0 : i32
        %dma_start3A_34 = tpu.memref_slice %arg10[%add3A_31, %dma_start3A_33] : memref<10240x128xf32, #tpu.memory_space<vmem_shared>> -> memref<32x128xf32, #tpu.memory_space<vmem_shared>>
        tpu.enqueue_dma source(%arg9 : memref<32x128xf32, #tpu.memory_space<vmem>>) target(%dma_start3A_34 : memref<32x128xf32, #tpu.memory_space<vmem_shared>>) target_semaphore(%run_scoped3A : memref<!tpu.dma_semaphore, #tpu.memory_space<semaphore_mem>>)
        %dma_wait3A = arith.constant 0 : i32
        %dma_wait3A_35 = tpu.memref_slice %arg10[%add3A_31, %dma_wait3A] : memref<10240x128xf32, #tpu.memory_space<vmem_shared>> -> memref<32x128xf32, #tpu.memory_space<vmem_shared>>
        %dma_wait3A_36 = arith.constant 0 : i32
        %dma_wait3A_37 = tpu.memref_slice %arg10[%add3A_31, %dma_wait3A_36] : memref<10240x128xf32, #tpu.memory_space<vmem_shared>> -> memref<32x128xf32, #tpu.memory_space<vmem_shared>>
        tpu.wait_dma2 semaphore(%run_scoped3A : memref<!tpu.dma_semaphore, #tpu.memory_space<semaphore_mem>>) src(%arg9 : memref<32x128xf32, #tpu.memory_space<vmem>>) dst(%dma_wait3A_37 : memref<32x128xf32, #tpu.memory_space<vmem_shared>>)
        tpu.yield
      }) : () -> ()
    }
    %scan3A_12 = arith.constant 20 : i32
    %barrier3A = arith.constant 0 : index
    tpu.barrier barrier_id(%barrier3A)
    %scan3A_13 = arith.constant 0 : i32
    %scan3A_14 = arith.constant 0 : i32
    %scan3A_15 = arith.constant 80 : i32
    %scan3A_16 = arith.addi %scan3A_14, %scan3A_15 : i32
    %scan3A_17 = arith.constant 1 : i32
    scf.for %scan3A_26 = %scan3A_14 to %scan3A_16 step %scan3A_17  : i32 {
      %dma_start3A = arith.constant 0 : i32
      %dma_start3A_27 = tpu.memref_slice %arg6[%scan3A_26, %dma_start3A] : memref<80x125xi32, #tpu.memory_space<vmem>> -> memref<1x125xi32, #tpu.memory_space<vmem>>
      %dma_start3A_28 = tpu.memref_squeeze %dma_start3A_27 : memref<1x125xi32, #tpu.memory_space<vmem>> -> memref<125xi32, #tpu.memory_space<vmem>>
      %dma_start3A_29 = arith.constant 0 : i32
      %dma_start3A_30 = arith.constant 0 : i32
      %dma_start3A_31 = tpu.memref_slice %arg2[%dma_start3A_29, %dma_start3A_30] : memref<10000x128xf32, #tpu.memory_space<hbm>> -> memref<10000x128xf32, #tpu.memory_space<hbm>>
      tpu.enqueue_indirect_dma source(%dma_start3A_31 : memref<10000x128xf32, #tpu.memory_space<hbm>>) target(%arg8 : memref<125x128xf32, #tpu.memory_space<vmem>>) offsets(%dma_start3A_28 : memref<125xi32, #tpu.memory_space<vmem>>) semaphore(%arg11 : memref<!tpu.dma_semaphore, #tpu.memory_space<semaphore_mem>>)
      %dma_wait3A = arith.constant 0 : i32
      %dma_wait3A_32 = tpu.memref_slice %arg6[%scan3A_26, %dma_wait3A] : memref<80x125xi32, #tpu.memory_space<vmem>> -> memref<1x125xi32, #tpu.memory_space<vmem>>
      %dma_wait3A_33 = tpu.memref_squeeze %dma_wait3A_32 : memref<1x125xi32, #tpu.memory_space<vmem>> -> memref<125xi32, #tpu.memory_space<vmem>>
      %dma_wait3A_34 = arith.constant 0 : i32
      %dma_wait3A_35 = arith.constant 0 : i32
      %dma_wait3A_36 = tpu.memref_slice %arg2[%dma_wait3A_34, %dma_wait3A_35] : memref<10000x128xf32, #tpu.memory_space<hbm>> -> memref<10000x128xf32, #tpu.memory_space<hbm>>
      tpu.wait_indirect_dma semaphore(%arg11 : memref<!tpu.dma_semaphore, #tpu.memory_space<semaphore_mem>>) src(%dma_wait3A_36 : memref<10000x128xf32, #tpu.memory_space<hbm>>) dst(%arg8 : memref<125x128xf32, #tpu.memory_space<vmem>>)
      "tpu.region"() ({
        %run_scoped3A = tpu.sem_alloc : memref<!tpu.dma_semaphore, #tpu.memory_space<semaphore_mem>>
        %dma_start3A_37 = arith.constant 0 : i32
        %dma_start3A_38 = tpu.memref_slice %arg7[%scan3A_26, %dma_start3A_37] : memref<80x125xi32, #tpu.memory_space<vmem>> -> memref<1x125xi32, #tpu.memory_space<vmem>>
        %dma_start3A_39 = tpu.memref_squeeze %dma_start3A_38 : memref<1x125xi32, #tpu.memory_space<vmem>> -> memref<125xi32, #tpu.memory_space<vmem>>
        %dma_start3A_40 = arith.constant 0 : i32
        %dma_start3A_41 = arith.constant 0 : i32
        %dma_start3A_42 = tpu.memref_slice %arg10[%dma_start3A_40, %dma_start3A_41] : memref<10240x128xf32, #tpu.memory_space<vmem_shared>> -> memref<10240x128xf32, #tpu.memory_space<vmem_shared>>
        tpu.enqueue_indirect_dma source(%arg8 : memref<125x128xf32, #tpu.memory_space<vmem>>) target(%dma_start3A_42 : memref<10240x128xf32, #tpu.memory_space<vmem_shared>>) offsets(%dma_start3A_39 : memref<125xi32, #tpu.memory_space<vmem>>) semaphore(%run_scoped3A : memref<!tpu.dma_semaphore, #tpu.memory_space<semaphore_mem>>) {add = true}
        %dma_wait3A_43 = arith.constant 0 : i32
        %dma_wait3A_44 = tpu.memref_slice %arg7[%scan3A_26, %dma_wait3A_43] : memref<80x125xi32, #tpu.memory_space<vmem>> -> memref<1x125xi32, #tpu.memory_space<vmem>>
        %dma_wait3A_45 = tpu.memref_squeeze %dma_wait3A_44 : memref<1x125xi32, #tpu.memory_space<vmem>> -> memref<125xi32, #tpu.memory_space<vmem>>
        %dma_wait3A_46 = arith.constant 0 : i32
        %dma_wait3A_47 = arith.constant 0 : i32
        %dma_wait3A_48 = tpu.memref_slice %arg10[%dma_wait3A_46, %dma_wait3A_47] : memref<10240x128xf32, #tpu.memory_space<vmem_shared>> -> memref<10240x128xf32, #tpu.memory_space<vmem_shared>>
        tpu.wait_indirect_dma semaphore(%run_scoped3A : memref<!tpu.dma_semaphore, #tpu.memory_space<semaphore_mem>>) src(%arg8 : memref<125x128xf32, #tpu.memory_space<vmem>>) dst(%dma_wait3A_48 : memref<10240x128xf32, #tpu.memory_space<vmem_shared>>)
        tpu.yield
      }) : () -> ()
    }
    %scan3A_18 = arith.constant 80 : i32
    %barrier3A_19 = arith.constant 0 : index
    tpu.barrier barrier_id(%barrier3A_19)
    %scan3A_20 = arith.constant 0 : i32
    %scan3A_21 = arith.constant 0 : i32
    %scan3A_22 = arith.constant 20 : i32
    %scan3A_23 = arith.addi %scan3A_21, %scan3A_22 : i32
    %scan3A_24 = arith.constant 1 : i32
    scf.for %scan3A_26 = %scan3A_21 to %scan3A_23 step %scan3A_24  : i32 {
      %mul3A_27 = arith.constant 640 : i32
      %mul3A_28 = arith.muli %arg1, %mul3A_27 : i32
      %mul3A_29 = arith.constant 32 : i32
      %mul3A_30 = arith.muli %scan3A_26, %mul3A_29 : i32
      %add3A_31 = arith.addi %mul3A_28, %mul3A_30 : i32
      "tpu.region"() ({
        %run_scoped3A = tpu.sem_alloc : memref<!tpu.dma_semaphore, #tpu.memory_space<semaphore_mem>>
        %dma_start3A = arith.constant 0 : i32
        %dma_start3A_37 = tpu.memref_slice %arg10[%add3A_31, %dma_start3A] : memref<10240x128xf32, #tpu.memory_space<vmem_shared>> -> memref<32x128xf32, #tpu.memory_space<vmem_shared>>
        %dma_start3A_38 = arith.constant 0 : i32
        %dma_start3A_39 = tpu.memref_slice %arg10[%add3A_31, %dma_start3A_38] : memref<10240x128xf32, #tpu.memory_space<vmem_shared>> -> memref<32x128xf32, #tpu.memory_space<vmem_shared>>
        tpu.enqueue_dma source(%dma_start3A_39 : memref<32x128xf32, #tpu.memory_space<vmem_shared>>) target(%arg9 : memref<32x128xf32, #tpu.memory_space<vmem>>) target_semaphore(%run_scoped3A : memref<!tpu.dma_semaphore, #tpu.memory_space<semaphore_mem>>)
        %dma_wait3A = arith.constant 0 : i32
        %dma_wait3A_40 = tpu.memref_slice %arg10[%add3A_31, %dma_wait3A] : memref<10240x128xf32, #tpu.memory_space<vmem_shared>> -> memref<32x128xf32, #tpu.memory_space<vmem_shared>>
        %dma_wait3A_41 = arith.constant 0 : i32
        %dma_wait3A_42 = tpu.memref_slice %arg10[%add3A_31, %dma_wait3A_41] : memref<10240x128xf32, #tpu.memory_space<vmem_shared>> -> memref<32x128xf32, #tpu.memory_space<vmem_shared>>
        tpu.wait_dma2 semaphore(%run_scoped3A : memref<!tpu.dma_semaphore, #tpu.memory_space<semaphore_mem>>) src(%dma_wait3A_42 : memref<32x128xf32, #tpu.memory_space<vmem_shared>>) dst(%arg9 : memref<32x128xf32, #tpu.memory_space<vmem>>)
        tpu.yield
      }) : () -> ()
      %mul3A_32 = arith.constant 640 : i32
      %mul3A_33 = arith.muli %arg1, %mul3A_32 : i32
      %mul3A_34 = arith.constant 32 : i32
      %mul3A_35 = arith.muli %scan3A_26, %mul3A_34 : i32
      %add3A_36 = arith.addi %mul3A_33, %mul3A_35 : i32
      "tpu.region"() ({
        %run_scoped3A = tpu.sem_alloc : memref<!tpu.dma_semaphore, #tpu.memory_space<semaphore_mem>>
        %dma_start3A = arith.constant 0 : i32
        %dma_start3A_37 = tpu.memref_slice %arg5[%arg0, %add3A_36, %dma_start3A] : memref<2x10240x128xf32, #tpu.memory_space<hbm>> -> memref<1x32x128xf32, #tpu.memory_space<hbm>>
        %dma_start3A_38 = tpu.memref_squeeze %dma_start3A_37 : memref<1x32x128xf32, #tpu.memory_space<hbm>> -> memref<32x128xf32, #tpu.memory_space<hbm>>
        %dma_start3A_39 = arith.constant 0 : i32
        %dma_start3A_40 = tpu.memref_slice %arg5[%arg0, %add3A_36, %dma_start3A_39] : memref<2x10240x128xf32, #tpu.memory_space<hbm>> -> memref<1x32x128xf32, #tpu.memory_space<hbm>>
        %dma_start3A_41 = tpu.memref_squeeze %dma_start3A_40 : memref<1x32x128xf32, #tpu.memory_space<hbm>> -> memref<32x128xf32, #tpu.memory_space<hbm>>
        tpu.enqueue_dma source(%arg9 : memref<32x128xf32, #tpu.memory_space<vmem>>) target(%dma_start3A_41 : memref<32x128xf32, #tpu.memory_space<hbm>>) target_semaphore(%run_scoped3A : memref<!tpu.dma_semaphore, #tpu.memory_space<semaphore_mem>>)
        %dma_wait3A = arith.constant 0 : i32
        %dma_wait3A_42 = tpu.memref_slice %arg5[%arg0, %add3A_36, %dma_wait3A] : memref<2x10240x128xf32, #tpu.memory_space<hbm>> -> memref<1x32x128xf32, #tpu.memory_space<hbm>>
        %dma_wait3A_43 = tpu.memref_squeeze %dma_wait3A_42 : memref<1x32x128xf32, #tpu.memory_space<hbm>> -> memref<32x128xf32, #tpu.memory_space<hbm>>
        %dma_wait3A_44 = arith.constant 0 : i32
        %dma_wait3A_45 = tpu.memref_slice %arg5[%arg0, %add3A_36, %dma_wait3A_44] : memref<2x10240x128xf32, #tpu.memory_space<hbm>> -> memref<1x32x128xf32, #tpu.memory_space<hbm>>
        %dma_wait3A_46 = tpu.memref_squeeze %dma_wait3A_45 : memref<1x32x128xf32, #tpu.memory_space<hbm>> -> memref<32x128xf32, #tpu.memory_space<hbm>>
        tpu.wait_dma2 semaphore(%run_scoped3A : memref<!tpu.dma_semaphore, #tpu.memory_space<semaphore_mem>>) src(%arg9 : memref<32x128xf32, #tpu.memory_space<vmem>>) dst(%dma_wait3A_46 : memref<32x128xf32, #tpu.memory_space<hbm>>)
        tpu.yield
      }) : () -> ()
    }
    %scan3A_25 = arith.constant 20 : i32
    return
  }
}

module attributes {stable_mosaic.version = 14 : i64} {
  func.func @body(%arg0: i32, %arg1: memref<1000x128xf32, #tpu.memory_space<vmem>>, %arg2: memref<2x1000x1xf32, #tpu.memory_space<vmem>>, %arg3: memref<1x128xf32, #tpu.memory_space<vmem>>, %arg4: memref<1x128xf32, #tpu.memory_space<vmem>>, %arg5: memref<4x128x128xf32, #tpu.memory_space<vmem>>, %arg6: memref<128x128xf32, #tpu.memory_space<vmem>>, %arg7: memref<1x128xf32, #tpu.memory_space<vmem>>, %arg8: memref<1000x128xf32, #tpu.memory_space<vmem>>, %arg9: memref<1000x1xf32, #tpu.memory_space<vmem>>) attributes {dimension_semantics = [#tpu.dimension_semantics<arbitrary>], iteration_bounds = array<i64: 10>, scalar_prefetch = 0 : i64, scratch_operands = 0 : i64, tpu.core_type = #tpu.core_type<tc>, window_params = [{transform_indices = @transform_0, window_bounds = array<i64: 1000, 128>}, {transform_indices = @transform_1, window_bounds = array<i64: 2, 1000, 1>}, {pipeline_mode = #tpu.pipeline_mode<synchronous>, transform_indices = @transform_2, window_bounds = array<i64: 1, 128>}, {pipeline_mode = #tpu.pipeline_mode<synchronous>, transform_indices = @transform_3, window_bounds = array<i64: 1, 128>}, {pipeline_mode = #tpu.pipeline_mode<synchronous>, transform_indices = @transform_4, window_bounds = array<i64: 4, 128, 128>}, {pipeline_mode = #tpu.pipeline_mode<synchronous>, transform_indices = @transform_5, window_bounds = array<i64: 128, 128>}, {pipeline_mode = #tpu.pipeline_mode<synchronous>, transform_indices = @transform_6, window_bounds = array<i64: 1, 128>}, {transform_indices = @transform_7, window_bounds = array<i64: 1000, 128>}, {transform_indices = @transform_8, window_bounds = array<i64: 1000, 1>}]} {
    %get3A = arith.constant 0 : index
    %get3A_0 = arith.constant 0 : index
    %get3A_1 = arith.constant 0 : index
    %get3A_2 = vector.load %arg2[%get3A, %get3A_0, %get3A_1] : memref<2x1000x1xf32, #tpu.memory_space<vmem>>, vector<1x1000x1xf32>
    %get3A_3 = vector.shape_cast %get3A_2 : vector<1x1000x1xf32> to vector<1000x1xf32>
    %get3A_4 = arith.constant 1 : index
    %get3A_5 = arith.constant 0 : index
    %get3A_6 = arith.constant 0 : index
    %get3A_7 = vector.load %arg2[%get3A_4, %get3A_5, %get3A_6] : memref<2x1000x1xf32, #tpu.memory_space<vmem>>, vector<1x1000x1xf32>
    %get3A_8 = vector.shape_cast %get3A_7 : vector<1x1000x1xf32> to vector<1000x1xf32>
    %add3A = arith.addf %get3A_3, %get3A_8 : vector<1000x1xf32>
    %add3A_9 = arith.constant 1.000000e+00 : f32
    %add3A_10 = vector.broadcast %add3A_9 : f32 to vector<1000x1xf32>
    %add3A_11 = arith.addf %add3A, %add3A_10 : vector<1000x1xf32>
    %rsqrt3A = math.rsqrt %add3A_11 : vector<1000x1xf32>
    %get3A_12 = arith.constant 0 : index
    %get3A_13 = arith.constant 0 : index
    %get3A_14 = vector.load %arg1[%get3A_12, %get3A_13] : memref<1000x128xf32, #tpu.memory_space<vmem>>, vector<1000x128xf32>
    %get3A_15 = arith.constant 0 : index
    %get3A_16 = arith.constant 0 : index
    %get3A_17 = vector.load %arg3[%get3A_15, %get3A_16] : memref<1x128xf32, #tpu.memory_space<vmem>>, vector<1x128xf32>
    %get3A_18 = arith.constant 0 : index
    %get3A_19 = arith.constant 0 : index
    %get3A_20 = vector.load %arg4[%get3A_18, %get3A_19] : memref<1x128xf32, #tpu.memory_space<vmem>>, vector<1x128xf32>
    %get3A_21 = arith.constant 0 : index
    %get3A_22 = arith.constant 0 : index
    %get3A_23 = vector.load %arg6[%get3A_21, %get3A_22] : memref<128x128xf32, #tpu.memory_space<vmem>>, vector<128x128xf32>
    %get3A_24 = arith.constant 0 : index
    %get3A_25 = arith.constant 0 : index
    %get3A_26 = vector.load %arg7[%get3A_24, %get3A_25] : memref<1x128xf32, #tpu.memory_space<vmem>>, vector<1x128xf32>
    %reduce_sum3A = arith.constant dense<0.000000e+00> : vector<1000xf32>
    %reduce_sum3A_27 = vector.multi_reduction <add>, %get3A_14, %reduce_sum3A [1] : vector<1000x128xf32> to vector<1000xf32>
    %broadcast_in_dim3A = vector.shape_cast %reduce_sum3A_27 : vector<1000xf32> to vector<1000x1xf32>
    %div3A = arith.constant 1.280000e+02 : f32
    %div3A_28 = vector.broadcast %div3A : f32 to vector<1000x1xf32>
    %div3A_29 = arith.divf %broadcast_in_dim3A, %div3A_28 : vector<1000x1xf32>
    %sub3A = vector.broadcast %div3A_29 : vector<1000x1xf32> to vector<1000x128xf32>
    %sub3A_30 = arith.subf %get3A_14, %sub3A : vector<1000x128xf32>
    %mul3A = arith.mulf %sub3A_30, %sub3A_30 : vector<1000x128xf32>
    %reduce_sum3A_31 = arith.constant dense<0.000000e+00> : vector<1000xf32>
    %reduce_sum3A_32 = vector.multi_reduction <add>, %mul3A, %reduce_sum3A_31 [1] : vector<1000x128xf32> to vector<1000xf32>
    %broadcast_in_dim3A_33 = vector.shape_cast %reduce_sum3A_32 : vector<1000xf32> to vector<1000x1xf32>
    %div3A_34 = arith.constant 1.280000e+02 : f32
    %div3A_35 = vector.broadcast %div3A_34 : f32 to vector<1000x1xf32>
    %div3A_36 = arith.divf %broadcast_in_dim3A_33, %div3A_35 : vector<1000x1xf32>
    %add3A_37 = arith.constant 9.99999974E-6 : f32
    %add3A_38 = vector.broadcast %add3A_37 : f32 to vector<1000x1xf32>
    %add3A_39 = arith.addf %div3A_36, %add3A_38 : vector<1000x1xf32>
    %rsqrt3A_40 = math.rsqrt %add3A_39 : vector<1000x1xf32>
    %mul3A_41 = vector.broadcast %rsqrt3A_40 : vector<1000x1xf32> to vector<1000x128xf32>
    %mul3A_42 = arith.mulf %sub3A_30, %mul3A_41 : vector<1000x128xf32>
    %mul3A_43 = vector.broadcast %get3A_17 : vector<1x128xf32> to vector<1000x128xf32>
    %mul3A_44 = arith.mulf %mul3A_42, %mul3A_43 : vector<1000x128xf32>
    %add3A_45 = vector.broadcast %get3A_20 : vector<1x128xf32> to vector<1000x128xf32>
    %add3A_46 = arith.addf %mul3A_44, %add3A_45 : vector<1000x128xf32>
    %logistic3A = arith.negf %get3A_14 : vector<1000x128xf32>
    %logistic3A_47 = math.exp %logistic3A : vector<1000x128xf32>
    %logistic3A_48 = arith.constant 1.000000e+00 : f32
    %logistic3A_49 = vector.broadcast %logistic3A_48 : f32 to vector<1000x128xf32>
    %logistic3A_50 = arith.addf %logistic3A_49, %logistic3A_47 : vector<1000x128xf32>
    %logistic3A_51 = arith.divf %logistic3A_49, %logistic3A_50 : vector<1000x128xf32>
    %mul3A_52 = arith.mulf %get3A_14, %logistic3A_51 : vector<1000x128xf32>
    %dot_general3A = arith.constant dense<0.000000e+00> : vector<1000x128xf32>
    %dot_general3A_53 = tpu.matmul %mul3A_52, %get3A_23, %dot_general3A {dimension_numbers = #tpu.dot_dimension_numbers<[1], [0], [0], [1], [0, 0, 1, 1], [], []>, transpose_lhs_hint = false} : vector<1000x128xf32>, vector<128x128xf32>, vector<1000x128xf32> -> vector<1000x128xf32>
    %sub3A_54 = arith.constant -2.000000e+00 : f32
    %sub3A_55 = vector.broadcast %sub3A_54 : f32 to vector<1000x128xf32>
    %sub3A_56 = arith.subf %add3A_46, %sub3A_55 : vector<1000x128xf32>
    %mul3A_57 = arith.constant 7.500000e-01 : f32
    %mul3A_58 = vector.broadcast %mul3A_57 : f32 to vector<1000x128xf32>
    %mul3A_59 = arith.mulf %sub3A_56, %mul3A_58 : vector<1000x128xf32>
    %neg3A = arith.constant 0.000000e+00 : f32
    %neg3A_60 = vector.broadcast %neg3A : f32 to vector<1000x128xf32>
    %neg3A_61 = arith.subf %neg3A_60, %mul3A_59 : vector<1000x128xf32>
    %mul3A_62 = arith.mulf %neg3A_61, %mul3A_59 : vector<1000x128xf32>
    %exp3A = math.exp %mul3A_62 : vector<1000x128xf32>
    %get3A_63 = arith.constant 0 : index
    %get3A_64 = arith.constant 0 : index
    %get3A_65 = arith.constant 0 : index
    %get3A_66 = vector.load %arg5[%get3A_63, %get3A_64, %get3A_65] : memref<4x128x128xf32, #tpu.memory_space<vmem>>, vector<1x128x128xf32>
    %get3A_67 = vector.shape_cast %get3A_66 : vector<1x128x128xf32> to vector<128x128xf32>
    %dot_general3A_68 = arith.constant dense<0.000000e+00> : vector<1000x128xf32>
    %dot_general3A_69 = tpu.matmul %exp3A, %get3A_67, %dot_general3A_68 {dimension_numbers = #tpu.dot_dimension_numbers<[1], [0], [0], [1], [0, 0, 1, 1], [], []>, transpose_lhs_hint = false} : vector<1000x128xf32>, vector<128x128xf32>, vector<1000x128xf32> -> vector<1000x128xf32>
    %add3A_70 = arith.addf %dot_general3A_53, %dot_general3A_69 : vector<1000x128xf32>
    %sub3A_71 = arith.constant -0.666666686 : f32
    %sub3A_72 = vector.broadcast %sub3A_71 : f32 to vector<1000x128xf32>
    %sub3A_73 = arith.subf %add3A_46, %sub3A_72 : vector<1000x128xf32>
    %mul3A_74 = arith.constant 7.500000e-01 : f32
    %mul3A_75 = vector.broadcast %mul3A_74 : f32 to vector<1000x128xf32>
    %mul3A_76 = arith.mulf %sub3A_73, %mul3A_75 : vector<1000x128xf32>
    %neg3A_77 = arith.constant 0.000000e+00 : f32
    %neg3A_78 = vector.broadcast %neg3A_77 : f32 to vector<1000x128xf32>
    %neg3A_79 = arith.subf %neg3A_78, %mul3A_76 : vector<1000x128xf32>
    %mul3A_80 = arith.mulf %neg3A_79, %mul3A_76 : vector<1000x128xf32>
    %exp3A_81 = math.exp %mul3A_80 : vector<1000x128xf32>
    %get3A_82 = arith.constant 1 : index
    %get3A_83 = arith.constant 0 : index
    %get3A_84 = arith.constant 0 : index
    %get3A_85 = vector.load %arg5[%get3A_82, %get3A_83, %get3A_84] : memref<4x128x128xf32, #tpu.memory_space<vmem>>, vector<1x128x128xf32>
    %get3A_86 = vector.shape_cast %get3A_85 : vector<1x128x128xf32> to vector<128x128xf32>
    %dot_general3A_87 = arith.constant dense<0.000000e+00> : vector<1000x128xf32>
    %dot_general3A_88 = tpu.matmul %exp3A_81, %get3A_86, %dot_general3A_87 {dimension_numbers = #tpu.dot_dimension_numbers<[1], [0], [0], [1], [0, 0, 1, 1], [], []>, transpose_lhs_hint = false} : vector<1000x128xf32>, vector<128x128xf32>, vector<1000x128xf32> -> vector<1000x128xf32>
    %add3A_89 = arith.addf %add3A_70, %dot_general3A_88 : vector<1000x128xf32>
    %sub3A_90 = arith.constant 0.666666686 : f32
    %sub3A_91 = vector.broadcast %sub3A_90 : f32 to vector<1000x128xf32>
    %sub3A_92 = arith.subf %add3A_46, %sub3A_91 : vector<1000x128xf32>
    %mul3A_93 = arith.constant 7.500000e-01 : f32
    %mul3A_94 = vector.broadcast %mul3A_93 : f32 to vector<1000x128xf32>
    %mul3A_95 = arith.mulf %sub3A_92, %mul3A_94 : vector<1000x128xf32>
    %neg3A_96 = arith.constant 0.000000e+00 : f32
    %neg3A_97 = vector.broadcast %neg3A_96 : f32 to vector<1000x128xf32>
    %neg3A_98 = arith.subf %neg3A_97, %mul3A_95 : vector<1000x128xf32>
    %mul3A_99 = arith.mulf %neg3A_98, %mul3A_95 : vector<1000x128xf32>
    %exp3A_100 = math.exp %mul3A_99 : vector<1000x128xf32>
    %get3A_101 = arith.constant 2 : index
    %get3A_102 = arith.constant 0 : index
    %get3A_103 = arith.constant 0 : index
    %get3A_104 = vector.load %arg5[%get3A_101, %get3A_102, %get3A_103] : memref<4x128x128xf32, #tpu.memory_space<vmem>>, vector<1x128x128xf32>
    %get3A_105 = vector.shape_cast %get3A_104 : vector<1x128x128xf32> to vector<128x128xf32>
    %dot_general3A_106 = arith.constant dense<0.000000e+00> : vector<1000x128xf32>
    %dot_general3A_107 = tpu.matmul %exp3A_100, %get3A_105, %dot_general3A_106 {dimension_numbers = #tpu.dot_dimension_numbers<[1], [0], [0], [1], [0, 0, 1, 1], [], []>, transpose_lhs_hint = false} : vector<1000x128xf32>, vector<128x128xf32>, vector<1000x128xf32> -> vector<1000x128xf32>
    %add3A_108 = arith.addf %add3A_89, %dot_general3A_107 : vector<1000x128xf32>
    %sub3A_109 = arith.constant 2.000000e+00 : f32
    %sub3A_110 = vector.broadcast %sub3A_109 : f32 to vector<1000x128xf32>
    %sub3A_111 = arith.subf %add3A_46, %sub3A_110 : vector<1000x128xf32>
    %mul3A_112 = arith.constant 7.500000e-01 : f32
    %mul3A_113 = vector.broadcast %mul3A_112 : f32 to vector<1000x128xf32>
    %mul3A_114 = arith.mulf %sub3A_111, %mul3A_113 : vector<1000x128xf32>
    %neg3A_115 = arith.constant 0.000000e+00 : f32
    %neg3A_116 = vector.broadcast %neg3A_115 : f32 to vector<1000x128xf32>
    %neg3A_117 = arith.subf %neg3A_116, %mul3A_114 : vector<1000x128xf32>
    %mul3A_118 = arith.mulf %neg3A_117, %mul3A_114 : vector<1000x128xf32>
    %exp3A_119 = math.exp %mul3A_118 : vector<1000x128xf32>
    %get3A_120 = arith.constant 3 : index
    %get3A_121 = arith.constant 0 : index
    %get3A_122 = arith.constant 0 : index
    %get3A_123 = vector.load %arg5[%get3A_120, %get3A_121, %get3A_122] : memref<4x128x128xf32, #tpu.memory_space<vmem>>, vector<1x128x128xf32>
    %get3A_124 = vector.shape_cast %get3A_123 : vector<1x128x128xf32> to vector<128x128xf32>
    %dot_general3A_125 = arith.constant dense<0.000000e+00> : vector<1000x128xf32>
    %dot_general3A_126 = tpu.matmul %exp3A_119, %get3A_124, %dot_general3A_125 {dimension_numbers = #tpu.dot_dimension_numbers<[1], [0], [0], [1], [0, 0, 1, 1], [], []>, transpose_lhs_hint = false} : vector<1000x128xf32>, vector<128x128xf32>, vector<1000x128xf32> -> vector<1000x128xf32>
    %add3A_127 = arith.addf %add3A_108, %dot_general3A_126 : vector<1000x128xf32>
    %add3A_128 = vector.broadcast %get3A_26 : vector<1x128xf32> to vector<1000x128xf32>
    %add3A_129 = arith.addf %add3A_127, %add3A_128 : vector<1000x128xf32>
    %mul3A_130 = vector.broadcast %rsqrt3A : vector<1000x1xf32> to vector<1000x128xf32>
    %mul3A_131 = arith.mulf %mul3A_130, %add3A_129 : vector<1000x128xf32>
    %swap3A = arith.constant 0 : index
    %swap3A_132 = arith.constant 0 : index
    %swap3A_133 = vector.load %arg8[%swap3A, %swap3A_132] : memref<1000x128xf32, #tpu.memory_space<vmem>>, vector<1000x128xf32>
    tpu.vector_store %arg8[%swap3A, %swap3A_132], %mul3A_131 {strides = array<i32>} : memref<1000x128xf32, #tpu.memory_space<vmem>>, vector<1000x128xf32>,
    %swap3A_134 = arith.constant 0 : index
    %swap3A_135 = arith.constant 0 : index
    %swap3A_136 = vector.load %arg9[%swap3A_134, %swap3A_135] : memref<1000x1xf32, #tpu.memory_space<vmem>>, vector<1000x1xf32>
    tpu.vector_store %arg9[%swap3A_134, %swap3A_135], %rsqrt3A {strides = array<i32>} : memref<1000x1xf32, #tpu.memory_space<vmem>>, vector<1000x1xf32>,
    return
  }
  func.func @transform_0(%arg0: i32) -> (i32, i32) {
    %c0_i32 = arith.constant 0 : i32
    %c0_i32_0 = arith.constant 0 : i32
    return %arg0, %c0_i32 : i32, i32
  }
  func.func @transform_1(%arg0: i32) -> (i32, i32, i32) {
    %c0_i32 = arith.constant 0 : i32
    %c0_i32_0 = arith.constant 0 : i32
    %c0_i32_1 = arith.constant 0 : i32
    return %c0_i32, %arg0, %c0_i32_0 : i32, i32, i32
  }
  func.func @transform_2(%arg0: i32) -> (i32, i32) {
    %c0_i32 = arith.constant 0 : i32
    %c0_i32_0 = arith.constant 0 : i32
    %c0_i32_1 = arith.constant 0 : i32
    return %c0_i32, %c0_i32_0 : i32, i32
  }
  func.func @transform_3(%arg0: i32) -> (i32, i32) {
    %c0_i32 = arith.constant 0 : i32
    %c0_i32_0 = arith.constant 0 : i32
    %c0_i32_1 = arith.constant 0 : i32
    return %c0_i32, %c0_i32_0 : i32, i32
  }
  func.func @transform_4(%arg0: i32) -> (i32, i32, i32) {
    %c0_i32 = arith.constant 0 : i32
    %c0_i32_0 = arith.constant 0 : i32
    %c0_i32_1 = arith.constant 0 : i32
    %c0_i32_2 = arith.constant 0 : i32
    return %c0_i32, %c0_i32_0, %c0_i32_1 : i32, i32, i32
  }
  func.func @transform_5(%arg0: i32) -> (i32, i32) {
    %c0_i32 = arith.constant 0 : i32
    %c0_i32_0 = arith.constant 0 : i32
    %c0_i32_1 = arith.constant 0 : i32
    return %c0_i32, %c0_i32_0 : i32, i32
  }
  func.func @transform_6(%arg0: i32) -> (i32, i32) {
    %c0_i32 = arith.constant 0 : i32
    %c0_i32_0 = arith.constant 0 : i32
    %c0_i32_1 = arith.constant 0 : i32
    return %c0_i32, %c0_i32_0 : i32, i32
  }
  func.func @transform_7(%arg0: i32) -> (i32, i32) {
    %c0_i32 = arith.constant 0 : i32
    %c0_i32_0 = arith.constant 0 : i32
    return %arg0, %c0_i32 : i32, i32
  }
  func.func @transform_8(%arg0: i32) -> (i32, i32) {
    %c0_i32 = arith.constant 0 : i32
    %c0_i32_0 = arith.constant 0 : i32
    return %arg0, %c0_i32 : i32, i32
  }
}

module attributes {stable_mosaic.version = 14 : i64} {
  func.func @body(%arg0: i32, %arg1: memref<2x1000x128xf32, #tpu.memory_space<vmem>>, %arg2: memref<1000x128xf32, #tpu.memory_space<vmem>>, %arg3: memref<1000x1xf32, #tpu.memory_space<vmem>>, %arg4: memref<1x128xf32, #tpu.memory_space<vmem>>, %arg5: memref<1x128xf32, #tpu.memory_space<vmem>>, %arg6: memref<1x128xf32, #tpu.memory_space<vmem>>, %arg7: memref<4x128x128xf32, #tpu.memory_space<vmem>>, %arg8: memref<128x128xf32, #tpu.memory_space<vmem>>, %arg9: memref<1x128xf32, #tpu.memory_space<vmem>>, %arg10: memref<1000x128xf32, #tpu.memory_space<vmem>>) attributes {dimension_semantics = [#tpu.dimension_semantics<arbitrary>], iteration_bounds = array<i64: 10>, scalar_prefetch = 0 : i64, scratch_operands = 0 : i64, tpu.core_type = #tpu.core_type<tc>, window_params = [{transform_indices = @transform_0, window_bounds = array<i64: 2, 1000, 128>}, {transform_indices = @transform_1, window_bounds = array<i64: 1000, 128>}, {transform_indices = @transform_2, window_bounds = array<i64: 1000, 1>}, {pipeline_mode = #tpu.pipeline_mode<synchronous>, transform_indices = @transform_3, window_bounds = array<i64: 1, 128>}, {pipeline_mode = #tpu.pipeline_mode<synchronous>, transform_indices = @transform_4, window_bounds = array<i64: 1, 128>}, {pipeline_mode = #tpu.pipeline_mode<synchronous>, transform_indices = @transform_5, window_bounds = array<i64: 1, 128>}, {pipeline_mode = #tpu.pipeline_mode<synchronous>, transform_indices = @transform_6, window_bounds = array<i64: 4, 128, 128>}, {pipeline_mode = #tpu.pipeline_mode<synchronous>, transform_indices = @transform_7, window_bounds = array<i64: 128, 128>}, {pipeline_mode = #tpu.pipeline_mode<synchronous>, transform_indices = @transform_8, window_bounds = array<i64: 1, 128>}, {transform_indices = @transform_9, window_bounds = array<i64: 1000, 128>}]} {
    %get3A = arith.constant 0 : index
    %get3A_0 = arith.constant 0 : index
    %get3A_1 = vector.load %arg3[%get3A, %get3A_0] : memref<1000x1xf32, #tpu.memory_space<vmem>>, vector<1000x1xf32>
    %get3A_2 = arith.constant 0 : index
    %get3A_3 = arith.constant 0 : index
    %get3A_4 = arith.constant 0 : index
    %get3A_5 = vector.load %arg1[%get3A_2, %get3A_3, %get3A_4] : memref<2x1000x128xf32, #tpu.memory_space<vmem>>, vector<1x1000x128xf32>
    %get3A_6 = vector.shape_cast %get3A_5 : vector<1x1000x128xf32> to vector<1000x128xf32>
    %get3A_7 = arith.constant 1 : index
    %get3A_8 = arith.constant 0 : index
    %get3A_9 = arith.constant 0 : index
    %get3A_10 = vector.load %arg1[%get3A_7, %get3A_8, %get3A_9] : memref<2x1000x128xf32, #tpu.memory_space<vmem>>, vector<1x1000x128xf32>
    %get3A_11 = vector.shape_cast %get3A_10 : vector<1x1000x128xf32> to vector<1000x128xf32>
    %add3A = arith.addf %get3A_6, %get3A_11 : vector<1000x128xf32>
    %get3A_12 = arith.constant 0 : index
    %get3A_13 = arith.constant 0 : index
    %get3A_14 = vector.load %arg2[%get3A_12, %get3A_13] : memref<1000x128xf32, #tpu.memory_space<vmem>>, vector<1000x128xf32>
    %add3A_15 = arith.addf %add3A, %get3A_14 : vector<1000x128xf32>
    %mul3A = vector.broadcast %get3A_1 : vector<1000x1xf32> to vector<1000x128xf32>
    %mul3A_16 = arith.mulf %mul3A, %add3A_15 : vector<1000x128xf32>
    %get3A_17 = arith.constant 0 : index
    %get3A_18 = arith.constant 0 : index
    %get3A_19 = vector.load %arg4[%get3A_17, %get3A_18] : memref<1x128xf32, #tpu.memory_space<vmem>>, vector<1x128xf32>
    %add3A_20 = vector.broadcast %get3A_19 : vector<1x128xf32> to vector<1000x128xf32>
    %add3A_21 = arith.addf %mul3A_16, %add3A_20 : vector<1000x128xf32>
    %logistic3A = arith.negf %add3A_21 : vector<1000x128xf32>
    %logistic3A_22 = math.exp %logistic3A : vector<1000x128xf32>
    %logistic3A_23 = arith.constant 1.000000e+00 : f32
    %logistic3A_24 = vector.broadcast %logistic3A_23 : f32 to vector<1000x128xf32>
    %logistic3A_25 = arith.addf %logistic3A_24, %logistic3A_22 : vector<1000x128xf32>
    %logistic3A_26 = arith.divf %logistic3A_24, %logistic3A_25 : vector<1000x128xf32>
    %mul3A_27 = arith.mulf %add3A_21, %logistic3A_26 : vector<1000x128xf32>
    %get3A_28 = arith.constant 0 : index
    %get3A_29 = arith.constant 0 : index
    %get3A_30 = vector.load %arg5[%get3A_28, %get3A_29] : memref<1x128xf32, #tpu.memory_space<vmem>>, vector<1x128xf32>
    %get3A_31 = arith.constant 0 : index
    %get3A_32 = arith.constant 0 : index
    %get3A_33 = vector.load %arg6[%get3A_31, %get3A_32] : memref<1x128xf32, #tpu.memory_space<vmem>>, vector<1x128xf32>
    %get3A_34 = arith.constant 0 : index
    %get3A_35 = arith.constant 0 : index
    %get3A_36 = vector.load %arg8[%get3A_34, %get3A_35] : memref<128x128xf32, #tpu.memory_space<vmem>>, vector<128x128xf32>
    %get3A_37 = arith.constant 0 : index
    %get3A_38 = arith.constant 0 : index
    %get3A_39 = vector.load %arg9[%get3A_37, %get3A_38] : memref<1x128xf32, #tpu.memory_space<vmem>>, vector<1x128xf32>
    %reduce_sum3A = arith.constant dense<0.000000e+00> : vector<1000xf32>
    %reduce_sum3A_40 = vector.multi_reduction <add>, %mul3A_27, %reduce_sum3A [1] : vector<1000x128xf32> to vector<1000xf32>
    %broadcast_in_dim3A = vector.shape_cast %reduce_sum3A_40 : vector<1000xf32> to vector<1000x1xf32>
    %div3A = arith.constant 1.280000e+02 : f32
    %div3A_41 = vector.broadcast %div3A : f32 to vector<1000x1xf32>
    %div3A_42 = arith.divf %broadcast_in_dim3A, %div3A_41 : vector<1000x1xf32>
    %sub3A = vector.broadcast %div3A_42 : vector<1000x1xf32> to vector<1000x128xf32>
    %sub3A_43 = arith.subf %mul3A_27, %sub3A : vector<1000x128xf32>
    %mul3A_44 = arith.mulf %sub3A_43, %sub3A_43 : vector<1000x128xf32>
    %reduce_sum3A_45 = arith.constant dense<0.000000e+00> : vector<1000xf32>
    %reduce_sum3A_46 = vector.multi_reduction <add>, %mul3A_44, %reduce_sum3A_45 [1] : vector<1000x128xf32> to vector<1000xf32>
    %broadcast_in_dim3A_47 = vector.shape_cast %reduce_sum3A_46 : vector<1000xf32> to vector<1000x1xf32>
    %div3A_48 = arith.constant 1.280000e+02 : f32
    %div3A_49 = vector.broadcast %div3A_48 : f32 to vector<1000x1xf32>
    %div3A_50 = arith.divf %broadcast_in_dim3A_47, %div3A_49 : vector<1000x1xf32>
    %add3A_51 = arith.constant 9.99999974E-6 : f32
    %add3A_52 = vector.broadcast %add3A_51 : f32 to vector<1000x1xf32>
    %add3A_53 = arith.addf %div3A_50, %add3A_52 : vector<1000x1xf32>
    %rsqrt3A = math.rsqrt %add3A_53 : vector<1000x1xf32>
    %mul3A_54 = vector.broadcast %rsqrt3A : vector<1000x1xf32> to vector<1000x128xf32>
    %mul3A_55 = arith.mulf %sub3A_43, %mul3A_54 : vector<1000x128xf32>
    %mul3A_56 = vector.broadcast %get3A_30 : vector<1x128xf32> to vector<1000x128xf32>
    %mul3A_57 = arith.mulf %mul3A_55, %mul3A_56 : vector<1000x128xf32>
    %add3A_58 = vector.broadcast %get3A_33 : vector<1x128xf32> to vector<1000x128xf32>
    %add3A_59 = arith.addf %mul3A_57, %add3A_58 : vector<1000x128xf32>
    %logistic3A_60 = arith.negf %mul3A_27 : vector<1000x128xf32>
    %logistic3A_61 = math.exp %logistic3A_60 : vector<1000x128xf32>
    %logistic3A_62 = arith.constant 1.000000e+00 : f32
    %logistic3A_63 = vector.broadcast %logistic3A_62 : f32 to vector<1000x128xf32>
    %logistic3A_64 = arith.addf %logistic3A_63, %logistic3A_61 : vector<1000x128xf32>
    %logistic3A_65 = arith.divf %logistic3A_63, %logistic3A_64 : vector<1000x128xf32>
    %mul3A_66 = arith.mulf %mul3A_27, %logistic3A_65 : vector<1000x128xf32>
    %dot_general3A = arith.constant dense<0.000000e+00> : vector<1000x128xf32>
    %dot_general3A_67 = tpu.matmul %mul3A_66, %get3A_36, %dot_general3A {dimension_numbers = #tpu.dot_dimension_numbers<[1], [0], [0], [1], [0, 0, 1, 1], [], []>, transpose_lhs_hint = false} : vector<1000x128xf32>, vector<128x128xf32>, vector<1000x128xf32> -> vector<1000x128xf32>
    %sub3A_68 = arith.constant -2.000000e+00 : f32
    %sub3A_69 = vector.broadcast %sub3A_68 : f32 to vector<1000x128xf32>
    %sub3A_70 = arith.subf %add3A_59, %sub3A_69 : vector<1000x128xf32>
    %mul3A_71 = arith.constant 7.500000e-01 : f32
    %mul3A_72 = vector.broadcast %mul3A_71 : f32 to vector<1000x128xf32>
    %mul3A_73 = arith.mulf %sub3A_70, %mul3A_72 : vector<1000x128xf32>
    %neg3A = arith.constant 0.000000e+00 : f32
    %neg3A_74 = vector.broadcast %neg3A : f32 to vector<1000x128xf32>
    %neg3A_75 = arith.subf %neg3A_74, %mul3A_73 : vector<1000x128xf32>
    %mul3A_76 = arith.mulf %neg3A_75, %mul3A_73 : vector<1000x128xf32>
    %exp3A = math.exp %mul3A_76 : vector<1000x128xf32>
    %get3A_77 = arith.constant 0 : index
    %get3A_78 = arith.constant 0 : index
    %get3A_79 = arith.constant 0 : index
    %get3A_80 = vector.load %arg7[%get3A_77, %get3A_78, %get3A_79] : memref<4x128x128xf32, #tpu.memory_space<vmem>>, vector<1x128x128xf32>
    %get3A_81 = vector.shape_cast %get3A_80 : vector<1x128x128xf32> to vector<128x128xf32>
    %dot_general3A_82 = arith.constant dense<0.000000e+00> : vector<1000x128xf32>
    %dot_general3A_83 = tpu.matmul %exp3A, %get3A_81, %dot_general3A_82 {dimension_numbers = #tpu.dot_dimension_numbers<[1], [0], [0], [1], [0, 0, 1, 1], [], []>, transpose_lhs_hint = false} : vector<1000x128xf32>, vector<128x128xf32>, vector<1000x128xf32> -> vector<1000x128xf32>
    %add3A_84 = arith.addf %dot_general3A_67, %dot_general3A_83 : vector<1000x128xf32>
    %sub3A_85 = arith.constant -0.666666686 : f32
    %sub3A_86 = vector.broadcast %sub3A_85 : f32 to vector<1000x128xf32>
    %sub3A_87 = arith.subf %add3A_59, %sub3A_86 : vector<1000x128xf32>
    %mul3A_88 = arith.constant 7.500000e-01 : f32
    %mul3A_89 = vector.broadcast %mul3A_88 : f32 to vector<1000x128xf32>
    %mul3A_90 = arith.mulf %sub3A_87, %mul3A_89 : vector<1000x128xf32>
    %neg3A_91 = arith.constant 0.000000e+00 : f32
    %neg3A_92 = vector.broadcast %neg3A_91 : f32 to vector<1000x128xf32>
    %neg3A_93 = arith.subf %neg3A_92, %mul3A_90 : vector<1000x128xf32>
    %mul3A_94 = arith.mulf %neg3A_93, %mul3A_90 : vector<1000x128xf32>
    %exp3A_95 = math.exp %mul3A_94 : vector<1000x128xf32>
    %get3A_96 = arith.constant 1 : index
    %get3A_97 = arith.constant 0 : index
    %get3A_98 = arith.constant 0 : index
    %get3A_99 = vector.load %arg7[%get3A_96, %get3A_97, %get3A_98] : memref<4x128x128xf32, #tpu.memory_space<vmem>>, vector<1x128x128xf32>
    %get3A_100 = vector.shape_cast %get3A_99 : vector<1x128x128xf32> to vector<128x128xf32>
    %dot_general3A_101 = arith.constant dense<0.000000e+00> : vector<1000x128xf32>
    %dot_general3A_102 = tpu.matmul %exp3A_95, %get3A_100, %dot_general3A_101 {dimension_numbers = #tpu.dot_dimension_numbers<[1], [0], [0], [1], [0, 0, 1, 1], [], []>, transpose_lhs_hint = false} : vector<1000x128xf32>, vector<128x128xf32>, vector<1000x128xf32> -> vector<1000x128xf32>
    %add3A_103 = arith.addf %add3A_84, %dot_general3A_102 : vector<1000x128xf32>
    %sub3A_104 = arith.constant 0.666666686 : f32
    %sub3A_105 = vector.broadcast %sub3A_104 : f32 to vector<1000x128xf32>
    %sub3A_106 = arith.subf %add3A_59, %sub3A_105 : vector<1000x128xf32>
    %mul3A_107 = arith.constant 7.500000e-01 : f32
    %mul3A_108 = vector.broadcast %mul3A_107 : f32 to vector<1000x128xf32>
    %mul3A_109 = arith.mulf %sub3A_106, %mul3A_108 : vector<1000x128xf32>
    %neg3A_110 = arith.constant 0.000000e+00 : f32
    %neg3A_111 = vector.broadcast %neg3A_110 : f32 to vector<1000x128xf32>
    %neg3A_112 = arith.subf %neg3A_111, %mul3A_109 : vector<1000x128xf32>
    %mul3A_113 = arith.mulf %neg3A_112, %mul3A_109 : vector<1000x128xf32>
    %exp3A_114 = math.exp %mul3A_113 : vector<1000x128xf32>
    %get3A_115 = arith.constant 2 : index
    %get3A_116 = arith.constant 0 : index
    %get3A_117 = arith.constant 0 : index
    %get3A_118 = vector.load %arg7[%get3A_115, %get3A_116, %get3A_117] : memref<4x128x128xf32, #tpu.memory_space<vmem>>, vector<1x128x128xf32>
    %get3A_119 = vector.shape_cast %get3A_118 : vector<1x128x128xf32> to vector<128x128xf32>
    %dot_general3A_120 = arith.constant dense<0.000000e+00> : vector<1000x128xf32>
    %dot_general3A_121 = tpu.matmul %exp3A_114, %get3A_119, %dot_general3A_120 {dimension_numbers = #tpu.dot_dimension_numbers<[1], [0], [0], [1], [0, 0, 1, 1], [], []>, transpose_lhs_hint = false} : vector<1000x128xf32>, vector<128x128xf32>, vector<1000x128xf32> -> vector<1000x128xf32>
    %add3A_122 = arith.addf %add3A_103, %dot_general3A_121 : vector<1000x128xf32>
    %sub3A_123 = arith.constant 2.000000e+00 : f32
    %sub3A_124 = vector.broadcast %sub3A_123 : f32 to vector<1000x128xf32>
    %sub3A_125 = arith.subf %add3A_59, %sub3A_124 : vector<1000x128xf32>
    %mul3A_126 = arith.constant 7.500000e-01 : f32
    %mul3A_127 = vector.broadcast %mul3A_126 : f32 to vector<1000x128xf32>
    %mul3A_128 = arith.mulf %sub3A_125, %mul3A_127 : vector<1000x128xf32>
    %neg3A_129 = arith.constant 0.000000e+00 : f32
    %neg3A_130 = vector.broadcast %neg3A_129 : f32 to vector<1000x128xf32>
    %neg3A_131 = arith.subf %neg3A_130, %mul3A_128 : vector<1000x128xf32>
    %mul3A_132 = arith.mulf %neg3A_131, %mul3A_128 : vector<1000x128xf32>
    %exp3A_133 = math.exp %mul3A_132 : vector<1000x128xf32>
    %get3A_134 = arith.constant 3 : index
    %get3A_135 = arith.constant 0 : index
    %get3A_136 = arith.constant 0 : index
    %get3A_137 = vector.load %arg7[%get3A_134, %get3A_135, %get3A_136] : memref<4x128x128xf32, #tpu.memory_space<vmem>>, vector<1x128x128xf32>
    %get3A_138 = vector.shape_cast %get3A_137 : vector<1x128x128xf32> to vector<128x128xf32>
    %dot_general3A_139 = arith.constant dense<0.000000e+00> : vector<1000x128xf32>
    %dot_general3A_140 = tpu.matmul %exp3A_133, %get3A_138, %dot_general3A_139 {dimension_numbers = #tpu.dot_dimension_numbers<[1], [0], [0], [1], [0, 0, 1, 1], [], []>, transpose_lhs_hint = false} : vector<1000x128xf32>, vector<128x128xf32>, vector<1000x128xf32> -> vector<1000x128xf32>
    %add3A_141 = arith.addf %add3A_122, %dot_general3A_140 : vector<1000x128xf32>
    %add3A_142 = vector.broadcast %get3A_39 : vector<1x128xf32> to vector<1000x128xf32>
    %add3A_143 = arith.addf %add3A_141, %add3A_142 : vector<1000x128xf32>
    %mul3A_144 = vector.broadcast %get3A_1 : vector<1000x1xf32> to vector<1000x128xf32>
    %mul3A_145 = arith.mulf %mul3A_144, %add3A_143 : vector<1000x128xf32>
    %swap3A = arith.constant 0 : index
    %swap3A_146 = arith.constant 0 : index
    %swap3A_147 = vector.load %arg10[%swap3A, %swap3A_146] : memref<1000x128xf32, #tpu.memory_space<vmem>>, vector<1000x128xf32>
    tpu.vector_store %arg10[%swap3A, %swap3A_146], %mul3A_145 {strides = array<i32>} : memref<1000x128xf32, #tpu.memory_space<vmem>>, vector<1000x128xf32>,
    return
  }
  func.func @transform_0(%arg0: i32) -> (i32, i32, i32) {
    %c0_i32 = arith.constant 0 : i32
    %c0_i32_0 = arith.constant 0 : i32
    %c0_i32_1 = arith.constant 0 : i32
    return %c0_i32, %arg0, %c0_i32_0 : i32, i32, i32
  }
  func.func @transform_1(%arg0: i32) -> (i32, i32) {
    %c0_i32 = arith.constant 0 : i32
    %c0_i32_0 = arith.constant 0 : i32
    return %arg0, %c0_i32 : i32, i32
  }
  func.func @transform_2(%arg0: i32) -> (i32, i32) {
    %c0_i32 = arith.constant 0 : i32
    %c0_i32_0 = arith.constant 0 : i32
    return %arg0, %c0_i32 : i32, i32
  }
  func.func @transform_3(%arg0: i32) -> (i32, i32) {
    %c0_i32 = arith.constant 0 : i32
    %c0_i32_0 = arith.constant 0 : i32
    %c0_i32_1 = arith.constant 0 : i32
    return %c0_i32, %c0_i32_0 : i32, i32
  }
  func.func @transform_4(%arg0: i32) -> (i32, i32) {
    %c0_i32 = arith.constant 0 : i32
    %c0_i32_0 = arith.constant 0 : i32
    %c0_i32_1 = arith.constant 0 : i32
    return %c0_i32, %c0_i32_0 : i32, i32
  }
  func.func @transform_5(%arg0: i32) -> (i32, i32) {
    %c0_i32 = arith.constant 0 : i32
    %c0_i32_0 = arith.constant 0 : i32
    %c0_i32_1 = arith.constant 0 : i32
    return %c0_i32, %c0_i32_0 : i32, i32
  }
  func.func @transform_6(%arg0: i32) -> (i32, i32, i32) {
    %c0_i32 = arith.constant 0 : i32
    %c0_i32_0 = arith.constant 0 : i32
    %c0_i32_1 = arith.constant 0 : i32
    %c0_i32_2 = arith.constant 0 : i32
    return %c0_i32, %c0_i32_0, %c0_i32_1 : i32, i32, i32
  }
  func.func @transform_7(%arg0: i32) -> (i32, i32) {
    %c0_i32 = arith.constant 0 : i32
    %c0_i32_0 = arith.constant 0 : i32
    %c0_i32_1 = arith.constant 0 : i32
    return %c0_i32, %c0_i32_0 : i32, i32
  }
  func.func @transform_8(%arg0: i32) -> (i32, i32) {
    %c0_i32 = arith.constant 0 : i32
    %c0_i32_0 = arith.constant 0 : i32
    %c0_i32_1 = arith.constant 0 : i32
    return %c0_i32, %c0_i32_0 : i32, i32
  }
  func.func @transform_9(%arg0: i32) -> (i32, i32) {
    %c0_i32 = arith.constant 0 : i32
    %c0_i32_0 = arith.constant 0 : i32
    return %arg0, %c0_i32 : i32, i32
  }
}

module attributes {stable_mosaic.version = 14 : i64} {
  func.func @body(%arg0: i32, %arg1: memref<2x1000x128xf32, #tpu.memory_space<vmem>>, %arg2: memref<1000x128xf32, #tpu.memory_space<vmem>>, %arg3: memref<1000x1xf32, #tpu.memory_space<vmem>>, %arg4: memref<1x128xf32, #tpu.memory_space<vmem>>, %arg5: memref<1x128xf32, #tpu.memory_space<vmem>>) attributes {dimension_semantics = [#tpu.dimension_semantics<arbitrary>], iteration_bounds = array<i64: 10>, scalar_prefetch = 0 : i64, scratch_operands = 0 : i64, tpu.core_type = #tpu.core_type<tc>, window_params = [{transform_indices = @transform_0, window_bounds = array<i64: 2, 1000, 128>}, {transform_indices = @transform_1, window_bounds = array<i64: 1000, 128>}, {transform_indices = @transform_2, window_bounds = array<i64: 1000, 1>}, {pipeline_mode = #tpu.pipeline_mode<synchronous>, transform_indices = @transform_3, window_bounds = array<i64: 1, 128>}, {pipeline_mode = #tpu.pipeline_mode<synchronous>, transform_indices = @transform_4, window_bounds = array<i64: 1, 128>}]} {
    %get3A = arith.constant 0 : index
    %get3A_0 = arith.constant 0 : index
    %get3A_1 = vector.load %arg3[%get3A, %get3A_0] : memref<1000x1xf32, #tpu.memory_space<vmem>>, vector<1000x1xf32>
    %get3A_2 = arith.constant 0 : index
    %get3A_3 = arith.constant 0 : index
    %get3A_4 = arith.constant 0 : index
    %get3A_5 = vector.load %arg1[%get3A_2, %get3A_3, %get3A_4] : memref<2x1000x128xf32, #tpu.memory_space<vmem>>, vector<1x1000x128xf32>
    %get3A_6 = vector.shape_cast %get3A_5 : vector<1x1000x128xf32> to vector<1000x128xf32>
    %get3A_7 = arith.constant 1 : index
    %get3A_8 = arith.constant 0 : index
    %get3A_9 = arith.constant 0 : index
    %get3A_10 = vector.load %arg1[%get3A_7, %get3A_8, %get3A_9] : memref<2x1000x128xf32, #tpu.memory_space<vmem>>, vector<1x1000x128xf32>
    %get3A_11 = vector.shape_cast %get3A_10 : vector<1x1000x128xf32> to vector<1000x128xf32>
    %add3A = arith.addf %get3A_6, %get3A_11 : vector<1000x128xf32>
    %get3A_12 = arith.constant 0 : index
    %get3A_13 = arith.constant 0 : index
    %get3A_14 = vector.load %arg2[%get3A_12, %get3A_13] : memref<1000x128xf32, #tpu.memory_space<vmem>>, vector<1000x128xf32>
    %add3A_15 = arith.addf %add3A, %get3A_14 : vector<1000x128xf32>
    %mul3A = vector.broadcast %get3A_1 : vector<1000x1xf32> to vector<1000x128xf32>
    %mul3A_16 = arith.mulf %mul3A, %add3A_15 : vector<1000x128xf32>
    %get3A_17 = arith.constant 0 : index
    %get3A_18 = arith.constant 0 : index
    %get3A_19 = vector.load %arg4[%get3A_17, %get3A_18] : memref<1x128xf32, #tpu.memory_space<vmem>>, vector<1x128xf32>
    %add3A_20 = vector.broadcast %get3A_19 : vector<1x128xf32> to vector<1000x128xf32>
    %add3A_21 = arith.addf %mul3A_16, %add3A_20 : vector<1000x128xf32>
    %logistic3A = arith.negf %add3A_21 : vector<1000x128xf32>
    %logistic3A_22 = math.exp %logistic3A : vector<1000x128xf32>
    %logistic3A_23 = arith.constant 1.000000e+00 : f32
    %logistic3A_24 = vector.broadcast %logistic3A_23 : f32 to vector<1000x128xf32>
    %logistic3A_25 = arith.addf %logistic3A_24, %logistic3A_22 : vector<1000x128xf32>
    %logistic3A_26 = arith.divf %logistic3A_24, %logistic3A_25 : vector<1000x128xf32>
    %mul3A_27 = arith.mulf %add3A_21, %logistic3A_26 : vector<1000x128xf32>
    %reduce_sum3A = arith.constant dense<0.000000e+00> : vector<128xf32>
    %reduce_sum3A_28 = vector.multi_reduction <add>, %mul3A_27, %reduce_sum3A [0] : vector<1000x128xf32> to vector<128xf32>
    %broadcast_in_dim3A = vector.shape_cast %reduce_sum3A_28 : vector<128xf32> to vector<1x128xf32>
    %eq3A = arith.constant 0 : i32
    %eq3A_29 = arith.cmpi eq, %arg0, %eq3A : i32
    %convert_element_type3A = arith.extui %eq3A_29 : i1 to i32
    %cond3A = arith.constant 0 : i32
    %cond3A_30 = arith.cmpi ne, %convert_element_type3A, %cond3A : i32
    scf.if %cond3A_30 {
      %broadcast_in_dim3A_42 = arith.constant 0.000000e+00 : f32
      %broadcast_in_dim3A_43 = vector.broadcast %broadcast_in_dim3A_42 : f32 to vector<1x128xf32>
      %swap3A_44 = arith.constant 0 : index
      %swap3A_45 = arith.constant 0 : index
      %swap3A_46 = vector.load %arg5[%swap3A_44, %swap3A_45] : memref<1x128xf32, #tpu.memory_space<vmem>>, vector<1x128xf32>
      tpu.vector_store %arg5[%swap3A_44, %swap3A_45], %broadcast_in_dim3A_43 {strides = array<i32>} : memref<1x128xf32, #tpu.memory_space<vmem>>, vector<1x128xf32>,
    } else {
    }
    %get3A_31 = arith.constant 0 : index
    %get3A_32 = arith.constant 0 : index
    %get3A_33 = vector.load %arg5[%get3A_31, %get3A_32] : memref<1x128xf32, #tpu.memory_space<vmem>>, vector<1x128xf32>
    %add3A_34 = arith.addf %get3A_33, %broadcast_in_dim3A : vector<1x128xf32>
    %swap3A = arith.constant 0 : index
    %swap3A_35 = arith.constant 0 : index
    %swap3A_36 = vector.load %arg5[%swap3A, %swap3A_35] : memref<1x128xf32, #tpu.memory_space<vmem>>, vector<1x128xf32>
    tpu.vector_store %arg5[%swap3A, %swap3A_35], %add3A_34 {strides = array<i32>} : memref<1x128xf32, #tpu.memory_space<vmem>>, vector<1x128xf32>,
    %eq3A_37 = arith.constant 9 : i32
    %eq3A_38 = arith.cmpi eq, %arg0, %eq3A_37 : i32
    %convert_element_type3A_39 = arith.extui %eq3A_38 : i1 to i32
    %cond3A_40 = arith.constant 0 : i32
    %cond3A_41 = arith.cmpi ne, %convert_element_type3A_39, %cond3A_40 : i32
    scf.if %cond3A_41 {
      %get3A_42 = arith.constant 0 : index
      %get3A_43 = arith.constant 0 : index
      %get3A_44 = vector.load %arg5[%get3A_42, %get3A_43] : memref<1x128xf32, #tpu.memory_space<vmem>>, vector<1x128xf32>
      %mul3A_45 = arith.constant 9.99999974E-5 : f32
      %mul3A_46 = vector.broadcast %mul3A_45 : f32 to vector<1x128xf32>
      %mul3A_47 = arith.mulf %get3A_44, %mul3A_46 : vector<1x128xf32>
      %swap3A_48 = arith.constant 0 : index
      %swap3A_49 = arith.constant 0 : index
      %swap3A_50 = vector.load %arg5[%swap3A_48, %swap3A_49] : memref<1x128xf32, #tpu.memory_space<vmem>>, vector<1x128xf32>
      tpu.vector_store %arg5[%swap3A_48, %swap3A_49], %mul3A_47 {strides = array<i32>} : memref<1x128xf32, #tpu.memory_space<vmem>>, vector<1x128xf32>,
    } else {
    }
    return
  }
  func.func @transform_0(%arg0: i32) -> (i32, i32, i32) {
    %c0_i32 = arith.constant 0 : i32
    %c0_i32_0 = arith.constant 0 : i32
    %c0_i32_1 = arith.constant 0 : i32
    return %c0_i32, %arg0, %c0_i32_0 : i32, i32, i32
  }
  func.func @transform_1(%arg0: i32) -> (i32, i32) {
    %c0_i32 = arith.constant 0 : i32
    %c0_i32_0 = arith.constant 0 : i32
    return %arg0, %c0_i32 : i32, i32
  }
  func.func @transform_2(%arg0: i32) -> (i32, i32) {
    %c0_i32 = arith.constant 0 : i32
    %c0_i32_0 = arith.constant 0 : i32
    return %arg0, %c0_i32 : i32, i32
  }
  func.func @transform_3(%arg0: i32) -> (i32, i32) {
    %c0_i32 = arith.constant 0 : i32
    %c0_i32_0 = arith.constant 0 : i32
    %c0_i32_1 = arith.constant 0 : i32
    return %c0_i32, %c0_i32_0 : i32, i32
  }
  func.func @transform_4(%arg0: i32) -> (i32, i32) {
    %c0_i32 = arith.constant 0 : i32
    %c0_i32_0 = arith.constant 0 : i32
    %c0_i32_1 = arith.constant 0 : i32
    return %c0_i32, %c0_i32_0 : i32, i32
  }
}

module attributes {stable_mosaic.version = 14 : i64} {
  func.func @body(%arg0: memref<1x128xf32, #tpu.memory_space<vmem>>, %arg1: memref<1x128xf32, #tpu.memory_space<vmem>>, %arg2: memref<1x128xf32, #tpu.memory_space<vmem>>, %arg3: memref<4x128x128xf32, #tpu.memory_space<vmem>>, %arg4: memref<128x128xf32, #tpu.memory_space<vmem>>, %arg5: memref<1x128xf32, #tpu.memory_space<vmem>>, %arg6: memref<1x128xf32, #tpu.memory_space<vmem>>) attributes {dimension_semantics = [], scalar_prefetch = 0 : i64, scratch_operands = 0 : i64, tpu.core_type = #tpu.core_type<tc>} {
    %get3A = arith.constant 0 : index
    %get3A_0 = arith.constant 0 : index
    %get3A_1 = vector.load %arg0[%get3A, %get3A_0] : memref<1x128xf32, #tpu.memory_space<vmem>>, vector<1x128xf32>
    %get3A_2 = arith.constant 0 : index
    %get3A_3 = arith.constant 0 : index
    %get3A_4 = vector.load %arg1[%get3A_2, %get3A_3] : memref<1x128xf32, #tpu.memory_space<vmem>>, vector<1x128xf32>
    %get3A_5 = arith.constant 0 : index
    %get3A_6 = arith.constant 0 : index
    %get3A_7 = vector.load %arg2[%get3A_5, %get3A_6] : memref<1x128xf32, #tpu.memory_space<vmem>>, vector<1x128xf32>
    %get3A_8 = arith.constant 0 : index
    %get3A_9 = arith.constant 0 : index
    %get3A_10 = vector.load %arg4[%get3A_8, %get3A_9] : memref<128x128xf32, #tpu.memory_space<vmem>>, vector<128x128xf32>
    %get3A_11 = arith.constant 0 : index
    %get3A_12 = arith.constant 0 : index
    %get3A_13 = vector.load %arg5[%get3A_11, %get3A_12] : memref<1x128xf32, #tpu.memory_space<vmem>>, vector<1x128xf32>
    %reduce_sum3A = arith.constant dense<0.000000e+00> : vector<1xf32>
    %reduce_sum3A_14 = vector.multi_reduction <add>, %get3A_1, %reduce_sum3A [1] : vector<1x128xf32> to vector<1xf32>
    %broadcast_in_dim3A = vector.shape_cast %reduce_sum3A_14 : vector<1xf32> to vector<1x1xf32>
    %div3A = arith.constant 1.280000e+02 : f32
    %div3A_15 = vector.broadcast %div3A : f32 to vector<1x1xf32>
    %div3A_16 = arith.divf %broadcast_in_dim3A, %div3A_15 : vector<1x1xf32>
    %sub3A = vector.broadcast %div3A_16 : vector<1x1xf32> to vector<1x128xf32>
    %sub3A_17 = arith.subf %get3A_1, %sub3A : vector<1x128xf32>
    %mul3A = arith.mulf %sub3A_17, %sub3A_17 : vector<1x128xf32>
    %reduce_sum3A_18 = arith.constant dense<0.000000e+00> : vector<1xf32>
    %reduce_sum3A_19 = vector.multi_reduction <add>, %mul3A, %reduce_sum3A_18 [1] : vector<1x128xf32> to vector<1xf32>
    %broadcast_in_dim3A_20 = vector.shape_cast %reduce_sum3A_19 : vector<1xf32> to vector<1x1xf32>
    %div3A_21 = arith.constant 1.280000e+02 : f32
    %div3A_22 = vector.broadcast %div3A_21 : f32 to vector<1x1xf32>
    %div3A_23 = arith.divf %broadcast_in_dim3A_20, %div3A_22 : vector<1x1xf32>
    %add3A = arith.constant 9.99999974E-6 : f32
    %add3A_24 = vector.broadcast %add3A : f32 to vector<1x1xf32>
    %add3A_25 = arith.addf %div3A_23, %add3A_24 : vector<1x1xf32>
    %rsqrt3A = math.rsqrt %add3A_25 : vector<1x1xf32>
    %mul3A_26 = vector.broadcast %rsqrt3A : vector<1x1xf32> to vector<1x128xf32>
    %mul3A_27 = arith.mulf %sub3A_17, %mul3A_26 : vector<1x128xf32>
    %mul3A_28 = arith.mulf %mul3A_27, %get3A_4 : vector<1x128xf32>
    %add3A_29 = arith.addf %mul3A_28, %get3A_7 : vector<1x128xf32>
    %logistic3A = arith.negf %get3A_1 : vector<1x128xf32>
    %logistic3A_30 = math.exp %logistic3A : vector<1x128xf32>
    %logistic3A_31 = arith.constant 1.000000e+00 : f32
    %logistic3A_32 = vector.broadcast %logistic3A_31 : f32 to vector<1x128xf32>
    %logistic3A_33 = arith.addf %logistic3A_32, %logistic3A_30 : vector<1x128xf32>
    %logistic3A_34 = arith.divf %logistic3A_32, %logistic3A_33 : vector<1x128xf32>
    %mul3A_35 = arith.mulf %get3A_1, %logistic3A_34 : vector<1x128xf32>
    %dot_general3A = arith.constant dense<0.000000e+00> : vector<1x128xf32>
    %dot_general3A_36 = tpu.matmul %mul3A_35, %get3A_10, %dot_general3A {dimension_numbers = #tpu.dot_dimension_numbers<[1], [0], [0], [1], [0, 0, 1, 1], [], []>, transpose_lhs_hint = false} : vector<1x128xf32>, vector<128x128xf32>, vector<1x128xf32> -> vector<1x128xf32>
    %sub3A_37 = arith.constant -2.000000e+00 : f32
    %sub3A_38 = vector.broadcast %sub3A_37 : f32 to vector<1x128xf32>
    %sub3A_39 = arith.subf %add3A_29, %sub3A_38 : vector<1x128xf32>
    %mul3A_40 = arith.constant 7.500000e-01 : f32
    %mul3A_41 = vector.broadcast %mul3A_40 : f32 to vector<1x128xf32>
    %mul3A_42 = arith.mulf %sub3A_39, %mul3A_41 : vector<1x128xf32>
    %neg3A = arith.constant 0.000000e+00 : f32
    %neg3A_43 = vector.broadcast %neg3A : f32 to vector<1x128xf32>
    %neg3A_44 = arith.subf %neg3A_43, %mul3A_42 : vector<1x128xf32>
    %mul3A_45 = arith.mulf %neg3A_44, %mul3A_42 : vector<1x128xf32>
    %exp3A = math.exp %mul3A_45 : vector<1x128xf32>
    %get3A_46 = arith.constant 0 : index
    %get3A_47 = arith.constant 0 : index
    %get3A_48 = arith.constant 0 : index
    %get3A_49 = vector.load %arg3[%get3A_46, %get3A_47, %get3A_48] : memref<4x128x128xf32, #tpu.memory_space<vmem>>, vector<1x128x128xf32>
    %get3A_50 = vector.shape_cast %get3A_49 : vector<1x128x128xf32> to vector<128x128xf32>
    %dot_general3A_51 = arith.constant dense<0.000000e+00> : vector<1x128xf32>
    %dot_general3A_52 = tpu.matmul %exp3A, %get3A_50, %dot_general3A_51 {dimension_numbers = #tpu.dot_dimension_numbers<[1], [0], [0], [1], [0, 0, 1, 1], [], []>, transpose_lhs_hint = false} : vector<1x128xf32>, vector<128x128xf32>, vector<1x128xf32> -> vector<1x128xf32>
    %add3A_53 = arith.addf %dot_general3A_36, %dot_general3A_52 : vector<1x128xf32>
    %sub3A_54 = arith.constant -0.666666686 : f32
    %sub3A_55 = vector.broadcast %sub3A_54 : f32 to vector<1x128xf32>
    %sub3A_56 = arith.subf %add3A_29, %sub3A_55 : vector<1x128xf32>
    %mul3A_57 = arith.constant 7.500000e-01 : f32
    %mul3A_58 = vector.broadcast %mul3A_57 : f32 to vector<1x128xf32>
    %mul3A_59 = arith.mulf %sub3A_56, %mul3A_58 : vector<1x128xf32>
    %neg3A_60 = arith.constant 0.000000e+00 : f32
    %neg3A_61 = vector.broadcast %neg3A_60 : f32 to vector<1x128xf32>
    %neg3A_62 = arith.subf %neg3A_61, %mul3A_59 : vector<1x128xf32>
    %mul3A_63 = arith.mulf %neg3A_62, %mul3A_59 : vector<1x128xf32>
    %exp3A_64 = math.exp %mul3A_63 : vector<1x128xf32>
    %get3A_65 = arith.constant 1 : index
    %get3A_66 = arith.constant 0 : index
    %get3A_67 = arith.constant 0 : index
    %get3A_68 = vector.load %arg3[%get3A_65, %get3A_66, %get3A_67] : memref<4x128x128xf32, #tpu.memory_space<vmem>>, vector<1x128x128xf32>
    %get3A_69 = vector.shape_cast %get3A_68 : vector<1x128x128xf32> to vector<128x128xf32>
    %dot_general3A_70 = arith.constant dense<0.000000e+00> : vector<1x128xf32>
    %dot_general3A_71 = tpu.matmul %exp3A_64, %get3A_69, %dot_general3A_70 {dimension_numbers = #tpu.dot_dimension_numbers<[1], [0], [0], [1], [0, 0, 1, 1], [], []>, transpose_lhs_hint = false} : vector<1x128xf32>, vector<128x128xf32>, vector<1x128xf32> -> vector<1x128xf32>
    %add3A_72 = arith.addf %add3A_53, %dot_general3A_71 : vector<1x128xf32>
    %sub3A_73 = arith.constant 0.666666686 : f32
    %sub3A_74 = vector.broadcast %sub3A_73 : f32 to vector<1x128xf32>
    %sub3A_75 = arith.subf %add3A_29, %sub3A_74 : vector<1x128xf32>
    %mul3A_76 = arith.constant 7.500000e-01 : f32
    %mul3A_77 = vector.broadcast %mul3A_76 : f32 to vector<1x128xf32>
    %mul3A_78 = arith.mulf %sub3A_75, %mul3A_77 : vector<1x128xf32>
    %neg3A_79 = arith.constant 0.000000e+00 : f32
    %neg3A_80 = vector.broadcast %neg3A_79 : f32 to vector<1x128xf32>
    %neg3A_81 = arith.subf %neg3A_80, %mul3A_78 : vector<1x128xf32>
    %mul3A_82 = arith.mulf %neg3A_81, %mul3A_78 : vector<1x128xf32>
    %exp3A_83 = math.exp %mul3A_82 : vector<1x128xf32>
    %get3A_84 = arith.constant 2 : index
    %get3A_85 = arith.constant 0 : index
    %get3A_86 = arith.constant 0 : index
    %get3A_87 = vector.load %arg3[%get3A_84, %get3A_85, %get3A_86] : memref<4x128x128xf32, #tpu.memory_space<vmem>>, vector<1x128x128xf32>
    %get3A_88 = vector.shape_cast %get3A_87 : vector<1x128x128xf32> to vector<128x128xf32>
    %dot_general3A_89 = arith.constant dense<0.000000e+00> : vector<1x128xf32>
    %dot_general3A_90 = tpu.matmul %exp3A_83, %get3A_88, %dot_general3A_89 {dimension_numbers = #tpu.dot_dimension_numbers<[1], [0], [0], [1], [0, 0, 1, 1], [], []>, transpose_lhs_hint = false} : vector<1x128xf32>, vector<128x128xf32>, vector<1x128xf32> -> vector<1x128xf32>
    %add3A_91 = arith.addf %add3A_72, %dot_general3A_90 : vector<1x128xf32>
    %sub3A_92 = arith.constant 2.000000e+00 : f32
    %sub3A_93 = vector.broadcast %sub3A_92 : f32 to vector<1x128xf32>
    %sub3A_94 = arith.subf %add3A_29, %sub3A_93 : vector<1x128xf32>
    %mul3A_95 = arith.constant 7.500000e-01 : f32
    %mul3A_96 = vector.broadcast %mul3A_95 : f32 to vector<1x128xf32>
    %mul3A_97 = arith.mulf %sub3A_94, %mul3A_96 : vector<1x128xf32>
    %neg3A_98 = arith.constant 0.000000e+00 : f32
    %neg3A_99 = vector.broadcast %neg3A_98 : f32 to vector<1x128xf32>
    %neg3A_100 = arith.subf %neg3A_99, %mul3A_97 : vector<1x128xf32>
    %mul3A_101 = arith.mulf %neg3A_100, %mul3A_97 : vector<1x128xf32>
    %exp3A_102 = math.exp %mul3A_101 : vector<1x128xf32>
    %get3A_103 = arith.constant 3 : index
    %get3A_104 = arith.constant 0 : index
    %get3A_105 = arith.constant 0 : index
    %get3A_106 = vector.load %arg3[%get3A_103, %get3A_104, %get3A_105] : memref<4x128x128xf32, #tpu.memory_space<vmem>>, vector<1x128x128xf32>
    %get3A_107 = vector.shape_cast %get3A_106 : vector<1x128x128xf32> to vector<128x128xf32>
    %dot_general3A_108 = arith.constant dense<0.000000e+00> : vector<1x128xf32>
    %dot_general3A_109 = tpu.matmul %exp3A_102, %get3A_107, %dot_general3A_108 {dimension_numbers = #tpu.dot_dimension_numbers<[1], [0], [0], [1], [0, 0, 1, 1], [], []>, transpose_lhs_hint = false} : vector<1x128xf32>, vector<128x128xf32>, vector<1x128xf32> -> vector<1x128xf32>
    %add3A_110 = arith.addf %add3A_91, %dot_general3A_109 : vector<1x128xf32>
    %add3A_111 = arith.addf %add3A_110, %get3A_13 : vector<1x128xf32>
    %iota3A = tpu.iota {dimensions = array<i32: 1>} : vector<1x128xi32>
    %lt3A = arith.constant 40 : i32
    %lt3A_112 = vector.broadcast %lt3A : i32 to vector<1x128xi32>
    %lt3A_113 = arith.cmpi slt, %iota3A, %lt3A_112 : vector<1x128xi32>
    %jit3A = arith.constant -1.000000e+30 : f32
    %broadcast_in_dim3A_114 = vector.broadcast %jit3A : f32 to vector<1x128xf32>
    %select_n3A = arith.select %lt3A_113, %add3A_111, %broadcast_in_dim3A_114 : vector<1x128xi1>, vector<1x128xf32>
    %reduce_max3A = arith.constant dense<0xFF800000> : vector<1xf32>
    %reduce_max3A_115 = vector.multi_reduction <maximumf>, %select_n3A, %reduce_max3A [1] : vector<1x128xf32> to vector<1xf32>
    %broadcast_in_dim3A_116 = vector.shape_cast %reduce_max3A_115 : vector<1xf32> to vector<1x1xf32>
    %sub3A_117 = vector.broadcast %broadcast_in_dim3A_116 : vector<1x1xf32> to vector<1x128xf32>
    %sub3A_118 = arith.subf %add3A_111, %sub3A_117 : vector<1x128xf32>
    %exp3A_119 = math.exp %sub3A_118 : vector<1x128xf32>
    %jit3A_120 = arith.constant 0.000000e+00 : f32
    %broadcast_in_dim3A_121 = vector.broadcast %jit3A_120 : f32 to vector<1x128xf32>
    %select_n3A_122 = arith.select %lt3A_113, %exp3A_119, %broadcast_in_dim3A_121 : vector<1x128xi1>, vector<1x128xf32>
    %reduce_sum3A_123 = arith.constant dense<0.000000e+00> : vector<1xf32>
    %reduce_sum3A_124 = vector.multi_reduction <add>, %select_n3A_122, %reduce_sum3A_123 [1] : vector<1x128xf32> to vector<1xf32>
    %broadcast_in_dim3A_125 = vector.shape_cast %reduce_sum3A_124 : vector<1xf32> to vector<1x1xf32>
    %log3A = math.log %broadcast_in_dim3A_125 : vector<1x1xf32>
    %add3A_126 = arith.addf %log3A, %broadcast_in_dim3A_116 : vector<1x1xf32>
    %sub3A_127 = vector.broadcast %add3A_126 : vector<1x1xf32> to vector<1x128xf32>
    %sub3A_128 = arith.subf %add3A_111, %sub3A_127 : vector<1x128xf32>
    %swap3A = arith.constant 0 : index
    %swap3A_129 = arith.constant 0 : index
    %swap3A_130 = vector.load %arg6[%swap3A, %swap3A_129] : memref<1x128xf32, #tpu.memory_space<vmem>>, vector<1x128xf32>
    tpu.vector_store %arg6[%swap3A, %swap3A_129], %sub3A_128 {strides = array<i32>} : memref<1x128xf32, #tpu.memory_space<vmem>>, vector<1x128xf32>,
    return
  }
}

</mosaic_0001>

<sc_bundles>
// kernel: kernel.12.cloned.1.call-start
scs
__scs_entry_jumppad:
0x0: {  	(pc) =	sbr.rel $0x88, $3  }
0x1: {  	(tag) =	ssettag $0x0;
	lr =	simm.s32 $0x1  }
0x2: {  	[smem:$0x3F8E] =	sst lr;
	_ =	strace $0xD0000000  }
0x3: {  	_ = 	snop  }
0x4: {  	_ = 	snop  }
0x5: {  	_ = 	snop  }
0x6: {  	_ = 	snop  }
0x7: {  	_ = 	snop  }
__scs_overlays_trampoline_lowered:
0x8: {  	[smem:$0x3F9D] =	sst s0  }
0x9: {  	[smem:$0x3F9E] =	sst s1  }
0xa: {  	[smem:$0x3F9F] =	sst s2  }
0xb: {  	[smem:$0x3FA0] =	sst s3  }
0xc: {  	[smem:$0x3FA1] =	sst s4  }
0xd: {  	[smem:$0x3FA2] =	sst s5  }
0xe: {  	[smem:$0x3FA3] =	sst s6  }
0xf: {  	[smem:$0x3FA4] =	sst s7  }
0x10: {  	[smem:$0x3FA5] =	sst s8  }
0x11: {  	[smem:$0x3FA6] =	sst s9;
	s0 =	simm.s32 @!p0 $0x0  }
0x12: {  	s1 =	sld [smem:$0x3F8C];
	s0 =	simm.s32 @p0 $0x1  }
0x13: {  	[smem:$0x3FA7] =	sst s0;
	s0 =	simm.s32 @!p1 $0x0  }
0x14: {  	s2 =	sld [smem:$0x3F8B];
	s0 =	simm.s32 @p1 $0x1  }
0x15: {  	[smem:$0x3FA8] =	sst s0;
	s0 =	simm.s32 @!p2 $0x0  }
0x16: {  	s3 =	sld [smem:$0x3FDB];
	s0 =	simm.s32 @p2 $0x1  }
0x17: {  	s4 =	simm.s32 $0x1BF5;
	[smem:$0x3FAA] =	sst s0  }
0x18: {  	s0 =	sld [smem:$0x3F8D];
	_ =	swait.ge [sflag:s4], $0x0  }
0x19: {  	s7 =	sld [smem:$0x3F8E]  }
0x1a: {  	s8 =	sadd.s32 $0xFFFFE003, lr  }
0x1b: {  	s9 =	sadd.s32 $0xFFFFFEF7, lr;
	s5 =	simm.s32 $0xFFFFFFFF;
	p2 =	slt.u32 s8, $0xFFFFF086  }
0x1c: {  	p1 =	slt.u32 s9, $0xF7A;
	s5 =	simm.s32 @!p2 $0x0  }
0x1d: {  	s5 =	simm.s32 @p1 $0x1;
	p0 =	seq.s32 s7, s2  }
0x1e: {  	s7 =	smul.u32 @!p0 $0xF7A, s2;
	p2 =	seq.s32 @!p0 s5, $0x0  }
0x1f: {  	s9 =	smul.u32 $0xF7A, s1;
	s8 =	simm.s32 @!p0 $0x1BF5;
	p2 =	por !p2, p0  }
0x20: {  	[sflag:s8] =	ssyncset.s32 @!p0 $0xFFFFF086;
	s6 =	sadd.s32 @!p0 s3, s7;
	s7 =	simm.s32 @!p0 $0x108  }
0x21: {  	s3 =	sadd.s32 s3, s9;
	s6 =	sadd.s32 @!p0 $0x88, s6;
	s7 =	simm.s32 @p2 $0x1082  }
0x22: {  	[simem:s7], [sflag:s8] =	dma.local @!p0 [hbm:s6], $0xF7A  }
0x23: {  	s9 =	sor.u32 $0xD0000000, s2;
	s6 =	simm.s32 $0x108;
	_ =	swait.ge @!p0 [sflag:s8], $0x0  }
0x24: {  	s3 =	sadd.s32 $0x88, s3;
	s6 =	simm.s32 @!p1 $0x1082;
	[sflag:s4] =	ssyncset.s32 $0xFFFFF086  }
0x25: {  	[simem:s6], [sflag:s4] =	dma.local [hbm:s3], $0xF7A  }
0x26: {  	[smem:$0x3F8E] =	sst s1;
	(tag) =	ssettag s2;
	_ =	strace s9  }
0x27: {  	s1 =	sld [smem:$0x3F9E]  }
0x28: {  	s2 =	sld [smem:$0x3F9F]  }
0x29: {  	s4 =	sld [smem:$0x3FA1]  }
0x2a: {  	p0 =	seq.s32 s5, $0x0;
	s5 =	sld [smem:$0x3FA2]  }
0x2b: {  	s6 =	sld [smem:$0x3FA3]  }
0x2c: {  	s7 =	sld [smem:$0x3FA4]  }
0x2d: {  	s3 =	simm.s32 $0x108;
	s8 =	sld [smem:$0x3FA5]  }
0x2e: {  	s3 =	simm.s32 @!p0 $0x1082;
	s9 =	sld [smem:$0x3FA6]  }
0x2f: {  	lr =	sadd.s32 s0, s3;
	s0 =	sld [smem:$0x3F9D]  }
0x30: {  	s3 =	sld [smem:$0x3FA0]  }
0x31: {  	[smem:$0x3FA9] =	sst s10  }
0x32: {  	s10 =	sld [smem:$0x3FA7];
	_ =	sdelay $0x3  }
0x33: {  	p0 =	seq.s32 s10, $0x1;
	s10 =	sld [smem:$0x3FA9];
	_ =	sdelay $0x3  }
0x34: {  	[smem:$0x3FA9] =	sst s10  }
0x35: {  	s10 =	sld [smem:$0x3FA8];
	_ =	sdelay $0x3  }
0x36: {  	p1 =	seq.s32 s10, $0x1;
	s10 =	sld [smem:$0x3FA9];
	_ =	sdelay $0x3  }
0x37: {  	[smem:$0x3FA9] =	sst s10  }
0x38: {  	s10 =	sld [smem:$0x3FAA]  }
0x39: {  	_ = 	snop;
	(pc) =	sbr.ind lr, $3  }
0x3a: {  	_ = 	snop  }
0x3b: {  	_ = 	snop  }
0x3c: {  	p2 =	seq.s32 s10, $0x1;
	s10 =	sld [smem:$0x3FA9]  }
0x3d: {  	_ =	shalt  }
0x3e: {  	_ =	shalt  }
0x3f: {  	_ =	shalt  }
0x40: {  	_ =	shalt  }
0x41: {  	_ =	shalt  }
0x42: {  	_ =	shalt  }
0x43: {  	_ =	shalt  }
0x44: {  	_ =	shalt  }
0x45: {  	_ =	shalt  }
0x46: {  	_ =	shalt  }
0x47: {  	_ =	shalt  }
0x48: {  	_ =	shalt  }
0x49: {  	_ =	shalt  }
0x4a: {  	_ =	shalt  }
0x4b: {  	_ =	shalt  }
0x4c: {  	_ =	shalt  }
0x4d: {  	_ =	shalt  }
0x4e: {  	_ =	shalt  }
0x4f: {  	_ =	shalt  }
0x50: {  	_ =	shalt  }
0x51: {  	_ =	shalt  }
0x52: {  	_ =	shalt  }
0x53: {  	_ =	shalt  }
0x54: {  	_ =	shalt  }
0x55: {  	_ =	shalt  }
0x56: {  	_ =	shalt  }
0x57: {  	_ =	shalt  }
0x58: {  	_ =	shalt  }
0x59: {  	_ =	shalt  }
0x5a: {  	_ =	shalt  }
0x5b: {  	_ =	shalt  }
0x5c: {  	_ =	shalt  }
0x5d: {  	_ =	shalt  }
0x5e: {  	_ =	shalt  }
0x5f: {  	_ =	shalt  }
0x60: {  	_ =	shalt  }
0x61: {  	_ =	shalt  }
0x62: {  	_ =	shalt  }
0x63: {  	_ =	shalt  }
0x64: {  	_ =	shalt  }
0x65: {  	_ =	shalt  }
0x66: {  	_ =	shalt  }
0x67: {  	_ =	shalt  }
0x68: {  	_ =	shalt  }
0x69: {  	_ =	shalt  }
0x6a: {  	_ =	shalt  }
0x6b: {  	_ =	shalt  }
0x6c: {  	_ =	shalt  }
0x6d: {  	_ =	shalt  }
0x6e: {  	_ =	shalt  }
0x6f: {  	_ =	shalt  }
0x70: {  	_ =	shalt  }
0x71: {  	_ =	shalt  }
0x72: {  	_ =	shalt  }
0x73: {  	_ =	shalt  }
0x74: {  	_ =	shalt  }
0x75: {  	_ =	shalt  }
0x76: {  	_ =	shalt  }
0x77: {  	_ =	shalt  }
0x78: {  	_ =	shalt  }
0x79: {  	_ =	shalt  }
0x7a: {  	_ =	shalt  }
0x7b: {  	_ =	shalt  }
0x7c: {  	_ =	shalt  }
0x7d: {  	_ =	shalt  }
0x7e: {  	_ =	shalt  }
0x7f: {  	_ =	shalt  }
0x80: {  	_ =	shalt  }
0x81: {  	_ =	shalt  }
0x82: {  	_ =	shalt  }
0x83: {  	_ =	shalt  }
0x84: {  	_ =	shalt  }
0x85: {  	_ =	shalt  }
0x86: {  	_ =	shalt  }
0x87: {  	_ =	shalt  }
.Lfunc_end0:
.L_simem_size_0:
called_computation.1_lowered:
.L_overlay_start_0:
0x88: {  	s2 =	sld [smem:$0x3FD9]  }
0x89: {  	s3 =	sld [smem:$0x3FFE];
	_ =	sdelay $0x1  }
0x8a: {  	s1 =	srdreg.scid  }
0x8b: {  	s0 =	sand.u32 $0x1, s1  }
0x8c: {  	s16 =	sshll.u32 s0, $0xA;
	s2 =	sadd.s32 s3, s2  }
0x8d: {  	s2 =	sadd.s32 s2, s16  }
0x8e: {  	[smem:$0x3FB5] =	sst s2  }
0x8f: {  	_ = 	snop  }
0x90: {  	(tm) =	ssettm $0x1  }
0x91: {  	s17 =	sld [smem:$0x3FFB];
	_ =	sdelay $0x3  }
0x92: {  	_ =	strace s17  }
0x93: {  	s2 =	sld [smem:$0x3FFC];
	_ =	sdelay $0x3  }
0x94: {  	_ =	strace s2  }
0x95: {  	s2 =	sld [smem:$0x3FFD];
	_ =	sdelay $0x3  }
0x96: {  	_ =	strace s2  }
0x97: {  	_ =	strace $0x8FFFFFFF  }
0x98: {  	s18 =	sld [smem:$0x3FDB];
	_ =	sdelay $0x1  }
0x99: {  	s19 =	simm.s32 $_scs_section_size  }
0x9a: {  	s4 =	simm.s32 $_size__tile_overlayer_lowered;
	s5 =	simm.s32 $_tile_overlayer_lowered  }
0x9b: {  	s22 =	simm.s32 $0x1BFF;
	s21 =	sshll.u32 s5, $0x1;
	s2 =	sadd.s32 s19, s18  }
0x9c: {  	s6 =	simm.s32 $0x0;
	s20 =	sshll.u32 s4, $0x1;
	s4 =	sadd.s32 s21, s2  }
0x9d: {  	[timem:s6], [sflag:s22] =	dma.local [hbm:s4], s20  }
0x9e: {  	_ =	swait.ge [sflag:s22], s20  }
0x9f: {  	s3 =	ssub.s32 $0x0, s20;
	[sflag:s22] =	ssyncset.done $0x0  }
0xa0: {  	[sflag:s22] =	ssyncadd.s32 s3;
	_ =	sdelay $0x1  }
0xa1: {  	s23 =	simm.s32 $0x1B8B  }
0xa2: {  	_ =	swait.ge [sflag:s23], $0x1  }
0xa3: {  	[sflag:s23] =	ssyncset.done $0x0  }
0xa4: {  	s25 =	simm.s32 $0x1B8E;
	s24 =	sld [smem:$0x3FFE];
	[sflag:s23] =	ssyncadd.s32 $0xFFFFFFFF  }
0xa5: {  	s26 =	simm.s32 $execute0_lowered;
	[smem:$0x3FD2] =	sst s25  }
0xa6: {  	s4 =	sshll.u32 s26, $0x1;
	_ =	strace $0x80000049;
	[dreg:$0x1] =	wrdreg $0xFFFFFFFF  }
0xa7: {  	s28 =	simm.s32 $_size_execute0_lowered;
	s2 =	sadd.s32 s2, s4;
	[dreg:$0x0] =	wrdreg $0x0  }
0xa8: {  	s4 =	sshll.u32 s28, $0x1;
	[dreg:$0x2] =	wrdreg s2  }
0xa9: {  	[dreg:$0x3] =	wrdreg s4  }
0xaa: {  	[dreg:$0x4] =	wrdreg $0xC0  }
0xab: {  	_ =	task [dreg:s6], $0x5FFFF  }
0xac: {  	[dreg:$0x1] =	wrdreg $0xFFFFFFFF  }
0xad: {  	[dreg:$0x0] =	wrdreg $0x60  }
0xae: {  	[dreg:$0x2] =	wrdreg s24  }
0xaf: {  	[dreg:$0x3] =	wrdreg $0xA0000  }
0xb0: {  	[dreg:$0x4] =	wrdreg $0x9  }
0xb1: {  	_ =	task.clear_ibuf [dreg:s6], $0x5FFFF;
	_ =	strace $0x90000049  }
0xb2: {  	s29 =	simm.s32 $0x9;
	_ =	strace $0x8000004B  }
0xb3: {  	_ =	swait.ge [sflag:s29], $0x1  }
0xb4: {  	[sflag:s29] =	ssyncadd.s32 $0xFFFFFFFF  }
0xb5: {  	_ =	strace $0x9000004B  }
0xb6: {  	_ =	sfence  }
0xb7: {  	s30 =	sld [smem:$0x0];
	_ =	sdelay $0x2  }
0xb8: {  	s31 =	sshll.u32 s1, $0xD;
	s1 =	sshrl.u32 s1, $0x2  }
0xb9: {  	s3 =	sand.u32 $0x4000, s31;
	s1 =	sadd.s32 s1, s30  }
0xba: {  	s0 =	sor.u32 s3, s0;
	s1 =	sshll.u32 s1, $0x11  }
0xbb: {  	s0 =	sor.u32 s1, s0  }
0xbc: {  	s0 =	sadd.s32 $0x8F2B, s0  }
0xbd: {  	[sflag:s0] =	ssyncadd.remote.s32 $0x1  }
0xbe: {  	_ =	sfence.sel $0xFFFF  }
0xbf: {  	[dreg:$0x0] =	wrdreg $0xFFFFFFFF;
	(pc) =	sbr.abs _section_cstart, $3  }
0xc0: {  	[dreg:$0x1] =	wrdreg $0xFFFFFFFF  }
0xc1: {  	_ =	task.clear_ibuf [dreg:s6], $0x2FFFF;
	_ =	strace $0x9FFFFFFF  }
0xc2: {  	(tm) =	ssettm $0x7FFFFFFF  }
0xc3: {  	_ =	shalt  }
tec
execute0_lowered:
.L_overlay_start_1:
0x0: {  	(tag) =	ssettag $0x1  }
0x1: {  	s0 =	rddreg [dreg:$0x0]  }
0x2: {  	s1 =	rddreg [dreg:$0x1]  }
0x3: {  	s2 =	srdreg.scid;
	s3 =	simm.s32 $0x0;
	s8 =	stileid.u32  }
0x4: {  	s30 =	simm.s32 $0x2;
	s31 =	simm.s32 $0x5000;
	s6 =	smul.u32 $0x14000, s8  }
0x5: {  	s2 =	sand.u32 $0x1, s2;
	[smem:$0x7FF] =	sst s3;
	s19 =	smul.u32 $0x50000, s8  }
0x6: {  	s4 =	sshll.u32 s8, $0x1;
	s5 =	smul.u32 $0x140000, s2;
	_ =	strace $0x8000004A  }
0x7: {  	s7 =	sor.u32 s2, s4;
	s4 =	sadd.s32 $0x28400, s0;
	s2 =	ssub.s32 $0x2, s2  }
0x8: {  	s7 =	smul.u32 $0x500, s7;
	s20 =	sshrl.u32 s2, $0x1;
	s22 =	sshrl.u32 s19, $0x2  }
0x9: {  	s5 =	sadd.s32 s6, s5;
	s2 =	ssub.s32 s2, s20;
	s9 =	sadd.s32 s22, s1  }
0xa: {  	s6 =	simm.s32 $0x0;
	s5 =	sshrl.u32 s5, $0x3;
	s7 =	sadd.s32 s7, s0  }
0xb: {  	s2 =	smax.u32 s2, $0x1;
	s24 =	sadd.s32 $0x1000, s9;
	s25 =	sadd.s32 $0x2000, s9  }
0xc: {  	s26 =	sadd.s32 $0x3000, s9;
	s12 =	sadd.s32 $0x4000, s9;
	s13 =	sadd.s32 $0x5000, s9  }
0xd: {  	s14 =	sadd.s32 $0x6000, s9;
	s15 =	sadd.s32 $0x7000, s9;
	s16 =	sadd.s32 $0x8000, s9  }
0xe: {  	s17 =	sadd.s32 $0x9000, s9;
	s18 =	sadd.s32 $0xA000, s9;
	s19 =	sadd.s32 $0xB000, s9  }
0xf: {  	s20 =	sadd.s32 $0xC000, s9;
	s22 =	sadd.s32 $0xE000, s9;
	[dreg:$0x5] =	wrdreg s2  }
0x10: {  	s28 =	sadd.s32 $0x12000, s9;
	s29 =	sadd.s32 $0x13000, s9;
	[dreg:$0x6] =	wrdreg s24  }
0x11: {  	s0 =	sadd.s32 s5, s0;
	s21 =	sadd.s32 $0x1E400, s7;
	[dreg:$0x7] =	wrdreg s25  }
0x12: {  	s23 =	sadd.s32 $0x14400, s7;
	[dreg:$0x8] =	wrdreg s26;
	s24 =	sadd.s32 $0x10000, s9  }
0x13: {  	s26 =	sadd.s32 $0x11000, s9;
	s2 =	simm.s32 $0x7D;
	[dreg:$0x3] =	wrdreg s21  }
0x14: {  	s5 =	simm.s32 $0x1;
	[dreg:$0x4] =	wrdreg s23;
	s21 =	sadd.s32 $0xD000, s9  }
0x15: {  	v0 =	vimm.f32 $0.0e+00;
	s23 =	sadd.s32 $0xF000, s9;
	s25 =	sadd.s32 $0x4F600, s0;
	s0 =	simm.s32 $0x9000  }
.LBB2_1:
0x16: {  	s7 =	rddreg [dreg:$0x3]  }
0x17: {  	[tilespmem:s3], [sflag:$0x2] =	stream.linear.gather [hbm4b:s7+s3], $0x2800, $0x38;
	[tilespmem:$0x1E000] =	vst v63  }
0x18: {  	_ =	swait.ge [sflag:s30], $0x2800  }
0x19: {  	s8 =	simm.s32 $0x2800;
	[sflag:s30] =	ssyncset.done $0x0  }
0x1a: {  	s10 =	sand.u32 $0x3E00, s3;
	s11 =	rddreg [dreg:$0x4];
	[sflag:s30] =	ssyncadd.s32 $0xFFFFD800  }
0x1b: {  	[tilespmem:s8], [sflag:$0x2] =	stream.linear.gather [hbm4b:s11+s3], $0x2800, $0x38;
	[tilespmem:$0x1E000] =	vst v63  }
0x1c: {  	s10 =	sshrl.u32 s10, $0x2;
	_ =	swait.ge [sflag:s30], $0x2800  }
0x1d: {  	s7 =	simm.s32 $0x40;
	s11 =	sand.u32 $0x70, s3;
	[sflag:s30] =	ssyncset.done $0x0  }
0x1e: {  	s8 =	simm.s32 $0x0;
	s10 =	sor.u32 s11, s10;
	[sflag:s30] =	ssyncadd.s32 $0xFFFFD800  }
.LBB2_2:
0x1f: {  	p0 =	sne.s32 s7, $0x3FC0  }
0x20: {  	[tilespmem:s10+$0x9000] =	vst v0;
	s8 =	sadd.s32 $0x10, s8;
	s10 =	smov.u32 s7;
	s7 =	sadd.s32 $0x40, s7  }
.Ltmp0:
0x21: {  	(pc) =	sbr.rel @p0 .LBB2_2-.Ltmp0, $4  }
0x22: {  	_ = 	snop  }
0x23: {  	s10 =	sand.u32 $0x3E00, s10  }
0x24: {  	s11 =	sand.u32 $0x70, s8;
	s10 =	sshrl.u32 s10, $0x2  }
0x25: {  	s10 =	sor.u32 s11, s10  }
0x26: {  	[tilespmem:s10+$0x9000] =	vst v0  }
0x27: {  	[spmem:s9] =	stream.linear.scatter [tilespmem:s0], [sflag:$0x2], $0x1000, $0x38;
	[tilespmem:$0x1E000] =	vst v63  }
0x28: {  	_ =	swait.ge [sflag:s30], $0x1000  }
0x29: {  	[sflag:s30] =	ssyncset.done $0x0  }
0x2a: {  	s7 =	rddreg [dreg:$0x6];
	[sflag:s30] =	ssyncadd.s32 $0xFFFFF000  }
0x2b: {  	[spmem:s7] =	stream.linear.scatter [tilespmem:s0], [sflag:$0x2], $0x1000, $0x38;
	[tilespmem:$0x1E000] =	vst v63  }
0x2c: {  	_ =	swait.ge [sflag:s30], $0x1000  }
0x2d: {  	[sflag:s30] =	ssyncset.done $0x0  }
0x2e: {  	s11 =	rddreg [dreg:$0x7];
	[sflag:s30] =	ssyncadd.s32 $0xFFFFF000  }
0x2f: {  	[spmem:s11] =	stream.linear.scatter [tilespmem:s0], [sflag:$0x2], $0x1000, $0x38;
	[tilespmem:$0x1E000] =	vst v63  }
0x30: {  	_ =	swait.ge [sflag:s30], $0x1000  }
0x31: {  	[sflag:s30] =	ssyncset.done $0x0  }
0x32: {  	s8 =	rddreg [dreg:$0x8];
	[sflag:s30] =	ssyncadd.s32 $0xFFFFF000  }
0x33: {  	[spmem:s8] =	stream.linear.scatter [tilespmem:s0], [sflag:$0x2], $0x1000, $0x38;
	[tilespmem:$0x1E000] =	vst v63  }
0x34: {  	_ =	swait.ge [sflag:s30], $0x1000  }
0x35: {  	[sflag:s30] =	ssyncset.done $0x0  }
0x36: {  	[sflag:s30] =	ssyncadd.s32 $0xFFFFF000  }
0x37: {  	[spmem:s12] =	stream.linear.scatter [tilespmem:s0], [sflag:$0x2], $0x1000, $0x38;
	[tilespmem:$0x1E000] =	vst v63  }
0x38: {  	_ =	swait.ge [sflag:s30], $0x1000  }
0x39: {  	[sflag:s30] =	ssyncset.done $0x0  }
0x3a: {  	[sflag:s30] =	ssyncadd.s32 $0xFFFFF000  }
0x3b: {  	[spmem:s13] =	stream.linear.scatter [tilespmem:s0], [sflag:$0x2], $0x1000, $0x38;
	[tilespmem:$0x1E000] =	vst v63  }
0x3c: {  	_ =	swait.ge [sflag:s30], $0x1000  }
0x3d: {  	[sflag:s30] =	ssyncset.done $0x0  }
0x3e: {  	[sflag:s30] =	ssyncadd.s32 $0xFFFFF000  }
0x3f: {  	[spmem:s14] =	stream.linear.scatter [tilespmem:s0], [sflag:$0x2], $0x1000, $0x38;
	[tilespmem:$0x1E000] =	vst v63  }
0x40: {  	_ =	swait.ge [sflag:s30], $0x1000  }
0x41: {  	[sflag:s30] =	ssyncset.done $0x0  }
0x42: {  	[sflag:s30] =	ssyncadd.s32 $0xFFFFF000  }
0x43: {  	[spmem:s15] =	stream.linear.scatter [tilespmem:s0], [sflag:$0x2], $0x1000, $0x38;
	[tilespmem:$0x1E000] =	vst v63  }
0x44: {  	_ =	swait.ge [sflag:s30], $0x1000  }
0x45: {  	[sflag:s30] =	ssyncset.done $0x0  }
0x46: {  	[sflag:s30] =	ssyncadd.s32 $0xFFFFF000  }
0x47: {  	[spmem:s16] =	stream.linear.scatter [tilespmem:s0], [sflag:$0x2], $0x1000, $0x38;
	[tilespmem:$0x1E000] =	vst v63  }
0x48: {  	_ =	swait.ge [sflag:s30], $0x1000  }
0x49: {  	[sflag:s30] =	ssyncset.done $0x0  }
0x4a: {  	[sflag:s30] =	ssyncadd.s32 $0xFFFFF000  }
0x4b: {  	[spmem:s17] =	stream.linear.scatter [tilespmem:s0], [sflag:$0x2], $0x1000, $0x38;
	[tilespmem:$0x1E000] =	vst v63  }
0x4c: {  	_ =	swait.ge [sflag:s30], $0x1000  }
0x4d: {  	[sflag:s30] =	ssyncset.done $0x0  }
0x4e: {  	[sflag:s30] =	ssyncadd.s32 $0xFFFFF000  }
0x4f: {  	[spmem:s18] =	stream.linear.scatter [tilespmem:s0], [sflag:$0x2], $0x1000, $0x38;
	[tilespmem:$0x1E000] =	vst v63  }
0x50: {  	_ =	swait.ge [sflag:s30], $0x1000  }
0x51: {  	[sflag:s30] =	ssyncset.done $0x0  }
0x52: {  	[sflag:s30] =	ssyncadd.s32 $0xFFFFF000  }
0x53: {  	[spmem:s19] =	stream.linear.scatter [tilespmem:s0], [sflag:$0x2], $0x1000, $0x38;
	[tilespmem:$0x1E000] =	vst v63  }
0x54: {  	_ =	swait.ge [sflag:s30], $0x1000  }
0x55: {  	[sflag:s30] =	ssyncset.done $0x0  }
0x56: {  	[sflag:s30] =	ssyncadd.s32 $0xFFFFF000  }
0x57: {  	[spmem:s20] =	stream.linear.scatter [tilespmem:s0], [sflag:$0x2], $0x1000, $0x38;
	[tilespmem:$0x1E000] =	vst v63  }
0x58: {  	_ =	swait.ge [sflag:s30], $0x1000  }
0x59: {  	[sflag:s30] =	ssyncset.done $0x0  }
0x5a: {  	[sflag:s30] =	ssyncadd.s32 $0xFFFFF000  }
0x5b: {  	[spmem:s21] =	stream.linear.scatter [tilespmem:s0], [sflag:$0x2], $0x1000, $0x38;
	[tilespmem:$0x1E000] =	vst v63  }
0x5c: {  	_ =	swait.ge [sflag:s30], $0x1000  }
0x5d: {  	[sflag:s30] =	ssyncset.done $0x0  }
0x5e: {  	[sflag:s30] =	ssyncadd.s32 $0xFFFFF000  }
0x5f: {  	[spmem:s22] =	stream.linear.scatter [tilespmem:s0], [sflag:$0x2], $0x1000, $0x38;
	[tilespmem:$0x1E000] =	vst v63  }
0x60: {  	_ =	swait.ge [sflag:s30], $0x1000  }
0x61: {  	[sflag:s30] =	ssyncset.done $0x0  }
0x62: {  	[sflag:s30] =	ssyncadd.s32 $0xFFFFF000  }
0x63: {  	[spmem:s23] =	stream.linear.scatter [tilespmem:s0], [sflag:$0x2], $0x1000, $0x38;
	[tilespmem:$0x1E000] =	vst v63  }
0x64: {  	_ =	swait.ge [sflag:s30], $0x1000  }
0x65: {  	[sflag:s30] =	ssyncset.done $0x0  }
0x66: {  	[sflag:s30] =	ssyncadd.s32 $0xFFFFF000  }
0x67: {  	[spmem:s24] =	stream.linear.scatter [tilespmem:s0], [sflag:$0x2], $0x1000, $0x38;
	[tilespmem:$0x1E000] =	vst v63  }
0x68: {  	_ =	swait.ge [sflag:s30], $0x1000  }
0x69: {  	[sflag:s30] =	ssyncset.done $0x0  }
0x6a: {  	[sflag:s30] =	ssyncadd.s32 $0xFFFFF000  }
0x6b: {  	[spmem:s26] =	stream.linear.scatter [tilespmem:s0], [sflag:$0x2], $0x1000, $0x38;
	[tilespmem:$0x1E000] =	vst v63  }
0x6c: {  	_ =	swait.ge [sflag:s30], $0x1000  }
0x6d: {  	[sflag:s30] =	ssyncset.done $0x0  }
0x6e: {  	[sflag:s30] =	ssyncadd.s32 $0xFFFFF000  }
0x6f: {  	[spmem:s28] =	stream.linear.scatter [tilespmem:s0], [sflag:$0x2], $0x1000, $0x38;
	[tilespmem:$0x1E000] =	vst v63  }
0x70: {  	_ =	swait.ge [sflag:s30], $0x1000  }
0x71: {  	[sflag:s30] =	ssyncset.done $0x0  }
0x72: {  	[sflag:s30] =	ssyncadd.s32 $0xFFFFF000  }
0x73: {  	[spmem:s29] =	stream.linear.scatter [tilespmem:s0], [sflag:$0x2], $0x1000, $0x38;
	[tilespmem:$0x1E000] =	vst v63  }
0x74: {  	_ =	swait.ge [sflag:s30], $0x1000  }
0x75: {  	[sflag:s30] =	ssyncset.done $0x0  }
0x76: {  	[sflag:s30] =	ssyncadd.s32 $0xFFFFF000  }
0x77: {  	s10 =	simm.s32 $0x0;
	[bflag:$0x0] =	sbarrier.arrive $0xFFFF  }
0x78: {  	[tilespmem:s31], [sflag:$0x1] =	stream.indirect.gather [hbm4b:s4+s2], $0x80, s10, s2, $0xb8;
	[tilespmem:$0x1E000] =	vst v63  }
0x79: {  	_ =	swait.ge [sflag:s5], $0x3E80  }
0x7a: {  	[sflag:s5] =	ssyncset.done $0x0  }
0x7b: {  	s11 =	simm.s32 $0x2800;
	[sflag:s5] =	ssyncadd.s32 $0xFFFFC180  }
0x7c: {  	[spmem:s1] =	stream.indirect.scatter.add.f32 [tilespmem:s31], [sflag:$0x2], $0x80, s11, s2, $0xb8;
	[tilespmem:$0x1E000] =	vst v63  }
0x7d: {  	_ =	swait.ge [sflag:s30], $0x3E80  }
0x7e: {  	s7 =	simm.s32 $0x400;
	s8 =	simm.s32 $0x200;
	[sflag:s30] =	ssyncset.done $0x0  }
.LBB2_4:
0x7f: {  	s10 =	sshra.s32 s8, $0x2  }
0x80: {  	[sflag:s30] =	ssyncadd.s32 $0xFFFFC180;
	s8 =	smov.u32 s7;
	s11 =	sadd.s32 $0x200, s7  }
0x81: {  	[tilespmem:s31], [sflag:$0x1] =	stream.indirect.gather [hbm4b:s4+s2], $0x80, s10, s2, $0xb8;
	[tilespmem:$0x1E000] =	vst v63  }
0x82: {  	p0 =	sne.s32 s7, $0x9E00;
	_ =	swait.ge [sflag:s5], $0x3E80  }
.Ltmp1:
0x83: {  	[sflag:s5] =	ssyncset.done $0x0;
	(pc) =	sbr.rel @p0 .LBB2_4-.Ltmp1, $4  }
0x84: {  	s7 =	sadd.s32 $0x2800, s10;
	[sflag:s5] =	ssyncadd.s32 $0xFFFFC180  }
0x85: {  	[spmem:s1] =	stream.indirect.scatter.add.f32 [tilespmem:s31], [sflag:$0x2], $0x80, s7, s2, $0xb8;
	[tilespmem:$0x1E000] =	vst v63  }
0x86: {  	_ =	swait.ge [sflag:s30], $0x3E80  }
0x87: {  	s7 =	smov.u32 s11;
	[sflag:s30] =	ssyncset.done $0x0  }
0x88: {  	s7 =	sshra.s32 s8, $0x2;
	[sflag:s30] =	ssyncadd.s32 $0xFFFFC180  }
0x89: {  	[tilespmem:s31], [sflag:$0x1] =	stream.indirect.gather [hbm4b:s4+s2], $0x80, s7, s2, $0xb8;
	[tilespmem:$0x1E000] =	vst v63  }
0x8a: {  	_ =	swait.ge [sflag:s5], $0x3E80  }
0x8b: {  	[sflag:s5] =	ssyncset.done $0x0  }
0x8c: {  	s7 =	sadd.s32 $0x2800, s7;
	[sflag:s5] =	ssyncadd.s32 $0xFFFFC180  }
0x8d: {  	[spmem:s1] =	stream.indirect.scatter.add.f32 [tilespmem:s31], [sflag:$0x2], $0x80, s7, s2, $0xb8;
	[tilespmem:$0x1E000] =	vst v63  }
0x8e: {  	_ =	swait.ge [sflag:s30], $0x3E80  }
0x8f: {  	[sflag:s30] =	ssyncset.done $0x0  }
0x90: {  	[sflag:s30] =	ssyncadd.s32 $0xFFFFC180  }
0x91: {  	[bflag:$0x0] =	sbarrier.arrive $0xFFFF  }
0x92: {  	[tilespmem:s0], [sflag:$0x2] =	stream.linear.gather [spmem:s9], $0x1000, $0x38;
	[tilespmem:$0x1E000] =	vst v63  }
0x93: {  	_ =	swait.ge [sflag:s30], $0x1000  }
0x94: {  	[sflag:s30] =	ssyncset.done $0x0  }
0x95: {  	s11 =	sadd.s32 $0x0, s25;
	[sflag:s30] =	ssyncadd.s32 $0xFFFFF000  }
0x96: {  	[hbm4b:s11+s3] =	stream.linear.scatter [tilespmem:s0], [sflag:$0x2], $0x1000, $0x38;
	[tilespmem:$0x1E000] =	vst v63  }
0x97: {  	_ =	swait.ge [sflag:s30], $0x1000  }
0x98: {  	s8 =	simm.s32 $0x200;
	s7 =	smov.u32 s9;
	[sflag:s30] =	ssyncset.done $0x0  }
.LBB2_6:
0x99: {  	p0 =	sne.s32 s8, $0x2600;
	[sflag:s30] =	ssyncadd.s32 $0xFFFFF000;
	s7 =	sadd.s32 $0x1000, s7  }
0x9a: {  	[tilespmem:s0], [sflag:$0x2] =	stream.linear.gather [spmem:s7], $0x1000, $0x38;
	[tilespmem:$0x1E000] =	vst v63  }
0x9b: {  	s10 =	smov.u32 s8;
	s8 =	sadd.s32 $0x200, s8;
	_ =	swait.ge [sflag:s30], $0x1000  }
.Ltmp2:
0x9c: {  	[sflag:s30] =	ssyncset.done $0x0;
	(pc) =	sbr.rel @p0 .LBB2_6-.Ltmp2, $4  }
0x9d: {  	s10 =	sadd.s32 s10, s25;
	[sflag:s30] =	ssyncadd.s32 $0xFFFFF000  }
0x9e: {  	[hbm4b:s10+s3] =	stream.linear.scatter [tilespmem:s0], [sflag:$0x2], $0x1000, $0x38;
	[tilespmem:$0x1E000] =	vst v63  }
0x9f: {  	_ =	swait.ge [sflag:s30], $0x1000  }
0xa0: {  	[sflag:s30] =	ssyncset.done $0x0  }
0xa1: {  	s6 =	sadd.s32 $0x1, s6;
	s7 =	rddreg [dreg:$0x5]  }
0xa2: {  	p0 =	sne.s32 s6, s7  }
.Ltmp3:
0xa3: {  	_ = 	snop;
	(pc) =	sbr.rel @p0 .LBB2_1-.Ltmp3, $2  }
0xa4: {  	_ =	sdelay $0x2  }
0xa5: {  	[sflag:s30] =	ssyncadd.s32 $0xFFFFF000  }
0xa6: {  	_ =	sfence.sel $0x180000  }
0xa7: {  	[bflag:$0x0] =	sbarrier.arrive $0xFFFF  }
0xa8: {  	_ =	strace $0x9000004A  }
0xa9: {  	s0 =	stileid.u32;
	[bflag:$0x2] =	sbarrier.arrive $0xFFFF  }
0xaa: {  	p0 =	sne.s32 s0, $0x0;
	s0 =	rddreg [dreg:$0x2]  }
0xab: {  	s0 =	sadd.s32 @!p0 $0x100000, s0  }
0xac: {  	[sflag:s0] =	ssyncadd.tile.s32 @!p0 $0x1;
	_ =	shalt  }
.Lfunc_end2:
_tile_overlayer_lowered:
.L_overlay_start_2:
0xad: {  	(tag) =	ssettag $0x2  }
0xae: {  	s0 =	rddreg [dreg:$0x0];
	s2 =	stileid.u32  }
0xaf: {  	s1 =	rddreg [dreg:$0x1];
	p0 =	sne.s32 s2, $0x0  }
0xb0: {  	s3 =	rddreg [dreg:$0x2];
	[bflag:$0x3] =	sbarrier.arrive $0xFFFF;
	s2 =	simm.s32 @!p0 $0x1C02  }
0xb1: {  	[timem:s3], [sflag:s2] =	dma.local @!p0 [hbm:s0], s1  }
0xb2: {  	s0 =	simm.s32 @!p0 $0x2  }
0xb3: {  	_ =	swait.ge @!p0 [sflag:s0], s1  }
0xb4: {  	s1 =	ssub.s32 @!p0 $0x0, s1;
	[sflag:s0] =	ssyncset.done @!p0 $0x0  }
0xb5: {  	[sflag:s0] =	ssyncadd.s32 @!p0 s1  }
0xb6: {  	[bflag:$0x3] =	sbarrier.arrive $0xFFFF  }
0xb7: {  	_ =	shalt  }

// kernel: kernel.15.cloned.1.call-start
scs
__scs_entry_jumppad:
0x0: {  	(pc) =	sbr.rel $0x88, $3  }
0x1: {  	(tag) =	ssettag $0x0;
	lr =	simm.s32 $0x1  }
0x2: {  	[smem:$0x3F8E] =	sst lr;
	_ =	strace $0xD0000000  }
0x3: {  	_ = 	snop  }
0x4: {  	_ = 	snop  }
0x5: {  	_ = 	snop  }
0x6: {  	_ = 	snop  }
0x7: {  	_ = 	snop  }
__scs_overlays_trampoline_lowered:
0x8: {  	[smem:$0x3F9D] =	sst s0  }
0x9: {  	[smem:$0x3F9E] =	sst s1  }
0xa: {  	[smem:$0x3F9F] =	sst s2  }
0xb: {  	[smem:$0x3FA0] =	sst s3  }
0xc: {  	[smem:$0x3FA1] =	sst s4  }
0xd: {  	[smem:$0x3FA2] =	sst s5  }
0xe: {  	[smem:$0x3FA3] =	sst s6  }
0xf: {  	[smem:$0x3FA4] =	sst s7  }
0x10: {  	[smem:$0x3FA5] =	sst s8  }
0x11: {  	[smem:$0x3FA6] =	sst s9;
	s0 =	simm.s32 @!p0 $0x0  }
0x12: {  	s1 =	sld [smem:$0x3F8C];
	s0 =	simm.s32 @p0 $0x1  }
0x13: {  	[smem:$0x3FA7] =	sst s0;
	s0 =	simm.s32 @!p1 $0x0  }
0x14: {  	s2 =	sld [smem:$0x3F8B];
	s0 =	simm.s32 @p1 $0x1  }
0x15: {  	[smem:$0x3FA8] =	sst s0;
	s0 =	simm.s32 @!p2 $0x0  }
0x16: {  	s3 =	sld [smem:$0x3FDB];
	s0 =	simm.s32 @p2 $0x1  }
0x17: {  	s4 =	simm.s32 $0x1BF5;
	[smem:$0x3FAA] =	sst s0  }
0x18: {  	s0 =	sld [smem:$0x3F8D];
	_ =	swait.ge [sflag:s4], $0x0  }
0x19: {  	s7 =	sld [smem:$0x3F8E]  }
0x1a: {  	s8 =	sadd.s32 $0xFFFFE003, lr  }
0x1b: {  	s9 =	sadd.s32 $0xFFFFFEF7, lr;
	s5 =	simm.s32 $0xFFFFFFFF;
	p2 =	slt.u32 s8, $0xFFFFF086  }
0x1c: {  	p1 =	slt.u32 s9, $0xF7A;
	s5 =	simm.s32 @!p2 $0x0  }
0x1d: {  	s5 =	simm.s32 @p1 $0x1;
	p0 =	seq.s32 s7, s2  }
0x1e: {  	s7 =	smul.u32 @!p0 $0xF7A, s2;
	p2 =	seq.s32 @!p0 s5, $0x0  }
0x1f: {  	s9 =	smul.u32 $0xF7A, s1;
	s8 =	simm.s32 @!p0 $0x1BF5;
	p2 =	por !p2, p0  }
0x20: {  	[sflag:s8] =	ssyncset.s32 @!p0 $0xFFFFF086;
	s6 =	sadd.s32 @!p0 s3, s7;
	s7 =	simm.s32 @!p0 $0x108  }
0x21: {  	s3 =	sadd.s32 s3, s9;
	s6 =	sadd.s32 @!p0 $0x88, s6;
	s7 =	simm.s32 @p2 $0x1082  }
0x22: {  	[simem:s7], [sflag:s8] =	dma.local @!p0 [hbm:s6], $0xF7A  }
0x23: {  	s9 =	sor.u32 $0xD0000000, s2;
	s6 =	simm.s32 $0x108;
	_ =	swait.ge @!p0 [sflag:s8], $0x0  }
0x24: {  	s3 =	sadd.s32 $0x88, s3;
	s6 =	simm.s32 @!p1 $0x1082;
	[sflag:s4] =	ssyncset.s32 $0xFFFFF086  }
0x25: {  	[simem:s6], [sflag:s4] =	dma.local [hbm:s3], $0xF7A  }
0x26: {  	[smem:$0x3F8E] =	sst s1;
	(tag) =	ssettag s2;
	_ =	strace s9  }
0x27: {  	s1 =	sld [smem:$0x3F9E]  }
0x28: {  	s2 =	sld [smem:$0x3F9F]  }
0x29: {  	s4 =	sld [smem:$0x3FA1]  }
0x2a: {  	p0 =	seq.s32 s5, $0x0;
	s5 =	sld [smem:$0x3FA2]  }
0x2b: {  	s6 =	sld [smem:$0x3FA3]  }
0x2c: {  	s7 =	sld [smem:$0x3FA4]  }
0x2d: {  	s3 =	simm.s32 $0x108;
	s8 =	sld [smem:$0x3FA5]  }
0x2e: {  	s3 =	simm.s32 @!p0 $0x1082;
	s9 =	sld [smem:$0x3FA6]  }
0x2f: {  	lr =	sadd.s32 s0, s3;
	s0 =	sld [smem:$0x3F9D]  }
0x30: {  	s3 =	sld [smem:$0x3FA0]  }
0x31: {  	[smem:$0x3FA9] =	sst s10  }
0x32: {  	s10 =	sld [smem:$0x3FA7];
	_ =	sdelay $0x3  }
0x33: {  	p0 =	seq.s32 s10, $0x1;
	s10 =	sld [smem:$0x3FA9];
	_ =	sdelay $0x3  }
0x34: {  	[smem:$0x3FA9] =	sst s10  }
0x35: {  	s10 =	sld [smem:$0x3FA8];
	_ =	sdelay $0x3  }
0x36: {  	p1 =	seq.s32 s10, $0x1;
	s10 =	sld [smem:$0x3FA9];
	_ =	sdelay $0x3  }
0x37: {  	[smem:$0x3FA9] =	sst s10  }
0x38: {  	s10 =	sld [smem:$0x3FAA]  }
0x39: {  	_ = 	snop;
	(pc) =	sbr.ind lr, $3  }
0x3a: {  	_ = 	snop  }
0x3b: {  	_ = 	snop  }
0x3c: {  	p2 =	seq.s32 s10, $0x1;
	s10 =	sld [smem:$0x3FA9]  }
0x3d: {  	_ =	shalt  }
0x3e: {  	_ =	shalt  }
0x3f: {  	_ =	shalt  }
0x40: {  	_ =	shalt  }
0x41: {  	_ =	shalt  }
0x42: {  	_ =	shalt  }
0x43: {  	_ =	shalt  }
0x44: {  	_ =	shalt  }
0x45: {  	_ =	shalt  }
0x46: {  	_ =	shalt  }
0x47: {  	_ =	shalt  }
0x48: {  	_ =	shalt  }
0x49: {  	_ =	shalt  }
0x4a: {  	_ =	shalt  }
0x4b: {  	_ =	shalt  }
0x4c: {  	_ =	shalt  }
0x4d: {  	_ =	shalt  }
0x4e: {  	_ =	shalt  }
0x4f: {  	_ =	shalt  }
0x50: {  	_ =	shalt  }
0x51: {  	_ =	shalt  }
0x52: {  	_ =	shalt  }
0x53: {  	_ =	shalt  }
0x54: {  	_ =	shalt  }
0x55: {  	_ =	shalt  }
0x56: {  	_ =	shalt  }
0x57: {  	_ =	shalt  }
0x58: {  	_ =	shalt  }
0x59: {  	_ =	shalt  }
0x5a: {  	_ =	shalt  }
0x5b: {  	_ =	shalt  }
0x5c: {  	_ =	shalt  }
0x5d: {  	_ =	shalt  }
0x5e: {  	_ =	shalt  }
0x5f: {  	_ =	shalt  }
0x60: {  	_ =	shalt  }
0x61: {  	_ =	shalt  }
0x62: {  	_ =	shalt  }
0x63: {  	_ =	shalt  }
0x64: {  	_ =	shalt  }
0x65: {  	_ =	shalt  }
0x66: {  	_ =	shalt  }
0x67: {  	_ =	shalt  }
0x68: {  	_ =	shalt  }
0x69: {  	_ =	shalt  }
0x6a: {  	_ =	shalt  }
0x6b: {  	_ =	shalt  }
0x6c: {  	_ =	shalt  }
0x6d: {  	_ =	shalt  }
0x6e: {  	_ =	shalt  }
0x6f: {  	_ =	shalt  }
0x70: {  	_ =	shalt  }
0x71: {  	_ =	shalt  }
0x72: {  	_ =	shalt  }
0x73: {  	_ =	shalt  }
0x74: {  	_ =	shalt  }
0x75: {  	_ =	shalt  }
0x76: {  	_ =	shalt  }
0x77: {  	_ =	shalt  }
0x78: {  	_ =	shalt  }
0x79: {  	_ =	shalt  }
0x7a: {  	_ =	shalt  }
0x7b: {  	_ =	shalt  }
0x7c: {  	_ =	shalt  }
0x7d: {  	_ =	shalt  }
0x7e: {  	_ =	shalt  }
0x7f: {  	_ =	shalt  }
0x80: {  	_ =	shalt  }
0x81: {  	_ =	shalt  }
0x82: {  	_ =	shalt  }
0x83: {  	_ =	shalt  }
0x84: {  	_ =	shalt  }
0x85: {  	_ =	shalt  }
0x86: {  	_ =	shalt  }
0x87: {  	_ =	shalt  }
.Lfunc_end0:
.L_simem_size_0:
called_computation.2_lowered:
.L_overlay_start_0:
0x88: {  	s2 =	sld [smem:$0x3FD9]  }
0x89: {  	s3 =	sld [smem:$0x3FFE];
	_ =	sdelay $0x1  }
0x8a: {  	s1 =	srdreg.scid  }
0x8b: {  	s0 =	sand.u32 $0x1, s1  }
0x8c: {  	s16 =	sshll.u32 s0, $0xA;
	s2 =	sadd.s32 s3, s2  }
0x8d: {  	s2 =	sadd.s32 s2, s16  }
0x8e: {  	[smem:$0x3FB5] =	sst s2  }
0x8f: {  	_ = 	snop  }
0x90: {  	(tm) =	ssettm $0x1  }
0x91: {  	s17 =	sld [smem:$0x3FFB];
	_ =	sdelay $0x3  }
0x92: {  	_ =	strace s17  }
0x93: {  	s2 =	sld [smem:$0x3FFC];
	_ =	sdelay $0x3  }
0x94: {  	_ =	strace s2  }
0x95: {  	s2 =	sld [smem:$0x3FFD];
	_ =	sdelay $0x3  }
0x96: {  	_ =	strace s2  }
0x97: {  	_ =	strace $0x8FFFFFFF  }
0x98: {  	s18 =	sld [smem:$0x3FDB];
	_ =	sdelay $0x1  }
0x99: {  	s19 =	simm.s32 $_scs_section_size  }
0x9a: {  	s4 =	simm.s32 $_size__tile_overlayer_lowered;
	s5 =	simm.s32 $_tile_overlayer_lowered  }
0x9b: {  	s22 =	simm.s32 $0x1BFF;
	s21 =	sshll.u32 s5, $0x1;
	s2 =	sadd.s32 s19, s18  }
0x9c: {  	s6 =	simm.s32 $0x0;
	s20 =	sshll.u32 s4, $0x1;
	s4 =	sadd.s32 s21, s2  }
0x9d: {  	[timem:s6], [sflag:s22] =	dma.local [hbm:s4], s20  }
0x9e: {  	_ =	swait.ge [sflag:s22], s20  }
0x9f: {  	s3 =	ssub.s32 $0x0, s20;
	[sflag:s22] =	ssyncset.done $0x0  }
0xa0: {  	[sflag:s22] =	ssyncadd.s32 s3;
	_ =	sdelay $0x1  }
0xa1: {  	s23 =	simm.s32 $0x1B8B  }
0xa2: {  	_ =	swait.ge [sflag:s23], $0x1  }
0xa3: {  	[sflag:s23] =	ssyncset.done $0x0  }
0xa4: {  	s25 =	simm.s32 $0x1B8E;
	s24 =	sld [smem:$0x3FFE];
	[sflag:s23] =	ssyncadd.s32 $0xFFFFFFFF  }
0xa5: {  	s26 =	simm.s32 $execute0_lowered;
	[smem:$0x3FD2] =	sst s25  }
0xa6: {  	s4 =	sshll.u32 s26, $0x1;
	_ =	strace $0x8000004C;
	[dreg:$0x1] =	wrdreg $0xFFFFFFFF  }
0xa7: {  	s28 =	simm.s32 $_size_execute0_lowered;
	s2 =	sadd.s32 s2, s4;
	[dreg:$0x0] =	wrdreg $0x0  }
0xa8: {  	s4 =	sshll.u32 s28, $0x1;
	[dreg:$0x2] =	wrdreg s2  }
0xa9: {  	[dreg:$0x3] =	wrdreg s4  }
0xaa: {  	[dreg:$0x4] =	wrdreg $0xC0  }
0xab: {  	_ =	task [dreg:s6], $0x5FFFF  }
0xac: {  	[dreg:$0x1] =	wrdreg $0xFFFFFFFF  }
0xad: {  	[dreg:$0x0] =	wrdreg $0x60  }
0xae: {  	[dreg:$0x2] =	wrdreg s24  }
0xaf: {  	[dreg:$0x3] =	wrdreg $0xA0000  }
0xb0: {  	[dreg:$0x4] =	wrdreg $0x9  }
0xb1: {  	_ =	task.clear_ibuf [dreg:s6], $0x5FFFF;
	_ =	strace $0x9000004C  }
0xb2: {  	s29 =	simm.s32 $0x9;
	_ =	strace $0x8000004E  }
0xb3: {  	_ =	swait.ge [sflag:s29], $0x1  }
0xb4: {  	[sflag:s29] =	ssyncadd.s32 $0xFFFFFFFF  }
0xb5: {  	_ =	strace $0x9000004E  }
0xb6: {  	_ =	sfence  }
0xb7: {  	s30 =	sld [smem:$0x0];
	_ =	sdelay $0x2  }
0xb8: {  	s31 =	sshll.u32 s1, $0xD;
	s1 =	sshrl.u32 s1, $0x2  }
0xb9: {  	s3 =	sand.u32 $0x4000, s31;
	s1 =	sadd.s32 s1, s30  }
0xba: {  	s0 =	sor.u32 s3, s0;
	s1 =	sshll.u32 s1, $0x11  }
0xbb: {  	s0 =	sor.u32 s1, s0  }
0xbc: {  	s0 =	sadd.s32 $0x8F2B, s0  }
0xbd: {  	[sflag:s0] =	ssyncadd.remote.s32 $0x1  }
0xbe: {  	_ =	sfence.sel $0xFFFF  }
0xbf: {  	[dreg:$0x0] =	wrdreg $0xFFFFFFFF;
	(pc) =	sbr.abs _section_cstart, $3  }
0xc0: {  	[dreg:$0x1] =	wrdreg $0xFFFFFFFF  }
0xc1: {  	_ =	task.clear_ibuf [dreg:s6], $0x2FFFF;
	_ =	strace $0x9FFFFFFF  }
0xc2: {  	(tm) =	ssettm $0x7FFFFFFF  }
0xc3: {  	_ =	shalt  }
tec
execute0_lowered:
.L_overlay_start_1:
0x0: {  	(tag) =	ssettag $0x1  }
0x1: {  	s0 =	rddreg [dreg:$0x0]  }
0x2: {  	s1 =	rddreg [dreg:$0x1]  }
0x3: {  	s2 =	srdreg.scid;
	s3 =	simm.s32 $0x0;
	s8 =	stileid.u32  }
0x4: {  	s30 =	simm.s32 $0x2;
	s31 =	simm.s32 $0x5000;
	s6 =	smul.u32 $0x14000, s8  }
0x5: {  	s2 =	sand.u32 $0x1, s2;
	[smem:$0x7FF] =	sst s3;
	s19 =	smul.u32 $0x50000, s8  }
0x6: {  	s4 =	sshll.u32 s8, $0x1;
	s5 =	smul.u32 $0x140000, s2;
	_ =	strace $0x8000004D  }
0x7: {  	s7 =	sor.u32 s2, s4;
	s4 =	sadd.s32 $0x28400, s0;
	s2 =	ssub.s32 $0x2, s2  }
0x8: {  	s7 =	smul.u32 $0x500, s7;
	s20 =	sshrl.u32 s2, $0x1;
	s22 =	sshrl.u32 s19, $0x2  }
0x9: {  	s5 =	sadd.s32 s6, s5;
	s2 =	ssub.s32 s2, s20;
	s9 =	sadd.s32 s22, s1  }
0xa: {  	s6 =	simm.s32 $0x0;
	s5 =	sshrl.u32 s5, $0x3;
	s7 =	sadd.s32 s7, s0  }
0xb: {  	s2 =	smax.u32 s2, $0x1;
	s24 =	sadd.s32 $0x1000, s9;
	s25 =	sadd.s32 $0x2000, s9  }
0xc: {  	s26 =	sadd.s32 $0x3000, s9;
	s12 =	sadd.s32 $0x4000, s9;
	s13 =	sadd.s32 $0x5000, s9  }
0xd: {  	s14 =	sadd.s32 $0x6000, s9;
	s15 =	sadd.s32 $0x7000, s9;
	s16 =	sadd.s32 $0x8000, s9  }
0xe: {  	s17 =	sadd.s32 $0x9000, s9;
	s18 =	sadd.s32 $0xA000, s9;
	s19 =	sadd.s32 $0xB000, s9  }
0xf: {  	s20 =	sadd.s32 $0xC000, s9;
	s22 =	sadd.s32 $0xE000, s9;
	[dreg:$0x5] =	wrdreg s2  }
0x10: {  	s28 =	sadd.s32 $0x12000, s9;
	s29 =	sadd.s32 $0x13000, s9;
	[dreg:$0x6] =	wrdreg s24  }
0x11: {  	s0 =	sadd.s32 s5, s0;
	s21 =	sadd.s32 $0x1E400, s7;
	[dreg:$0x7] =	wrdreg s25  }
0x12: {  	s23 =	sadd.s32 $0x14400, s7;
	[dreg:$0x8] =	wrdreg s26;
	s24 =	sadd.s32 $0x10000, s9  }
0x13: {  	s26 =	sadd.s32 $0x11000, s9;
	s2 =	simm.s32 $0x7D;
	[dreg:$0x3] =	wrdreg s21  }
0x14: {  	s5 =	simm.s32 $0x1;
	[dreg:$0x4] =	wrdreg s23;
	s21 =	sadd.s32 $0xD000, s9  }
0x15: {  	v0 =	vimm.f32 $0.0e+00;
	s23 =	sadd.s32 $0xF000, s9;
	s25 =	sadd.s32 $0x4F600, s0;
	s0 =	simm.s32 $0x9000  }
.LBB2_1:
0x16: {  	s7 =	rddreg [dreg:$0x3]  }
0x17: {  	[tilespmem:s3], [sflag:$0x2] =	stream.linear.gather [hbm4b:s7+s3], $0x2800, $0x38;
	[tilespmem:$0x1E000] =	vst v63  }
0x18: {  	_ =	swait.ge [sflag:s30], $0x2800  }
0x19: {  	s8 =	simm.s32 $0x2800;
	[sflag:s30] =	ssyncset.done $0x0  }
0x1a: {  	s10 =	sand.u32 $0x3E00, s3;
	s11 =	rddreg [dreg:$0x4];
	[sflag:s30] =	ssyncadd.s32 $0xFFFFD800  }
0x1b: {  	[tilespmem:s8], [sflag:$0x2] =	stream.linear.gather [hbm4b:s11+s3], $0x2800, $0x38;
	[tilespmem:$0x1E000] =	vst v63  }
0x1c: {  	s10 =	sshrl.u32 s10, $0x2;
	_ =	swait.ge [sflag:s30], $0x2800  }
0x1d: {  	s7 =	simm.s32 $0x40;
	s11 =	sand.u32 $0x70, s3;
	[sflag:s30] =	ssyncset.done $0x0  }
0x1e: {  	s8 =	simm.s32 $0x0;
	s10 =	sor.u32 s11, s10;
	[sflag:s30] =	ssyncadd.s32 $0xFFFFD800  }
.LBB2_2:
0x1f: {  	p0 =	sne.s32 s7, $0x3FC0  }
0x20: {  	[tilespmem:s10+$0x9000] =	vst v0;
	s8 =	sadd.s32 $0x10, s8;
	s10 =	smov.u32 s7;
	s7 =	sadd.s32 $0x40, s7  }
.Ltmp0:
0x21: {  	(pc) =	sbr.rel @p0 .LBB2_2-.Ltmp0, $4  }
0x22: {  	_ = 	snop  }
0x23: {  	s10 =	sand.u32 $0x3E00, s10  }
0x24: {  	s11 =	sand.u32 $0x70, s8;
	s10 =	sshrl.u32 s10, $0x2  }
0x25: {  	s10 =	sor.u32 s11, s10  }
0x26: {  	[tilespmem:s10+$0x9000] =	vst v0  }
0x27: {  	[spmem:s9] =	stream.linear.scatter [tilespmem:s0], [sflag:$0x2], $0x1000, $0x38;
	[tilespmem:$0x1E000] =	vst v63  }
0x28: {  	_ =	swait.ge [sflag:s30], $0x1000  }
0x29: {  	[sflag:s30] =	ssyncset.done $0x0  }
0x2a: {  	s7 =	rddreg [dreg:$0x6];
	[sflag:s30] =	ssyncadd.s32 $0xFFFFF000  }
0x2b: {  	[spmem:s7] =	stream.linear.scatter [tilespmem:s0], [sflag:$0x2], $0x1000, $0x38;
	[tilespmem:$0x1E000] =	vst v63  }
0x2c: {  	_ =	swait.ge [sflag:s30], $0x1000  }
0x2d: {  	[sflag:s30] =	ssyncset.done $0x0  }
0x2e: {  	s11 =	rddreg [dreg:$0x7];
	[sflag:s30] =	ssyncadd.s32 $0xFFFFF000  }
0x2f: {  	[spmem:s11] =	stream.linear.scatter [tilespmem:s0], [sflag:$0x2], $0x1000, $0x38;
	[tilespmem:$0x1E000] =	vst v63  }
0x30: {  	_ =	swait.ge [sflag:s30], $0x1000  }
0x31: {  	[sflag:s30] =	ssyncset.done $0x0  }
0x32: {  	s8 =	rddreg [dreg:$0x8];
	[sflag:s30] =	ssyncadd.s32 $0xFFFFF000  }
0x33: {  	[spmem:s8] =	stream.linear.scatter [tilespmem:s0], [sflag:$0x2], $0x1000, $0x38;
	[tilespmem:$0x1E000] =	vst v63  }
0x34: {  	_ =	swait.ge [sflag:s30], $0x1000  }
0x35: {  	[sflag:s30] =	ssyncset.done $0x0  }
0x36: {  	[sflag:s30] =	ssyncadd.s32 $0xFFFFF000  }
0x37: {  	[spmem:s12] =	stream.linear.scatter [tilespmem:s0], [sflag:$0x2], $0x1000, $0x38;
	[tilespmem:$0x1E000] =	vst v63  }
0x38: {  	_ =	swait.ge [sflag:s30], $0x1000  }
0x39: {  	[sflag:s30] =	ssyncset.done $0x0  }
0x3a: {  	[sflag:s30] =	ssyncadd.s32 $0xFFFFF000  }
0x3b: {  	[spmem:s13] =	stream.linear.scatter [tilespmem:s0], [sflag:$0x2], $0x1000, $0x38;
	[tilespmem:$0x1E000] =	vst v63  }
0x3c: {  	_ =	swait.ge [sflag:s30], $0x1000  }
0x3d: {  	[sflag:s30] =	ssyncset.done $0x0  }
0x3e: {  	[sflag:s30] =	ssyncadd.s32 $0xFFFFF000  }
0x3f: {  	[spmem:s14] =	stream.linear.scatter [tilespmem:s0], [sflag:$0x2], $0x1000, $0x38;
	[tilespmem:$0x1E000] =	vst v63  }
0x40: {  	_ =	swait.ge [sflag:s30], $0x1000  }
0x41: {  	[sflag:s30] =	ssyncset.done $0x0  }
0x42: {  	[sflag:s30] =	ssyncadd.s32 $0xFFFFF000  }
0x43: {  	[spmem:s15] =	stream.linear.scatter [tilespmem:s0], [sflag:$0x2], $0x1000, $0x38;
	[tilespmem:$0x1E000] =	vst v63  }
0x44: {  	_ =	swait.ge [sflag:s30], $0x1000  }
0x45: {  	[sflag:s30] =	ssyncset.done $0x0  }
0x46: {  	[sflag:s30] =	ssyncadd.s32 $0xFFFFF000  }
0x47: {  	[spmem:s16] =	stream.linear.scatter [tilespmem:s0], [sflag:$0x2], $0x1000, $0x38;
	[tilespmem:$0x1E000] =	vst v63  }
0x48: {  	_ =	swait.ge [sflag:s30], $0x1000  }
0x49: {  	[sflag:s30] =	ssyncset.done $0x0  }
0x4a: {  	[sflag:s30] =	ssyncadd.s32 $0xFFFFF000  }
0x4b: {  	[spmem:s17] =	stream.linear.scatter [tilespmem:s0], [sflag:$0x2], $0x1000, $0x38;
	[tilespmem:$0x1E000] =	vst v63  }
0x4c: {  	_ =	swait.ge [sflag:s30], $0x1000  }
0x4d: {  	[sflag:s30] =	ssyncset.done $0x0  }
0x4e: {  	[sflag:s30] =	ssyncadd.s32 $0xFFFFF000  }
0x4f: {  	[spmem:s18] =	stream.linear.scatter [tilespmem:s0], [sflag:$0x2], $0x1000, $0x38;
	[tilespmem:$0x1E000] =	vst v63  }
0x50: {  	_ =	swait.ge [sflag:s30], $0x1000  }
0x51: {  	[sflag:s30] =	ssyncset.done $0x0  }
0x52: {  	[sflag:s30] =	ssyncadd.s32 $0xFFFFF000  }
0x53: {  	[spmem:s19] =	stream.linear.scatter [tilespmem:s0], [sflag:$0x2], $0x1000, $0x38;
	[tilespmem:$0x1E000] =	vst v63  }
0x54: {  	_ =	swait.ge [sflag:s30], $0x1000  }
0x55: {  	[sflag:s30] =	ssyncset.done $0x0  }
0x56: {  	[sflag:s30] =	ssyncadd.s32 $0xFFFFF000  }
0x57: {  	[spmem:s20] =	stream.linear.scatter [tilespmem:s0], [sflag:$0x2], $0x1000, $0x38;
	[tilespmem:$0x1E000] =	vst v63  }
0x58: {  	_ =	swait.ge [sflag:s30], $0x1000  }
0x59: {  	[sflag:s30] =	ssyncset.done $0x0  }
0x5a: {  	[sflag:s30] =	ssyncadd.s32 $0xFFFFF000  }
0x5b: {  	[spmem:s21] =	stream.linear.scatter [tilespmem:s0], [sflag:$0x2], $0x1000, $0x38;
	[tilespmem:$0x1E000] =	vst v63  }
0x5c: {  	_ =	swait.ge [sflag:s30], $0x1000  }
0x5d: {  	[sflag:s30] =	ssyncset.done $0x0  }
0x5e: {  	[sflag:s30] =	ssyncadd.s32 $0xFFFFF000  }
0x5f: {  	[spmem:s22] =	stream.linear.scatter [tilespmem:s0], [sflag:$0x2], $0x1000, $0x38;
	[tilespmem:$0x1E000] =	vst v63  }
0x60: {  	_ =	swait.ge [sflag:s30], $0x1000  }
0x61: {  	[sflag:s30] =	ssyncset.done $0x0  }
0x62: {  	[sflag:s30] =	ssyncadd.s32 $0xFFFFF000  }
0x63: {  	[spmem:s23] =	stream.linear.scatter [tilespmem:s0], [sflag:$0x2], $0x1000, $0x38;
	[tilespmem:$0x1E000] =	vst v63  }
0x64: {  	_ =	swait.ge [sflag:s30], $0x1000  }
0x65: {  	[sflag:s30] =	ssyncset.done $0x0  }
0x66: {  	[sflag:s30] =	ssyncadd.s32 $0xFFFFF000  }
0x67: {  	[spmem:s24] =	stream.linear.scatter [tilespmem:s0], [sflag:$0x2], $0x1000, $0x38;
	[tilespmem:$0x1E000] =	vst v63  }
0x68: {  	_ =	swait.ge [sflag:s30], $0x1000  }
0x69: {  	[sflag:s30] =	ssyncset.done $0x0  }
0x6a: {  	[sflag:s30] =	ssyncadd.s32 $0xFFFFF000  }
0x6b: {  	[spmem:s26] =	stream.linear.scatter [tilespmem:s0], [sflag:$0x2], $0x1000, $0x38;
	[tilespmem:$0x1E000] =	vst v63  }
0x6c: {  	_ =	swait.ge [sflag:s30], $0x1000  }
0x6d: {  	[sflag:s30] =	ssyncset.done $0x0  }
0x6e: {  	[sflag:s30] =	ssyncadd.s32 $0xFFFFF000  }
0x6f: {  	[spmem:s28] =	stream.linear.scatter [tilespmem:s0], [sflag:$0x2], $0x1000, $0x38;
	[tilespmem:$0x1E000] =	vst v63  }
0x70: {  	_ =	swait.ge [sflag:s30], $0x1000  }
0x71: {  	[sflag:s30] =	ssyncset.done $0x0  }
0x72: {  	[sflag:s30] =	ssyncadd.s32 $0xFFFFF000  }
0x73: {  	[spmem:s29] =	stream.linear.scatter [tilespmem:s0], [sflag:$0x2], $0x1000, $0x38;
	[tilespmem:$0x1E000] =	vst v63  }
0x74: {  	_ =	swait.ge [sflag:s30], $0x1000  }
0x75: {  	[sflag:s30] =	ssyncset.done $0x0  }
0x76: {  	[sflag:s30] =	ssyncadd.s32 $0xFFFFF000  }
0x77: {  	s10 =	simm.s32 $0x0;
	[bflag:$0x0] =	sbarrier.arrive $0xFFFF  }
0x78: {  	[tilespmem:s31], [sflag:$0x1] =	stream.indirect.gather [hbm4b:s4+s2], $0x80, s10, s2, $0xb8;
	[tilespmem:$0x1E000] =	vst v63  }
0x79: {  	_ =	swait.ge [sflag:s5], $0x3E80  }
0x7a: {  	[sflag:s5] =	ssyncset.done $0x0  }
0x7b: {  	s11 =	simm.s32 $0x2800;
	[sflag:s5] =	ssyncadd.s32 $0xFFFFC180  }
0x7c: {  	[spmem:s1] =	stream.indirect.scatter.add.f32 [tilespmem:s31], [sflag:$0x2], $0x80, s11, s2, $0xb8;
	[tilespmem:$0x1E000] =	vst v63  }
0x7d: {  	_ =	swait.ge [sflag:s30], $0x3E80  }
0x7e: {  	s7 =	simm.s32 $0x400;
	s8 =	simm.s32 $0x200;
	[sflag:s30] =	ssyncset.done $0x0  }
.LBB2_4:
0x7f: {  	s10 =	sshra.s32 s8, $0x2  }
0x80: {  	[sflag:s30] =	ssyncadd.s32 $0xFFFFC180;
	s8 =	smov.u32 s7;
	s11 =	sadd.s32 $0x200, s7  }
0x81: {  	[tilespmem:s31], [sflag:$0x1] =	stream.indirect.gather [hbm4b:s4+s2], $0x80, s10, s2, $0xb8;
	[tilespmem:$0x1E000] =	vst v63  }
0x82: {  	p0 =	sne.s32 s7, $0x9E00;
	_ =	swait.ge [sflag:s5], $0x3E80  }
.Ltmp1:
0x83: {  	[sflag:s5] =	ssyncset.done $0x0;
	(pc) =	sbr.rel @p0 .LBB2_4-.Ltmp1, $4  }
0x84: {  	s7 =	sadd.s32 $0x2800, s10;
	[sflag:s5] =	ssyncadd.s32 $0xFFFFC180  }
0x85: {  	[spmem:s1] =	stream.indirect.scatter.add.f32 [tilespmem:s31], [sflag:$0x2], $0x80, s7, s2, $0xb8;
	[tilespmem:$0x1E000] =	vst v63  }
0x86: {  	_ =	swait.ge [sflag:s30], $0x3E80  }
0x87: {  	s7 =	smov.u32 s11;
	[sflag:s30] =	ssyncset.done $0x0  }
0x88: {  	s7 =	sshra.s32 s8, $0x2;
	[sflag:s30] =	ssyncadd.s32 $0xFFFFC180  }
0x89: {  	[tilespmem:s31], [sflag:$0x1] =	stream.indirect.gather [hbm4b:s4+s2], $0x80, s7, s2, $0xb8;
	[tilespmem:$0x1E000] =	vst v63  }
0x8a: {  	_ =	swait.ge [sflag:s5], $0x3E80  }
0x8b: {  	[sflag:s5] =	ssyncset.done $0x0  }
0x8c: {  	s7 =	sadd.s32 $0x2800, s7;
	[sflag:s5] =	ssyncadd.s32 $0xFFFFC180  }
0x8d: {  	[spmem:s1] =	stream.indirect.scatter.add.f32 [tilespmem:s31], [sflag:$0x2], $0x80, s7, s2, $0xb8;
	[tilespmem:$0x1E000] =	vst v63  }
0x8e: {  	_ =	swait.ge [sflag:s30], $0x3E80  }
0x8f: {  	[sflag:s30] =	ssyncset.done $0x0  }
0x90: {  	[sflag:s30] =	ssyncadd.s32 $0xFFFFC180  }
0x91: {  	[bflag:$0x0] =	sbarrier.arrive $0xFFFF  }
0x92: {  	[tilespmem:s0], [sflag:$0x2] =	stream.linear.gather [spmem:s9], $0x1000, $0x38;
	[tilespmem:$0x1E000] =	vst v63  }
0x93: {  	_ =	swait.ge [sflag:s30], $0x1000  }
0x94: {  	[sflag:s30] =	ssyncset.done $0x0  }
0x95: {  	s11 =	sadd.s32 $0x0, s25;
	[sflag:s30] =	ssyncadd.s32 $0xFFFFF000  }
0x96: {  	[hbm4b:s11+s3] =	stream.linear.scatter [tilespmem:s0], [sflag:$0x2], $0x1000, $0x38;
	[tilespmem:$0x1E000] =	vst v63  }
0x97: {  	_ =	swait.ge [sflag:s30], $0x1000  }
0x98: {  	s8 =	simm.s32 $0x200;
	s7 =	smov.u32 s9;
	[sflag:s30] =	ssyncset.done $0x0  }
.LBB2_6:
0x99: {  	p0 =	sne.s32 s8, $0x2600;
	[sflag:s30] =	ssyncadd.s32 $0xFFFFF000;
	s7 =	sadd.s32 $0x1000, s7  }
0x9a: {  	[tilespmem:s0], [sflag:$0x2] =	stream.linear.gather [spmem:s7], $0x1000, $0x38;
	[tilespmem:$0x1E000] =	vst v63  }
0x9b: {  	s10 =	smov.u32 s8;
	s8 =	sadd.s32 $0x200, s8;
	_ =	swait.ge [sflag:s30], $0x1000  }
.Ltmp2:
0x9c: {  	[sflag:s30] =	ssyncset.done $0x0;
	(pc) =	sbr.rel @p0 .LBB2_6-.Ltmp2, $4  }
0x9d: {  	s10 =	sadd.s32 s10, s25;
	[sflag:s30] =	ssyncadd.s32 $0xFFFFF000  }
0x9e: {  	[hbm4b:s10+s3] =	stream.linear.scatter [tilespmem:s0], [sflag:$0x2], $0x1000, $0x38;
	[tilespmem:$0x1E000] =	vst v63  }
0x9f: {  	_ =	swait.ge [sflag:s30], $0x1000  }
0xa0: {  	[sflag:s30] =	ssyncset.done $0x0  }
0xa1: {  	s6 =	sadd.s32 $0x1, s6;
	s7 =	rddreg [dreg:$0x5]  }
0xa2: {  	p0 =	sne.s32 s6, s7  }
.Ltmp3:
0xa3: {  	_ = 	snop;
	(pc) =	sbr.rel @p0 .LBB2_1-.Ltmp3, $2  }
0xa4: {  	_ =	sdelay $0x2  }
0xa5: {  	[sflag:s30] =	ssyncadd.s32 $0xFFFFF000  }
0xa6: {  	_ =	sfence.sel $0x180000  }
0xa7: {  	[bflag:$0x0] =	sbarrier.arrive $0xFFFF  }
0xa8: {  	_ =	strace $0x9000004D  }
0xa9: {  	s0 =	stileid.u32;
	[bflag:$0x2] =	sbarrier.arrive $0xFFFF  }
0xaa: {  	p0 =	sne.s32 s0, $0x0;
	s0 =	rddreg [dreg:$0x2]  }
0xab: {  	s0 =	sadd.s32 @!p0 $0x100000, s0  }
0xac: {  	[sflag:s0] =	ssyncadd.tile.s32 @!p0 $0x1;
	_ =	shalt  }
.Lfunc_end2:
_tile_overlayer_lowered:
.L_overlay_start_2:
0xad: {  	(tag) =	ssettag $0x2  }
0xae: {  	s0 =	rddreg [dreg:$0x0];
	s2 =	stileid.u32  }
0xaf: {  	s1 =	rddreg [dreg:$0x1];
	p0 =	sne.s32 s2, $0x0  }
0xb0: {  	s3 =	rddreg [dreg:$0x2];
	[bflag:$0x3] =	sbarrier.arrive $0xFFFF;
	s2 =	simm.s32 @!p0 $0x1C02  }
0xb1: {  	[timem:s3], [sflag:s2] =	dma.local @!p0 [hbm:s0], s1  }
0xb2: {  	s0 =	simm.s32 @!p0 $0x2  }
0xb3: {  	_ =	swait.ge @!p0 [sflag:s0], s1  }
0xb4: {  	s1 =	ssub.s32 @!p0 $0x0, s1;
	[sflag:s0] =	ssyncset.done @!p0 $0x0  }
0xb5: {  	[sflag:s0] =	ssyncadd.s32 @!p0 s1  }
0xb6: {  	[bflag:$0x3] =	sbarrier.arrive $0xFFFF  }
0xb7: {  	_ =	shalt  }

// kernel: kernel.9.cloned.1.call-start
scs
__scs_entry_jumppad:
0x0: {  	(pc) =	sbr.rel $0x88, $3  }
0x1: {  	(tag) =	ssettag $0x0;
	lr =	simm.s32 $0x1  }
0x2: {  	[smem:$0x3F8E] =	sst lr;
	_ =	strace $0xD0000000  }
0x3: {  	_ = 	snop  }
0x4: {  	_ = 	snop  }
0x5: {  	_ = 	snop  }
0x6: {  	_ = 	snop  }
0x7: {  	_ = 	snop  }
__scs_overlays_trampoline_lowered:
0x8: {  	[smem:$0x3F9D] =	sst s0  }
0x9: {  	[smem:$0x3F9E] =	sst s1  }
0xa: {  	[smem:$0x3F9F] =	sst s2  }
0xb: {  	[smem:$0x3FA0] =	sst s3  }
0xc: {  	[smem:$0x3FA1] =	sst s4  }
0xd: {  	[smem:$0x3FA2] =	sst s5  }
0xe: {  	[smem:$0x3FA3] =	sst s6  }
0xf: {  	[smem:$0x3FA4] =	sst s7  }
0x10: {  	[smem:$0x3FA5] =	sst s8  }
0x11: {  	[smem:$0x3FA6] =	sst s9;
	s0 =	simm.s32 @!p0 $0x0  }
0x12: {  	s1 =	sld [smem:$0x3F8C];
	s0 =	simm.s32 @p0 $0x1  }
0x13: {  	[smem:$0x3FA7] =	sst s0;
	s0 =	simm.s32 @!p1 $0x0  }
0x14: {  	s2 =	sld [smem:$0x3F8B];
	s0 =	simm.s32 @p1 $0x1  }
0x15: {  	[smem:$0x3FA8] =	sst s0;
	s0 =	simm.s32 @!p2 $0x0  }
0x16: {  	s3 =	sld [smem:$0x3FDB];
	s0 =	simm.s32 @p2 $0x1  }
0x17: {  	s4 =	simm.s32 $0x1BF5;
	[smem:$0x3FAA] =	sst s0  }
0x18: {  	s0 =	sld [smem:$0x3F8D];
	_ =	swait.ge [sflag:s4], $0x0  }
0x19: {  	s7 =	sld [smem:$0x3F8E]  }
0x1a: {  	s8 =	sadd.s32 $0xFFFFE003, lr  }
0x1b: {  	s9 =	sadd.s32 $0xFFFFFEF7, lr;
	s5 =	simm.s32 $0xFFFFFFFF;
	p2 =	slt.u32 s8, $0xFFFFF086  }
0x1c: {  	p1 =	slt.u32 s9, $0xF7A;
	s5 =	simm.s32 @!p2 $0x0  }
0x1d: {  	s5 =	simm.s32 @p1 $0x1;
	p0 =	seq.s32 s7, s2  }
0x1e: {  	s7 =	smul.u32 @!p0 $0xF7A, s2;
	p2 =	seq.s32 @!p0 s5, $0x0  }
0x1f: {  	s9 =	smul.u32 $0xF7A, s1;
	s8 =	simm.s32 @!p0 $0x1BF5;
	p2 =	por !p2, p0  }
0x20: {  	[sflag:s8] =	ssyncset.s32 @!p0 $0xFFFFF086;
	s6 =	sadd.s32 @!p0 s3, s7;
	s7 =	simm.s32 @!p0 $0x108  }
0x21: {  	s3 =	sadd.s32 s3, s9;
	s6 =	sadd.s32 @!p0 $0x88, s6;
	s7 =	simm.s32 @p2 $0x1082  }
0x22: {  	[simem:s7], [sflag:s8] =	dma.local @!p0 [hbm:s6], $0xF7A  }
0x23: {  	s9 =	sor.u32 $0xD0000000, s2;
	s6 =	simm.s32 $0x108;
	_ =	swait.ge @!p0 [sflag:s8], $0x0  }
0x24: {  	s3 =	sadd.s32 $0x88, s3;
	s6 =	simm.s32 @!p1 $0x1082;
	[sflag:s4] =	ssyncset.s32 $0xFFFFF086  }
0x25: {  	[simem:s6], [sflag:s4] =	dma.local [hbm:s3], $0xF7A  }
0x26: {  	[smem:$0x3F8E] =	sst s1;
	(tag) =	ssettag s2;
	_ =	strace s9  }
0x27: {  	s1 =	sld [smem:$0x3F9E]  }
0x28: {  	s2 =	sld [smem:$0x3F9F]  }
0x29: {  	s4 =	sld [smem:$0x3FA1]  }
0x2a: {  	p0 =	seq.s32 s5, $0x0;
	s5 =	sld [smem:$0x3FA2]  }
0x2b: {  	s6 =	sld [smem:$0x3FA3]  }
0x2c: {  	s7 =	sld [smem:$0x3FA4]  }
0x2d: {  	s3 =	simm.s32 $0x108;
	s8 =	sld [smem:$0x3FA5]  }
0x2e: {  	s3 =	simm.s32 @!p0 $0x1082;
	s9 =	sld [smem:$0x3FA6]  }
0x2f: {  	lr =	sadd.s32 s0, s3;
	s0 =	sld [smem:$0x3F9D]  }
0x30: {  	s3 =	sld [smem:$0x3FA0]  }
0x31: {  	[smem:$0x3FA9] =	sst s10  }
0x32: {  	s10 =	sld [smem:$0x3FA7];
	_ =	sdelay $0x3  }
0x33: {  	p0 =	seq.s32 s10, $0x1;
	s10 =	sld [smem:$0x3FA9];
	_ =	sdelay $0x3  }
0x34: {  	[smem:$0x3FA9] =	sst s10  }
0x35: {  	s10 =	sld [smem:$0x3FA8];
	_ =	sdelay $0x3  }
0x36: {  	p1 =	seq.s32 s10, $0x1;
	s10 =	sld [smem:$0x3FA9];
	_ =	sdelay $0x3  }
0x37: {  	[smem:$0x3FA9] =	sst s10  }
0x38: {  	s10 =	sld [smem:$0x3FAA]  }
0x39: {  	_ = 	snop;
	(pc) =	sbr.ind lr, $3  }
0x3a: {  	_ = 	snop  }
0x3b: {  	_ = 	snop  }
0x3c: {  	p2 =	seq.s32 s10, $0x1;
	s10 =	sld [smem:$0x3FA9]  }
0x3d: {  	_ =	shalt  }
0x3e: {  	_ =	shalt  }
0x3f: {  	_ =	shalt  }
0x40: {  	_ =	shalt  }
0x41: {  	_ =	shalt  }
0x42: {  	_ =	shalt  }
0x43: {  	_ =	shalt  }
0x44: {  	_ =	shalt  }
0x45: {  	_ =	shalt  }
0x46: {  	_ =	shalt  }
0x47: {  	_ =	shalt  }
0x48: {  	_ =	shalt  }
0x49: {  	_ =	shalt  }
0x4a: {  	_ =	shalt  }
0x4b: {  	_ =	shalt  }
0x4c: {  	_ =	shalt  }
0x4d: {  	_ =	shalt  }
0x4e: {  	_ =	shalt  }
0x4f: {  	_ =	shalt  }
0x50: {  	_ =	shalt  }
0x51: {  	_ =	shalt  }
0x52: {  	_ =	shalt  }
0x53: {  	_ =	shalt  }
0x54: {  	_ =	shalt  }
0x55: {  	_ =	shalt  }
0x56: {  	_ =	shalt  }
0x57: {  	_ =	shalt  }
0x58: {  	_ =	shalt  }
0x59: {  	_ =	shalt  }
0x5a: {  	_ =	shalt  }
0x5b: {  	_ =	shalt  }
0x5c: {  	_ =	shalt  }
0x5d: {  	_ =	shalt  }
0x5e: {  	_ =	shalt  }
0x5f: {  	_ =	shalt  }
0x60: {  	_ =	shalt  }
0x61: {  	_ =	shalt  }
0x62: {  	_ =	shalt  }
0x63: {  	_ =	shalt  }
0x64: {  	_ =	shalt  }
0x65: {  	_ =	shalt  }
0x66: {  	_ =	shalt  }
0x67: {  	_ =	shalt  }
0x68: {  	_ =	shalt  }
0x69: {  	_ =	shalt  }
0x6a: {  	_ =	shalt  }
0x6b: {  	_ =	shalt  }
0x6c: {  	_ =	shalt  }
0x6d: {  	_ =	shalt  }
0x6e: {  	_ =	shalt  }
0x6f: {  	_ =	shalt  }
0x70: {  	_ =	shalt  }
0x71: {  	_ =	shalt  }
0x72: {  	_ =	shalt  }
0x73: {  	_ =	shalt  }
0x74: {  	_ =	shalt  }
0x75: {  	_ =	shalt  }
0x76: {  	_ =	shalt  }
0x77: {  	_ =	shalt  }
0x78: {  	_ =	shalt  }
0x79: {  	_ =	shalt  }
0x7a: {  	_ =	shalt  }
0x7b: {  	_ =	shalt  }
0x7c: {  	_ =	shalt  }
0x7d: {  	_ =	shalt  }
0x7e: {  	_ =	shalt  }
0x7f: {  	_ =	shalt  }
0x80: {  	_ =	shalt  }
0x81: {  	_ =	shalt  }
0x82: {  	_ =	shalt  }
0x83: {  	_ =	shalt  }
0x84: {  	_ =	shalt  }
0x85: {  	_ =	shalt  }
0x86: {  	_ =	shalt  }
0x87: {  	_ =	shalt  }
.Lfunc_end0:
.L_simem_size_0:
called_computation_lowered:
.L_overlay_start_0:
0x88: {  	s2 =	sld [smem:$0x3FD9]  }
0x89: {  	s3 =	sld [smem:$0x3FFE];
	_ =	sdelay $0x1  }
0x8a: {  	s1 =	srdreg.scid  }
0x8b: {  	s0 =	sand.u32 $0x1, s1  }
0x8c: {  	s16 =	sshll.u32 s0, $0xA;
	s2 =	sadd.s32 s3, s2  }
0x8d: {  	s2 =	sadd.s32 s2, s16  }
0x8e: {  	[smem:$0x3FB5] =	sst s2  }
0x8f: {  	_ = 	snop  }
0x90: {  	(tm) =	ssettm $0x1  }
0x91: {  	s17 =	sld [smem:$0x3FFB];
	_ =	sdelay $0x3  }
0x92: {  	_ =	strace s17  }
0x93: {  	s2 =	sld [smem:$0x3FFC];
	_ =	sdelay $0x3  }
0x94: {  	_ =	strace s2  }
0x95: {  	s2 =	sld [smem:$0x3FFD];
	_ =	sdelay $0x3  }
0x96: {  	_ =	strace s2  }
0x97: {  	_ =	strace $0x8FFFFFFF  }
0x98: {  	s18 =	sld [smem:$0x3FDB];
	_ =	sdelay $0x1  }
0x99: {  	s19 =	simm.s32 $_scs_section_size  }
0x9a: {  	s4 =	simm.s32 $_size__tile_overlayer_lowered;
	s5 =	simm.s32 $_tile_overlayer_lowered  }
0x9b: {  	s22 =	simm.s32 $0x1BFF;
	s21 =	sshll.u32 s5, $0x1;
	s2 =	sadd.s32 s19, s18  }
0x9c: {  	s6 =	simm.s32 $0x0;
	s20 =	sshll.u32 s4, $0x1;
	s4 =	sadd.s32 s21, s2  }
0x9d: {  	[timem:s6], [sflag:s22] =	dma.local [hbm:s4], s20  }
0x9e: {  	_ =	swait.ge [sflag:s22], s20  }
0x9f: {  	s3 =	ssub.s32 $0x0, s20;
	[sflag:s22] =	ssyncset.done $0x0  }
0xa0: {  	[sflag:s22] =	ssyncadd.s32 s3;
	_ =	sdelay $0x1  }
0xa1: {  	s23 =	simm.s32 $0x1B8B  }
0xa2: {  	_ =	swait.ge [sflag:s23], $0x1  }
0xa3: {  	[sflag:s23] =	ssyncset.done $0x0  }
0xa4: {  	s25 =	simm.s32 $0x1B8E;
	s24 =	sld [smem:$0x3FFE];
	[sflag:s23] =	ssyncadd.s32 $0xFFFFFFFF  }
0xa5: {  	s26 =	simm.s32 $execute0_lowered;
	[smem:$0x3FD2] =	sst s25  }
0xa6: {  	s4 =	sshll.u32 s26, $0x1;
	_ =	strace $0x80000046;
	[dreg:$0x1] =	wrdreg $0xFFFFFFFF  }
0xa7: {  	s28 =	simm.s32 $_size_execute0_lowered;
	s2 =	sadd.s32 s2, s4;
	[dreg:$0x0] =	wrdreg $0x0  }
0xa8: {  	s4 =	sshll.u32 s28, $0x1;
	[dreg:$0x2] =	wrdreg s2  }
0xa9: {  	[dreg:$0x3] =	wrdreg s4  }
0xaa: {  	[dreg:$0x4] =	wrdreg $0xC0  }
0xab: {  	_ =	task [dreg:s6], $0x5FFFF  }
0xac: {  	[dreg:$0x1] =	wrdreg $0xFFFFFFFF  }
0xad: {  	[dreg:$0x0] =	wrdreg $0x60  }
0xae: {  	[dreg:$0x2] =	wrdreg s24  }
0xaf: {  	[dreg:$0x3] =	wrdreg $0x43000  }
0xb0: {  	[dreg:$0x4] =	wrdreg $0x9  }
0xb1: {  	_ =	task.clear_ibuf [dreg:s6], $0x5FFFF;
	_ =	strace $0x90000046  }
0xb2: {  	s29 =	simm.s32 $0x9;
	_ =	strace $0x80000048  }
0xb3: {  	_ =	swait.ge [sflag:s29], $0x1  }
0xb4: {  	[sflag:s29] =	ssyncadd.s32 $0xFFFFFFFF  }
0xb5: {  	_ =	strace $0x90000048  }
0xb6: {  	_ =	sfence  }
0xb7: {  	s30 =	sld [smem:$0x0];
	_ =	sdelay $0x2  }
0xb8: {  	s31 =	sshll.u32 s1, $0xD;
	s1 =	sshrl.u32 s1, $0x2  }
0xb9: {  	s3 =	sand.u32 $0x4000, s31;
	s1 =	sadd.s32 s1, s30  }
0xba: {  	s0 =	sor.u32 s3, s0;
	s1 =	sshll.u32 s1, $0x11  }
0xbb: {  	s0 =	sor.u32 s1, s0  }
0xbc: {  	s0 =	sadd.s32 $0x8F2B, s0  }
0xbd: {  	[sflag:s0] =	ssyncadd.remote.s32 $0x1  }
0xbe: {  	_ =	sfence.sel $0xFFFF  }
0xbf: {  	[dreg:$0x0] =	wrdreg $0xFFFFFFFF;
	(pc) =	sbr.abs _section_cstart, $3  }
0xc0: {  	[dreg:$0x1] =	wrdreg $0xFFFFFFFF  }
0xc1: {  	_ =	task.clear_ibuf [dreg:s6], $0x2FFFF;
	_ =	strace $0x9FFFFFFF  }
0xc2: {  	(tm) =	ssettm $0x7FFFFFFF  }
0xc3: {  	_ =	shalt  }
tec
execute0_lowered:
.L_overlay_start_1:
0x0: {  	(tag) =	ssettag $0x1  }
0x1: {  	s4 =	rddreg [dreg:$0x0]  }
0x2: {  	s2 =	rddreg [dreg:$0x1]  }
0x3: {  	s0 =	rddreg [dreg:$0x2]  }
0x4: {  	s5 =	srdreg.scid;
	s1 =	stileid.u32  }
0x5: {  	s3 =	simm.s32 $0x0;
	s11 =	simm.s32 $0x4000;
	s12 =	simm.s32 $0x80  }
0x6: {  	s13 =	simm.s32 $0x100;
	s14 =	simm.s32 $0x180;
	s15 =	simm.s32 $0x200  }
0x7: {  	s16 =	simm.s32 $0x1;
	s17 =	simm.s32 $0x2;
	s18 =	simm.s32 $0x3  }
0x8: {  	s19 =	simm.s32 $0x4;
	s20 =	simm.s32 $0x5;
	s21 =	simm.s32 $0x0  }
0x9: {  	s5 =	sand.u32 $0x1, s5;
	s6 =	smul.u32 $0x500, s1;
	[smem:$0x7FF] =	sst s3  }
0xa: {  	s28 =	smul.u32 $0xA00, s1;
	s9 =	sshll.u32 s1, $0xC;
	s7 =	sshll.u32 s5, $0xB  }
0xb: {  	s8 =	sshll.u32 s5, $0x7;
	_ =	strace $0x80000047;
	s5 =	ssub.s32 $0x2, s5  }
0xc: {  	s7 =	sadd.s32 s7, s4;
	s6 =	sor.u32 s8, s6;
	s29 =	sshrl.u32 s5, $0x1  }
0xd: {  	s31 =	sshrl.u32 s28, $0x2;
	s8 =	simm.s32 $0x6;
	s6 =	sshrl.u32 s6, $0x3  }
0xe: {  	s10 =	ssub.s32 s5, s29;
	s30 =	sadd.s32 s9, s7;
	s5 =	sadd.s32 s31, s2  }
0xf: {  	s9 =	simm.s32 $0x4080;
	s6 =	sadd.s32 s6, s4;
	s4 =	sadd.s32 $0x3A00, s30  }
0x10: {  	v0 =	vimm.f32 $0.0e+00;
	v1 =	vimm.f32 $1.000000000e+00;
	s7 =	smax.u32 s10, $0x1;
	s10 =	simm.s32 $0x50;
	s6 =	sadd.s32 $0x13A00, s6  }
.LBB2_1:
0x11: {  	[tilespmem:$0x4080] =	vst v0  }
0x12: {  	[tilespmem:$0x4090] =	vst v0  }
0x13: {  	[tilespmem:$0x40A0] =	vst v0  }
0x14: {  	[tilespmem:$0x40B0] =	vst v0  }
0x15: {  	[tilespmem:$0x40C0] =	vst v0  }
0x16: {  	[tilespmem:$0x40D0] =	vst v0  }
0x17: {  	[tilespmem:$0x40E0] =	vst v0  }
0x18: {  	[tilespmem:$0x40F0] =	vst v0  }
0x19: {  	[tilespmem:$0x4100] =	vst v0  }
0x1a: {  	[tilespmem:$0x4110] =	vst v0  }
0x1b: {  	[tilespmem:$0x4120] =	vst v0  }
0x1c: {  	[tilespmem:$0x4130] =	vst v0  }
0x1d: {  	[tilespmem:$0x4140] =	vst v0  }
0x1e: {  	[tilespmem:$0x4150] =	vst v0  }
0x1f: {  	[tilespmem:$0x4160] =	vst v0  }
0x20: {  	[tilespmem:$0x4170] =	vst v0  }
0x21: {  	[tilespmem:$0x4180] =	vst v0  }
0x22: {  	[tilespmem:$0x4190] =	vst v0  }
0x23: {  	[tilespmem:$0x41A0] =	vst v0  }
0x24: {  	[tilespmem:$0x41B0] =	vst v0  }
0x25: {  	[tilespmem:$0x41C0] =	vst v0  }
0x26: {  	[tilespmem:$0x41D0] =	vst v0  }
0x27: {  	[tilespmem:$0x41E0] =	vst v0  }
0x28: {  	[tilespmem:$0x41F0] =	vst v0  }
0x29: {  	[tilespmem:$0x4200] =	vst v0  }
0x2a: {  	[tilespmem:$0x4210] =	vst v0  }
0x2b: {  	[tilespmem:$0x4220] =	vst v0  }
0x2c: {  	[tilespmem:$0x4230] =	vst v0  }
0x2d: {  	[tilespmem:$0x4240] =	vst v0  }
0x2e: {  	[tilespmem:$0x4250] =	vst v0  }
0x2f: {  	[tilespmem:$0x4260] =	vst v0  }
0x30: {  	[tilespmem:$0x4270] =	vst v0  }
0x31: {  	[tilespmem:$0x4280] =	vst v0  }
0x32: {  	[tilespmem:$0x4290] =	vst v0  }
0x33: {  	[tilespmem:$0x42A0] =	vst v0  }
0x34: {  	[tilespmem:$0x42B0] =	vst v0  }
0x35: {  	[tilespmem:$0x42C0] =	vst v0  }
0x36: {  	[tilespmem:$0x42D0] =	vst v0  }
0x37: {  	[tilespmem:$0x42E0] =	vst v0  }
0x38: {  	[tilespmem:$0x42F0] =	vst v0  }
0x39: {  	[tilespmem:$0x4000] =	vst v1  }
0x3a: {  	[tilespmem:$0x4010] =	vst v1  }
0x3b: {  	[tilespmem:$0x4020] =	vst v1  }
0x3c: {  	[tilespmem:$0x4030] =	vst v1  }
0x3d: {  	[tilespmem:$0x4040] =	vst v1  }
0x3e: {  	[tilespmem:s3], [sflag:$0x6] =	stream.linear.gather [hbm4b:s4+s3], $0x3E80, $0x38;
	[tilespmem:$0x4580] =	vst v63  }
0x3f: {  	_ =	swait.ge [sflag:s8], $0x3E80  }
0x40: {  	[sflag:s8] =	ssyncset.done $0x0  }
0x41: {  	[sflag:s8] =	ssyncadd.s32 $0xFFFFC180  }
0x42: {  	[spmem:s5] =	stream.linear.scatter [tilespmem:s9], [sflag:$0x6], $0x280, $0x38;
	[tilespmem:$0x4580] =	vst v63  }
0x43: {  	_ =	swait.ge [sflag:s8], $0x280  }
0x44: {  	[sflag:s8] =	ssyncset.done $0x0  }
0x45: {  	[sflag:s8] =	ssyncadd.s32 $0xFFFFFD80  }
0x46: {  	[bflag:$0x0] =	sbarrier.arrive $0xFFFF  }
0x47: {  	[spmem:s2] =	stream.indirect.scatter.add.f32 [tilespmem:s11], [sflag:$0x1], $0x1, s3, s10, $0xb8;
	[tilespmem:$0x4580] =	vst v63  }
0x48: {  	_ = 	snop  }
0x49: {  	[spmem:s2] =	stream.indirect.scatter.add.f32 [tilespmem:s11], [sflag:$0x2], $0x1, s12, s10, $0xb8;
	[tilespmem:$0x4580] =	vst v63  }
0x4a: {  	_ = 	snop  }
0x4b: {  	[spmem:s2] =	stream.indirect.scatter.add.f32 [tilespmem:s11], [sflag:$0x3], $0x1, s13, s10, $0xb8;
	[tilespmem:$0x4580] =	vst v63  }
0x4c: {  	_ = 	snop  }
0x4d: {  	[spmem:s2] =	stream.indirect.scatter.add.f32 [tilespmem:s11], [sflag:$0x4], $0x1, s14, s10, $0xb8;
	[tilespmem:$0x4580] =	vst v63  }
0x4e: {  	_ = 	snop  }
0x4f: {  	[spmem:s2] =	stream.indirect.scatter.add.f32 [tilespmem:s11], [sflag:$0x5], $0x1, s15, s10, $0xb8;
	[tilespmem:$0x4580] =	vst v63  }
0x50: {  	_ =	swait.ge [sflag:s16], $0x50  }
0x51: {  	[sflag:s16] =	ssyncset.done $0x0  }
0x52: {  	s22 =	simm.s32 $0x280;
	[sflag:s16] =	ssyncadd.s32 $0xFFFFFFB0  }
0x53: {  	[spmem:s2] =	stream.indirect.scatter.add.f32 [tilespmem:s11], [sflag:$0x1], $0x1, s22, s10, $0xb8;
	[tilespmem:$0x4580] =	vst v63  }
0x54: {  	_ =	swait.ge [sflag:s17], $0x50  }
0x55: {  	[sflag:s17] =	ssyncset.done $0x0  }
0x56: {  	s29 =	simm.s32 $0x300;
	[sflag:s17] =	ssyncadd.s32 $0xFFFFFFB0  }
0x57: {  	[spmem:s2] =	stream.indirect.scatter.add.f32 [tilespmem:s11], [sflag:$0x2], $0x1, s29, s10, $0xb8;
	[tilespmem:$0x4580] =	vst v63  }
0x58: {  	_ =	swait.ge [sflag:s18], $0x50  }
0x59: {  	[sflag:s18] =	ssyncset.done $0x0  }
0x5a: {  	s30 =	simm.s32 $0x380;
	[sflag:s18] =	ssyncadd.s32 $0xFFFFFFB0  }
0x5b: {  	[spmem:s2] =	stream.indirect.scatter.add.f32 [tilespmem:s11], [sflag:$0x3], $0x1, s30, s10, $0xb8;
	[tilespmem:$0x4580] =	vst v63  }
0x5c: {  	_ =	swait.ge [sflag:s19], $0x50  }
0x5d: {  	[sflag:s19] =	ssyncset.done $0x0  }
0x5e: {  	s31 =	simm.s32 $0x400;
	[sflag:s19] =	ssyncadd.s32 $0xFFFFFFB0  }
0x5f: {  	[spmem:s2] =	stream.indirect.scatter.add.f32 [tilespmem:s11], [sflag:$0x4], $0x1, s31, s10, $0xb8;
	[tilespmem:$0x4580] =	vst v63  }
0x60: {  	_ =	swait.ge [sflag:s20], $0x50  }
0x61: {  	[sflag:s20] =	ssyncset.done $0x0  }
0x62: {  	s23 =	simm.s32 $0x480;
	s22 =	simm.s32 $0xFFFF1A00;
	[sflag:s20] =	ssyncadd.s32 $0xFFFFFFB0  }
.LBB2_2:
0x63: {  	[spmem:s2] =	stream.indirect.scatter.add.f32 [tilespmem:s11], [sflag:$0x5], $0x1, s23, s10, $0xb8;
	[tilespmem:$0x4580] =	vst v63  }
0x64: {  	s23 =	smov.u32 s22  }
0x65: {  	p0 =	sne.s32 s22, $0xFFFFF600;
	s22 =	sadd.s32 $0xA00, s22;
	_ =	swait.ge [sflag:s16], $0x50  }
0x66: {  	s23 =	sshra.s32 s23, $0x2;
	[sflag:s16] =	ssyncset.done $0x0  }
0x67: {  	s24 =	sadd.s32 $0x3E80, s23;
	[sflag:s16] =	ssyncadd.s32 $0xFFFFFFB0  }
0x68: {  	[spmem:s2] =	stream.indirect.scatter.add.f32 [tilespmem:s11], [sflag:$0x1], $0x1, s24, s10, $0xb8;
	[tilespmem:$0x4580] =	vst v63  }
0x69: {  	_ =	swait.ge [sflag:s17], $0x50  }
0x6a: {  	[sflag:s17] =	ssyncset.done $0x0  }
0x6b: {  	s24 =	sadd.s32 $0x3F00, s23;
	[sflag:s17] =	ssyncadd.s32 $0xFFFFFFB0  }
0x6c: {  	[spmem:s2] =	stream.indirect.scatter.add.f32 [tilespmem:s11], [sflag:$0x2], $0x1, s24, s10, $0xb8;
	[tilespmem:$0x4580] =	vst v63  }
0x6d: {  	_ =	swait.ge [sflag:s18], $0x50  }
0x6e: {  	[sflag:s18] =	ssyncset.done $0x0  }
0x6f: {  	s24 =	sadd.s32 $0x3F80, s23;
	[sflag:s18] =	ssyncadd.s32 $0xFFFFFFB0  }
0x70: {  	[spmem:s2] =	stream.indirect.scatter.add.f32 [tilespmem:s11], [sflag:$0x3], $0x1, s24, s10, $0xb8;
	[tilespmem:$0x4580] =	vst v63  }
0x71: {  	_ =	swait.ge [sflag:s19], $0x50  }
0x72: {  	[sflag:s19] =	ssyncset.done $0x0  }
.Ltmp0:
0x73: {  	s24 =	sadd.s32 $0x4000, s23;
	[sflag:s19] =	ssyncadd.s32 $0xFFFFFFB0;
	(pc) =	sbr.rel @p0 .LBB2_2-.Ltmp0, $4  }
0x74: {  	[spmem:s2] =	stream.indirect.scatter.add.f32 [tilespmem:s11], [sflag:$0x4], $0x1, s24, s10, $0xb8;
	[tilespmem:$0x4580] =	vst v63  }
0x75: {  	_ =	swait.ge [sflag:s20], $0x50  }
0x76: {  	[sflag:s20] =	ssyncset.done $0x0  }
0x77: {  	s23 =	sadd.s32 $0x4080, s23;
	[sflag:s20] =	ssyncadd.s32 $0xFFFFFFB0  }
0x78: {  	[spmem:s2] =	stream.indirect.scatter.add.f32 [tilespmem:s11], [sflag:$0x5], $0x1, s23, s10, $0xb8;
	[tilespmem:$0x4580] =	vst v63  }
0x79: {  	_ =	swait.ge [sflag:s16], $0x50  }
0x7a: {  	[sflag:s16] =	ssyncset.done $0x0  }
0x7b: {  	[sflag:s16] =	ssyncadd.s32 $0xFFFFFFB0  }
0x7c: {  	_ =	swait.ge [sflag:s17], $0x50  }
0x7d: {  	[sflag:s17] =	ssyncset.done $0x0  }
0x7e: {  	[sflag:s17] =	ssyncadd.s32 $0xFFFFFFB0  }
0x7f: {  	_ =	swait.ge [sflag:s18], $0x50  }
0x80: {  	[sflag:s18] =	ssyncset.done $0x0  }
0x81: {  	[sflag:s18] =	ssyncadd.s32 $0xFFFFFFB0  }
0x82: {  	_ =	swait.ge [sflag:s19], $0x50  }
0x83: {  	[sflag:s19] =	ssyncset.done $0x0  }
0x84: {  	[sflag:s19] =	ssyncadd.s32 $0xFFFFFFB0  }
0x85: {  	_ =	swait.ge [sflag:s20], $0x50  }
0x86: {  	[sflag:s20] =	ssyncset.done $0x0  }
0x87: {  	[sflag:s20] =	ssyncadd.s32 $0xFFFFFFB0  }
0x88: {  	[bflag:$0x0] =	sbarrier.arrive $0xFFFF  }
0x89: {  	[tilespmem:s9], [sflag:$0x6] =	stream.linear.gather [spmem:s5], $0x280, $0x38;
	[tilespmem:$0x4580] =	vst v63  }
0x8a: {  	s21 =	sadd.s32 $0x1, s21;
	_ =	swait.ge [sflag:s8], $0x280  }
0x8b: {  	p0 =	sne.s32 s21, s7;
	[sflag:s8] =	ssyncset.done $0x0  }
.Ltmp1:
0x8c: {  	[sflag:s8] =	ssyncadd.s32 $0xFFFFFD80;
	(pc) =	sbr.rel @p0 .LBB2_1-.Ltmp1, $4  }
0x8d: {  	[hbm4b:s6+s12] =	stream.strided.scatter [tilespmem:s9], [sflag:$0x6], $0x280, s13, s12, $0x38;
	[tilespmem:$0x4580] =	vst v63  }
0x8e: {  	_ =	swait.ge [sflag:s8], $0x280  }
0x8f: {  	[sflag:s8] =	ssyncset.done $0x0  }
0x90: {  	[sflag:s8] =	ssyncadd.s32 $0xFFFFFD80  }
0x91: {  	_ =	sfence.sel $0x180000  }
0x92: {  	[bflag:$0x0] =	sbarrier.arrive $0xFFFF  }
0x93: {  	p0 =	sne.s32 s1, $0x0;
	_ =	strace $0x90000047  }
0x94: {  	s0 =	sadd.s32 @!p0 $0x100000, s0;
	[bflag:$0x2] =	sbarrier.arrive $0xFFFF  }
0x95: {  	[sflag:s0] =	ssyncadd.tile.s32 @!p0 $0x1;
	_ =	shalt  }
.Lfunc_end2:
_tile_overlayer_lowered:
.L_overlay_start_2:
0x96: {  	(tag) =	ssettag $0x2  }
0x97: {  	s0 =	rddreg [dreg:$0x0];
	s2 =	stileid.u32  }
0x98: {  	s1 =	rddreg [dreg:$0x1];
	p0 =	sne.s32 s2, $0x0  }
0x99: {  	s3 =	rddreg [dreg:$0x2];
	[bflag:$0x3] =	sbarrier.arrive $0xFFFF;
	s2 =	simm.s32 @!p0 $0x1C06  }
0x9a: {  	[timem:s3], [sflag:s2] =	dma.local @!p0 [hbm:s0], s1  }
0x9b: {  	s0 =	simm.s32 @!p0 $0x6  }
0x9c: {  	_ =	swait.ge @!p0 [sflag:s0], s1  }
0x9d: {  	s1 =	ssub.s32 @!p0 $0x0, s1;
	[sflag:s0] =	ssyncset.done @!p0 $0x0  }
0x9e: {  	[sflag:s0] =	ssyncadd.s32 @!p0 s1  }
0x9f: {  	[bflag:$0x3] =	sbarrier.arrive $0xFFFF  }
0xa0: {  	_ =	shalt  }

</sc_bundles>
